<compile_context>
chip_gen: v7x
topology: tpu7x:2x2x1
jax: 0.10.2.dev20260603
libtpu: 0.0.44.dev20260713+nightly
codegen_flags: <defaults>
</compile_context>

<pallas_src>
import functools

import jax
import jax.numpy as jnp
from jax import lax
from jax.experimental import pallas as pl
from jax.experimental.pallas import tpu as pltpu
from jax.experimental.pallas import tpu_sc as plsc

N = 10000
E = 320000
B = 128
IN_F = 128
HID_F = 64

NP = 10240
NC = 2
NS = 16
NW = NC * NS
CW = 128
EROWS = E // CW
CHUNKS = EROWS // NW
XTRA = EROWS - NW * CHUNKS
ROWS_PER_TILE = NP // NS
RB = 1024
NBLK = NP // RB



def _deg_body(ei_hbm, out_hbm, idx_d, ones_v, sem, acc):
    cid = lax.axis_index("c")
    sid = lax.axis_index("s")
    wid = cid * NS + sid
    nch = CHUNKS + (wid < XTRA).astype(jnp.int32)
    pltpu.sync_copy(ei_hbm.at[1, pl.ds(wid * CHUNKS, CHUNKS)],
                    idx_d.at[pl.ds(0, CHUNKS)])

    @pl.when(wid < XTRA)
    def _():
        pltpu.sync_copy(ei_hbm.at[1, pl.ds(NW * CHUNKS + wid, 1)],
                        idx_d.at[pl.ds(CHUNKS, 1)])

    @pl.loop(0, CW)
    def _zero(r):
        ones_v[r, :] = jnp.zeros((16,), jnp.float32)

    @pl.loop(0, ROWS_PER_TILE // CW)
    def _zcopy(k):
        pltpu.sync_copy(ones_v, acc.at[pl.ds(sid * ROWS_PER_TILE + k * CW, CW)])

    @pl.loop(0, CW)
    def _refill(r):
        ones_v[r, :] = jnp.full((16,), 1.0, jnp.float32)

    plsc.subcore_barrier()

    @pl.loop(0, nch)
    def _scatter(j):
        pltpu.sync_copy(ones_v, acc.at[idx_d.at[j]], add=True)

    plsc.subcore_barrier()
    pltpu.sync_copy(acc.at[pl.ds(sid * ROWS_PER_TILE, ROWS_PER_TILE)],
                    out_hbm.at[cid, pl.ds(sid * ROWS_PER_TILE, ROWS_PER_TILE)])


@functools.cache
def _get_sc_deg():
    mesh = plsc.VectorSubcoreMesh(core_axis_name="c", subcore_axis_name="s")
    return pl.kernel(
        _deg_body,
        out_type=jax.ShapeDtypeStruct((NC, NP, 16), jnp.float32),
        mesh=mesh,
        compiler_params=pltpu.CompilerParams(use_tc_tiling_on_sc=False),
        scratch_types=[
            pltpu.VMEM((CHUNKS + 1, CW), jnp.int32),
            pltpu.VMEM((CW, 16), jnp.float32),
            pltpu.SemaphoreType.DMA,
            pltpu.VMEM_SHARED((NP, 16), jnp.float32),
        ],
    )


def _edge_body(u_hbm, ei_hbm, out_hbm, idx_s, idx_d,
               gsemA, gsemB, ssemA, ssemB, ustage, acc):
    pl.run_scoped(
        functools.partial(_edge_inner, u_hbm, ei_hbm, out_hbm,
                          gsemA, gsemB, ssemA, ssemB, ustage, acc,
                          idx_s, idx_d),
        pltpu.VMEM((2, CW, HID_F), jnp.float32),
    )


def _edge_inner(u_hbm, ei_hbm, out_hbm, gsemA, gsemB, ssemA, ssemB,
                ustage, acc, idx_s, idx_d, rows):
    cid = lax.axis_index("c")
    sid = lax.axis_index("s")
    wid = cid * NS + sid
    nch = CHUNKS + (wid < XTRA).astype(jnp.int32)
    pltpu.sync_copy(ei_hbm.at[0, pl.ds(wid * CHUNKS, CHUNKS)],
                    idx_s.at[pl.ds(0, CHUNKS)])
    pltpu.sync_copy(ei_hbm.at[1, pl.ds(wid * CHUNKS, CHUNKS)],
                    idx_d.at[pl.ds(0, CHUNKS)])

    @pl.when(wid < XTRA)
    def _():
        pltpu.sync_copy(ei_hbm.at[0, pl.ds(NW * CHUNKS + wid, 1)],
                        idx_s.at[pl.ds(CHUNKS, 1)])
        pltpu.sync_copy(ei_hbm.at[1, pl.ds(NW * CHUNKS + wid, 1)],
                        idx_d.at[pl.ds(CHUNKS, 1)])

    pltpu.sync_copy(u_hbm.at[pl.ds(sid * ROWS_PER_TILE, ROWS_PER_TILE)],
                    ustage.at[pl.ds(sid * ROWS_PER_TILE, ROWS_PER_TILE)])

    @pl.loop(0, CW)
    def _zero(r):
        for c in range(HID_F // 16):
            rows[0, r, pl.ds(c * 16, 16)] = jnp.zeros((16,), jnp.float32)

    @pl.loop(0, ROWS_PER_TILE // CW)
    def _zcopy(k):
        pltpu.sync_copy(rows.at[0],
                        acc.at[pl.ds(sid * ROWS_PER_TILE + k * CW, CW)])

    plsc.subcore_barrier()

    pltpu.async_copy(ustage.at[idx_s.at[0]], rows.at[0], gsemA)

    @pl.loop(0, nch)
    def _chunk(j):
        b = jnp.bitwise_and(j, 1)
        pltpu.make_async_copy(ustage.at[idx_s.at[j]], rows.at[b], gsemA).wait()

        @pl.when(j > 0)
        def _():
            pltpu.make_async_copy(rows.at[1 - b], acc.at[idx_d.at[j - 1]],
                                  ssemA).wait()

        @pl.when(j < nch - 1)
        def _():
            pltpu.async_copy(ustage.at[idx_s.at[j + 1]], rows.at[1 - b],
                             gsemA)

        pltpu.async_copy(rows.at[b], acc.at[idx_d.at[j]], ssemA, add=True)

    _lb = jnp.bitwise_and(nch - 1, 1)
    pltpu.make_async_copy(rows.at[_lb], acc.at[idx_d.at[nch - 1]],
                          ssemA).wait()

    plsc.subcore_barrier()
    pltpu.sync_copy(acc.at[pl.ds(sid * ROWS_PER_TILE, ROWS_PER_TILE)],
                    out_hbm.at[cid, pl.ds(sid * ROWS_PER_TILE, ROWS_PER_TILE)])


@functools.cache
def _get_sc_edge():
    mesh = plsc.VectorSubcoreMesh(core_axis_name="c", subcore_axis_name="s")
    return pl.kernel(
        _edge_body,
        out_type=jax.ShapeDtypeStruct((NC, NP, HID_F), jnp.float32),
        mesh=mesh,
        compiler_params=pltpu.CompilerParams(use_tc_tiling_on_sc=False),
        scratch_types=[
            pltpu.VMEM((CHUNKS + 1, CW), jnp.int32),
            pltpu.VMEM((CHUNKS + 1, CW), jnp.int32),
            pltpu.SemaphoreType.DMA,
            pltpu.SemaphoreType.DMA,
            pltpu.SemaphoreType.DMA,
            pltpu.SemaphoreType.DMA,
            pltpu.VMEM_SHARED((NP, HID_F), jnp.float32),
            pltpu.VMEM_SHARED((NP, HID_F), jnp.float32),
        ],
    )



def _dinv_from(deg_ref):
    deg = deg_ref[0, :, 0] + deg_ref[1, :, 0] + 1.0
    return lax.rsqrt(deg)


def _tc1a_body(x_ref, w1_ref, ridx_ref, w2b_ref, h1_ref, rootsw_ref):
    i = pl.program_id(0)
    h1_ref[...] = jnp.dot(x_ref[...], w1_ref[...])
    rows = i * RB + lax.broadcasted_iota(jnp.int32, (1, RB), 1)
    rsel = (ridx_ref[...] == rows).astype(jnp.float32)
    part = jnp.dot(rsel, x_ref[...])
    contrib = jnp.dot(jnp.maximum(part, 0.0), w2b_ref[...])

    @pl.when(i == 0)
    def _():
        rootsw_ref[...] = jnp.zeros_like(rootsw_ref)

    rootsw_ref[...] += contrib


def _tc1b_body(h1_ref, deg_ref, u1_ref):
    dinv = _dinv_from(deg_ref)
    u1_ref[...] = h1_ref[...] * dinv[:, None]


def _tc2_body(s1_ref, u1_ref, deg_ref, b1_ref, rootsw_ref, batch_ref, w2a_ref,
              x2_ref, u2_ref):
    dinv = _dinv_from(deg_ref)
    x2 = (s1_ref[0] + s1_ref[1] + u1_ref[...]) * dinv[:, None] + b1_ref[0:1, :]
    x2_ref[...] = x2
    hr = jnp.maximum(x2, 0.0)
    cols = lax.broadcasted_iota(jnp.int32, (1, B), 1)
    bsel = (batch_ref[:, 0:1] == cols).astype(jnp.float32)
    rext = jnp.dot(bsel, rootsw_ref[...])
    u2_ref[...] = (jnp.dot(hr, w2a_ref[...]) + rext) * dinv[:, None]


def _tc3_body(s2_ref, u2_ref, deg_ref, b2_ref, x2_ref, batchT_ref, ridx_ref,
              out_ref, seg_ref, root_ref, cnt_ref):
    i = pl.program_id(0)

    @pl.when(i == 0)
    def _():
        seg_ref[...] = jnp.zeros_like(seg_ref)
        root_ref[...] = jnp.zeros_like(root_ref)
        cnt_ref[...] = jnp.zeros_like(cnt_ref)

    dinv = _dinv_from(deg_ref)
    g = jnp.maximum((s2_ref[0] + s2_ref[1] + u2_ref[...]) * dinv[:, None]
                    + b2_ref[0:1, :], 0.0)
    biota = lax.broadcasted_iota(jnp.int32, (B, 1), 0)
    bselT = (batchT_ref[0] == biota).astype(jnp.float32)
    seg_ref[...] += jnp.dot(bselT, g)
    ones = jnp.ones((RB, HID_F), jnp.float32)
    cnt_ref[...] += jnp.dot(bselT, ones)
    rows = i * RB + lax.broadcasted_iota(jnp.int32, (1, RB), 1)
    rsel = (ridx_ref[...] == rows).astype(jnp.float32)
    root_ref[...] += jnp.dot(rsel, x2_ref[...])

    @pl.when(i == NBLK - 1)
    def _():
        cnt = cnt_ref[...]
        first = seg_ref[...] / jnp.maximum(cnt, 1.0)
        second = jnp.where(cnt > 0, root_ref[...], 0.0)
        out_ref[...] = jnp.concatenate([first, second], axis=1)


def _row_spec(shape):
    return pl.BlockSpec(shape, lambda i: (i, 0))


def _fix_spec(shape):
    return pl.BlockSpec(shape, lambda i: (0, 0))


_DEG_SPEC = pl.BlockSpec((NC, RB, 16), lambda i: (0, i, 0))
_PAIR_SPEC = pl.BlockSpec((NC, RB, HID_F), lambda i: (0, i, 0))
_U_SPEC = pl.BlockSpec((RB, HID_F), lambda i: (i, 0))

_tc1a = pl.pallas_call(
    _tc1a_body,
    grid=(NBLK,),
    in_specs=[
        _row_spec((RB, IN_F)),
        _fix_spec((IN_F, HID_F)),
        _fix_spec((B, 1)),
        _fix_spec((IN_F, HID_F)),
    ],
    out_specs=[_row_spec((RB, HID_F)), _fix_spec((B, HID_F))],
    out_shape=[
        jax.ShapeDtypeStruct((NP, HID_F), jnp.float32),
        jax.ShapeDtypeStruct((B, HID_F), jnp.float32),
    ],
)

_tc1b = pl.pallas_call(
    _tc1b_body,
    grid=(NBLK,),
    in_specs=[_row_spec((RB, HID_F)), _DEG_SPEC],
    out_specs=_U_SPEC,
    out_shape=jax.ShapeDtypeStruct((NP, HID_F), jnp.float32),
)

_tc2 = pl.pallas_call(
    _tc2_body,
    grid=(NBLK,),
    in_specs=[
        _PAIR_SPEC,
        _U_SPEC,
        _DEG_SPEC,
        _fix_spec((8, HID_F)),
        _fix_spec((B, HID_F)),
        _row_spec((RB, 1)),
        _fix_spec((HID_F, HID_F)),
    ],
    out_specs=[_row_spec((RB, HID_F)), _U_SPEC],
    out_shape=[
        jax.ShapeDtypeStruct((NP, HID_F), jnp.float32),
        jax.ShapeDtypeStruct((NP, HID_F), jnp.float32),
    ],
)

_tc3 = pl.pallas_call(
    _tc3_body,
    grid=(NBLK,),
    in_specs=[
        _PAIR_SPEC,
        _U_SPEC,
        _DEG_SPEC,
        _fix_spec((8, HID_F)),
        _row_spec((RB, HID_F)),
        pl.BlockSpec((1, 1, RB), lambda i: (i, 0, 0)),
        _fix_spec((B, 1)),
    ],
    out_specs=pl.BlockSpec((B, B), lambda i: (0, 0)),
    out_shape=jax.ShapeDtypeStruct((B, B), jnp.float32),
    scratch_shapes=[
        pltpu.VMEM((B, HID_F), jnp.float32),
        pltpu.VMEM((B, HID_F), jnp.float32),
        pltpu.VMEM((B, HID_F), jnp.float32),
    ],
)



@jax.jit
def kernel(x, edge_index, batch, rootindex, W1, b1, W2, b2):
    xp = jnp.pad(x, ((0, NP - N), (0, 0)))
    ei3 = edge_index.reshape(2, EROWS, CW)
    batchp = jnp.concatenate([batch, jnp.full((NP - N,), B, jnp.int32)])
    batch2d = batchp.reshape(NP, 1)
    batchT = batchp.reshape(NBLK, 1, RB)
    ridx2d = rootindex.reshape(B, 1)
    b1t = jnp.tile(b1.reshape(1, HID_F), (8, 1))
    b2t = jnp.tile(b2.reshape(1, HID_F), (8, 1))
    w2a = W2[:HID_F]
    w2b = W2[HID_F:]

    sc_deg = _get_sc_deg()
    sc_edge = _get_sc_edge()
    deg2 = sc_deg(ei3)
    h1, rootsw = _tc1a(xp, W1, ridx2d, w2b)
    u1 = _tc1b(h1, deg2)
    s1 = sc_edge(u1, ei3)
    x2, u2 = _tc2(s1, u1, deg2, b1t, rootsw, batch2d, w2a)
    s2 = sc_edge(u2, ei3)
    out = _tc3(s2, u2, deg2, b2t, x2, batchT, ridx2d)
    return out

# --- scband reference (transcript-rebuilt; emitter-appended) ---
"""Pipeline reference for scband-tdgcn-13898514170517 (READ-ONLY COPY).

The authoritative reference and input builder live on the scoring server;
editing this copy changes nothing except your own understanding.
"""

import jax, jax.numpy as jnp
import numpy as np

N = 10000
E = 320000
B = 128
IN_F = 128
HID_F = 64
OUT_F = 64


def setup_inputs(seed: int = 0) -> dict:
    key = jax.random.key(seed)
    ks = jax.random.split(key, 8)
    x = jax.random.normal(ks[0], (N, IN_F), dtype=jnp.float32)
    edge_index = jax.random.randint(ks[1], (2, E), 0, N, dtype=jnp.int32)
    batch = jnp.sort(jax.random.randint(ks[2], (N,), 0, B, dtype=jnp.int32))
    rootindex = jax.random.randint(ks[3], (B,), 0, N, dtype=jnp.int32)
    W1 = jax.random.normal(ks[4], (IN_F, HID_F), dtype=jnp.float32) * (1.0 / np.sqrt(IN_F))
    b1 = jnp.zeros((HID_F,), dtype=jnp.float32)
    W2 = jax.random.normal(ks[5], (HID_F + IN_F, OUT_F), dtype=jnp.float32) * (1.0 / np.sqrt(HID_F + IN_F))
    b2 = jnp.zeros((OUT_F,), dtype=jnp.float32)
    return {"x": x, "edge_index": edge_index, "batch": batch, "rootindex": rootindex,
            "W1": W1, "b1": b1, "W2": W2, "b2": b2}


def _gcn_conv(x, edge_index, W, b):
    # GCNConv: linear transform, add self-loops, symmetric degree normalization, scatter-add
    src = edge_index[0]
    dst = edge_index[1]
    loop = jnp.arange(N, dtype=src.dtype)
    src = jnp.concatenate([src, loop])
    dst = jnp.concatenate([dst, loop])
    deg = jax.ops.segment_sum(jnp.ones_like(src, dtype=x.dtype), dst, num_segments=N)
    dinv = jnp.where(deg > 0, 1.0 / jnp.sqrt(deg), 0.0)
    norm = dinv[src] * dinv[dst]
    h = x @ W
    msg = h[src] * norm[:, None]
    agg = jax.ops.segment_sum(msg, dst, num_segments=N)
    return agg + b


def reference(x, edge_index, batch, rootindex, W1, b1, W2, b2):
    x1 = x
    h = _gcn_conv(x, edge_index, W1, b1)
    x2 = h
    # root_extend[i] = x1[rootindex[batch[i]]]  (the per-batch loop in torch)
    root_extend = jnp.take(x1, jnp.take(rootindex, batch, axis=0), axis=0)
    h = jnp.concatenate([h, root_extend], axis=1)
    h = jax.nn.relu(h)
    # dropout is identity in eval mode
    h = _gcn_conv(h, edge_index, W2, b2)
    h = jax.nn.relu(h)
    root_extend2 = jnp.take(x2, jnp.take(rootindex, batch, axis=0), axis=0)
    h = jnp.concatenate([h, root_extend2], axis=1)
    # scatter_mean over batch
    s = jax.ops.segment_sum(h, batch, num_segments=B)
    cnt = jax.ops.segment_sum(jnp.ones((h.shape[0],), dtype=h.dtype), batch, num_segments=B)
    return s / jnp.maximum(cnt, 1.0)[:, None]

if __name__ == "__main__":
    import jax
    _d = setup_inputs()
    print(jax.jit(kernel)(*tuple(_d.values())))

</pallas_src>

<mosaic_0001>
#map = affine_map<(d0, d1) -> (0, 0)>
#map1 = affine_map<(d0, d1) -> (0, 0, 0)>
module attributes {stable_mosaic.version = 14 : i64} {
  func.func @_edge_body(%arg0: i32, %arg1: i32, %arg2: memref<10240x64xf32, #tpu.memory_space<hbm>>, %arg3: memref<2x2500x128xi32, #tpu.memory_space<hbm>>, %arg4: memref<2x10240x64xf32, #tpu.memory_space<hbm>>, %arg5: memref<79x128xi32, #tpu.memory_space<vmem>>, %arg6: memref<79x128xi32, #tpu.memory_space<vmem>>, %arg7: memref<!tpu.dma_semaphore, #tpu.memory_space<semaphore_mem>>, %arg8: memref<!tpu.dma_semaphore, #tpu.memory_space<semaphore_mem>>, %arg9: memref<!tpu.dma_semaphore, #tpu.memory_space<semaphore_mem>>, %arg10: memref<!tpu.dma_semaphore, #tpu.memory_space<semaphore_mem>>, %arg11: memref<10240x64xf32, #tpu.memory_space<vmem_shared>>, %arg12: memref<10240x64xf32, #tpu.memory_space<vmem_shared>>) attributes {dimension_semantics = [#tpu.dimension_semantics<core_parallel>, #tpu.dimension_semantics<subcore_parallel>], iteration_bounds = array<i64: 2, 16>, scalar_prefetch = 0 : i64, scratch_operands = 8 : i64, tpu.core_type = #tpu.core_type<sc_vector_subcore>, window_params = [{transform_indices = #map}, {transform_indices = #map1}, {transform_indices = #map1}]} {
    "tpu.region"() ({
      %run_scoped3A = memref.alloca() : memref<2x128x64xf32, #tpu.memory_space<vmem>>
      %mul3A = arith.constant 16 : i32
      %mul3A_0 = arith.muli %arg0, %mul3A : i32
      %add3A = arith.addi %mul3A_0, %arg1 : i32
      %lt3A = arith.constant 4 : i32
      %lt3A_1 = arith.cmpi slt, %add3A, %lt3A : i32
      %convert_element_type3A = arith.extui %lt3A_1 : i1 to i32
      %add3A_2 = arith.constant 78 : i32
      %add3A_3 = arith.addi %add3A_2, %convert_element_type3A : i32
      %mul3A_4 = arith.constant 78 : i32
      %mul3A_5 = arith.muli %add3A, %mul3A_4 : i32
      %run_scoped3A_6 = arith.constant 0 : i32
      "tpu.region"() ({
        %run_scoped3A_73 = tpu.sem_alloc : memref<!tpu.dma_semaphore, #tpu.memory_space<semaphore_mem>>
        %dma_start3A_74 = arith.constant 0 : i32
        %dma_start3A_75 = arith.constant 0 : i32
        %dma_start3A_76 = tpu.memref_slice %arg5[%dma_start3A_74, %dma_start3A_75] : memref<79x128xi32, #tpu.memory_space<vmem>> -> memref<78x128xi32, #tpu.memory_space<vmem>>
        %dma_start3A_77 = arith.constant 0 : i32
        %dma_start3A_78 = tpu.memref_slice %arg3[%run_scoped3A_6, %mul3A_5, %dma_start3A_77] : memref<2x2500x128xi32, #tpu.memory_space<hbm>> -> memref<1x78x128xi32, #tpu.memory_space<hbm>>
        %dma_start3A_79 = tpu.memref_squeeze %dma_start3A_78 : memref<1x78x128xi32, #tpu.memory_space<hbm>> -> memref<78x128xi32, #tpu.memory_space<hbm>>
        %dma_start3A_80 = arith.constant 0 : i32
        %dma_start3A_81 = arith.constant 0 : i32
        %dma_start3A_82 = tpu.memref_slice %arg5[%dma_start3A_80, %dma_start3A_81] : memref<79x128xi32, #tpu.memory_space<vmem>> -> memref<78x128xi32, #tpu.memory_space<vmem>>
        %dma_start3A_83 = arith.constant 0 : i32
        %dma_start3A_84 = tpu.memref_slice %arg3[%run_scoped3A_6, %mul3A_5, %dma_start3A_83] : memref<2x2500x128xi32, #tpu.memory_space<hbm>> -> memref<1x78x128xi32, #tpu.memory_space<hbm>>
        %dma_start3A_85 = tpu.memref_squeeze %dma_start3A_84 : memref<1x78x128xi32, #tpu.memory_space<hbm>> -> memref<78x128xi32, #tpu.memory_space<hbm>>
        tpu.enqueue_dma source(%dma_start3A_85 : memref<78x128xi32, #tpu.memory_space<hbm>>) target(%dma_start3A_82 : memref<78x128xi32, #tpu.memory_space<vmem>>) target_semaphore(%run_scoped3A_73 : memref<!tpu.dma_semaphore, #tpu.memory_space<semaphore_mem>>)
        %dma_wait3A_86 = arith.constant 0 : i32
        %dma_wait3A_87 = arith.constant 0 : i32
        %dma_wait3A_88 = tpu.memref_slice %arg5[%dma_wait3A_86, %dma_wait3A_87] : memref<79x128xi32, #tpu.memory_space<vmem>> -> memref<78x128xi32, #tpu.memory_space<vmem>>
        %dma_wait3A_89 = arith.constant 0 : i32
        %dma_wait3A_90 = tpu.memref_slice %arg3[%run_scoped3A_6, %mul3A_5, %dma_wait3A_89] : memref<2x2500x128xi32, #tpu.memory_space<hbm>> -> memref<1x78x128xi32, #tpu.memory_space<hbm>>
        %dma_wait3A_91 = tpu.memref_squeeze %dma_wait3A_90 : memref<1x78x128xi32, #tpu.memory_space<hbm>> -> memref<78x128xi32, #tpu.memory_space<hbm>>
        %dma_wait3A_92 = arith.constant 0 : i32
        %dma_wait3A_93 = arith.constant 0 : i32
        %dma_wait3A_94 = tpu.memref_slice %arg5[%dma_wait3A_92, %dma_wait3A_93] : memref<79x128xi32, #tpu.memory_space<vmem>> -> memref<78x128xi32, #tpu.memory_space<vmem>>
        %dma_wait3A_95 = arith.constant 0 : i32
        %dma_wait3A_96 = tpu.memref_slice %arg3[%run_scoped3A_6, %mul3A_5, %dma_wait3A_95] : memref<2x2500x128xi32, #tpu.memory_space<hbm>> -> memref<1x78x128xi32, #tpu.memory_space<hbm>>
        %dma_wait3A_97 = tpu.memref_squeeze %dma_wait3A_96 : memref<1x78x128xi32, #tpu.memory_space<hbm>> -> memref<78x128xi32, #tpu.memory_space<hbm>>
        tpu.wait_dma2 semaphore(%run_scoped3A_73 : memref<!tpu.dma_semaphore, #tpu.memory_space<semaphore_mem>>) src(%dma_wait3A_97 : memref<78x128xi32, #tpu.memory_space<hbm>>) dst(%dma_wait3A_94 : memref<78x128xi32, #tpu.memory_space<vmem>>)
        tpu.yield
      }) : () -> ()
      %mul3A_7 = arith.constant 78 : i32
      %mul3A_8 = arith.muli %add3A, %mul3A_7 : i32
      %run_scoped3A_9 = arith.constant 1 : i32
      "tpu.region"() ({
        %run_scoped3A_73 = tpu.sem_alloc : memref<!tpu.dma_semaphore, #tpu.memory_space<semaphore_mem>>
        %dma_start3A_74 = arith.constant 0 : i32
        %dma_start3A_75 = arith.constant 0 : i32
        %dma_start3A_76 = tpu.memref_slice %arg6[%dma_start3A_74, %dma_start3A_75] : memref<79x128xi32, #tpu.memory_space<vmem>> -> memref<78x128xi32, #tpu.memory_space<vmem>>
        %dma_start3A_77 = arith.constant 0 : i32
        %dma_start3A_78 = tpu.memref_slice %arg3[%run_scoped3A_9, %mul3A_8, %dma_start3A_77] : memref<2x2500x128xi32, #tpu.memory_space<hbm>> -> memref<1x78x128xi32, #tpu.memory_space<hbm>>
        %dma_start3A_79 = tpu.memref_squeeze %dma_start3A_78 : memref<1x78x128xi32, #tpu.memory_space<hbm>> -> memref<78x128xi32, #tpu.memory_space<hbm>>
        %dma_start3A_80 = arith.constant 0 : i32
        %dma_start3A_81 = arith.constant 0 : i32
        %dma_start3A_82 = tpu.memref_slice %arg6[%dma_start3A_80, %dma_start3A_81] : memref<79x128xi32, #tpu.memory_space<vmem>> -> memref<78x128xi32, #tpu.memory_space<vmem>>
        %dma_start3A_83 = arith.constant 0 : i32
        %dma_start3A_84 = tpu.memref_slice %arg3[%run_scoped3A_9, %mul3A_8, %dma_start3A_83] : memref<2x2500x128xi32, #tpu.memory_space<hbm>> -> memref<1x78x128xi32, #tpu.memory_space<hbm>>
        %dma_start3A_85 = tpu.memref_squeeze %dma_start3A_84 : memref<1x78x128xi32, #tpu.memory_space<hbm>> -> memref<78x128xi32, #tpu.memory_space<hbm>>
        tpu.enqueue_dma source(%dma_start3A_85 : memref<78x128xi32, #tpu.memory_space<hbm>>) target(%dma_start3A_82 : memref<78x128xi32, #tpu.memory_space<vmem>>) target_semaphore(%run_scoped3A_73 : memref<!tpu.dma_semaphore, #tpu.memory_space<semaphore_mem>>)
        %dma_wait3A_86 = arith.constant 0 : i32
        %dma_wait3A_87 = arith.constant 0 : i32
        %dma_wait3A_88 = tpu.memref_slice %arg6[%dma_wait3A_86, %dma_wait3A_87] : memref<79x128xi32, #tpu.memory_space<vmem>> -> memref<78x128xi32, #tpu.memory_space<vmem>>
        %dma_wait3A_89 = arith.constant 0 : i32
        %dma_wait3A_90 = tpu.memref_slice %arg3[%run_scoped3A_9, %mul3A_8, %dma_wait3A_89] : memref<2x2500x128xi32, #tpu.memory_space<hbm>> -> memref<1x78x128xi32, #tpu.memory_space<hbm>>
        %dma_wait3A_91 = tpu.memref_squeeze %dma_wait3A_90 : memref<1x78x128xi32, #tpu.memory_space<hbm>> -> memref<78x128xi32, #tpu.memory_space<hbm>>
        %dma_wait3A_92 = arith.constant 0 : i32
        %dma_wait3A_93 = arith.constant 0 : i32
        %dma_wait3A_94 = tpu.memref_slice %arg6[%dma_wait3A_92, %dma_wait3A_93] : memref<79x128xi32, #tpu.memory_space<vmem>> -> memref<78x128xi32, #tpu.memory_space<vmem>>
        %dma_wait3A_95 = arith.constant 0 : i32
        %dma_wait3A_96 = tpu.memref_slice %arg3[%run_scoped3A_9, %mul3A_8, %dma_wait3A_95] : memref<2x2500x128xi32, #tpu.memory_space<hbm>> -> memref<1x78x128xi32, #tpu.memory_space<hbm>>
        %dma_wait3A_97 = tpu.memref_squeeze %dma_wait3A_96 : memref<1x78x128xi32, #tpu.memory_space<hbm>> -> memref<78x128xi32, #tpu.memory_space<hbm>>
        tpu.wait_dma2 semaphore(%run_scoped3A_73 : memref<!tpu.dma_semaphore, #tpu.memory_space<semaphore_mem>>) src(%dma_wait3A_97 : memref<78x128xi32, #tpu.memory_space<hbm>>) dst(%dma_wait3A_94 : memref<78x128xi32, #tpu.memory_space<vmem>>)
        tpu.yield
      }) : () -> ()
      %lt3A_10 = arith.constant 4 : i32
      %lt3A_11 = arith.cmpi slt, %add3A, %lt3A_10 : i32
      %convert_element_type3A_12 = arith.extui %lt3A_11 : i1 to i32
      %cond3A = arith.constant 0 : i32
      %cond3A_13 = arith.cmpi ne, %convert_element_type3A_12, %cond3A : i32
      scf.if %cond3A_13 {
        %add3A_73 = arith.constant 2496 : i32
        %add3A_74 = arith.addi %add3A_73, %add3A : i32
        %run_scoped3A_75 = arith.constant 0 : i32
        "tpu.region"() ({
          %run_scoped3A_79 = tpu.sem_alloc : memref<!tpu.dma_semaphore, #tpu.memory_space<semaphore_mem>>
          %dma_start3A_80 = arith.constant 78 : i32
          %dma_start3A_81 = arith.constant 0 : i32
          %dma_start3A_82 = tpu.memref_slice %arg5[%dma_start3A_80, %dma_start3A_81] : memref<79x128xi32, #tpu.memory_space<vmem>> -> memref<1x128xi32, #tpu.memory_space<vmem>>
          %dma_start3A_83 = arith.constant 0 : i32
          %dma_start3A_84 = tpu.memref_slice %arg3[%run_scoped3A_75, %add3A_74, %dma_start3A_83] : memref<2x2500x128xi32, #tpu.memory_space<hbm>> -> memref<1x1x128xi32, #tpu.memory_space<hbm>>
          %dma_start3A_85 = tpu.memref_squeeze %dma_start3A_84 : memref<1x1x128xi32, #tpu.memory_space<hbm>> -> memref<1x128xi32, #tpu.memory_space<hbm>>
          %dma_start3A_86 = arith.constant 78 : i32
          %dma_start3A_87 = arith.constant 0 : i32
          %dma_start3A_88 = tpu.memref_slice %arg5[%dma_start3A_86, %dma_start3A_87] : memref<79x128xi32, #tpu.memory_space<vmem>> -> memref<1x128xi32, #tpu.memory_space<vmem>>
          %dma_start3A_89 = arith.constant 0 : i32
          %dma_start3A_90 = tpu.memref_slice %arg3[%run_scoped3A_75, %add3A_74, %dma_start3A_89] : memref<2x2500x128xi32, #tpu.memory_space<hbm>> -> memref<1x1x128xi32, #tpu.memory_space<hbm>>
          %dma_start3A_91 = tpu.memref_squeeze %dma_start3A_90 : memref<1x1x128xi32, #tpu.memory_space<hbm>> -> memref<1x128xi32, #tpu.memory_space<hbm>>
          tpu.enqueue_dma source(%dma_start3A_91 : memref<1x128xi32, #tpu.memory_space<hbm>>) target(%dma_start3A_88 : memref<1x128xi32, #tpu.memory_space<vmem>>) target_semaphore(%run_scoped3A_79 : memref<!tpu.dma_semaphore, #tpu.memory_space<semaphore_mem>>)
          %dma_wait3A_92 = arith.constant 78 : i32
          %dma_wait3A_93 = arith.constant 0 : i32
          %dma_wait3A_94 = tpu.memref_slice %arg5[%dma_wait3A_92, %dma_wait3A_93] : memref<79x128xi32, #tpu.memory_space<vmem>> -> memref<1x128xi32, #tpu.memory_space<vmem>>
          %dma_wait3A_95 = arith.constant 0 : i32
          %dma_wait3A_96 = tpu.memref_slice %arg3[%run_scoped3A_75, %add3A_74, %dma_wait3A_95] : memref<2x2500x128xi32, #tpu.memory_space<hbm>> -> memref<1x1x128xi32, #tpu.memory_space<hbm>>
          %dma_wait3A_97 = tpu.memref_squeeze %dma_wait3A_96 : memref<1x1x128xi32, #tpu.memory_space<hbm>> -> memref<1x128xi32, #tpu.memory_space<hbm>>
          %dma_wait3A_98 = arith.constant 78 : i32
          %dma_wait3A_99 = arith.constant 0 : i32
          %dma_wait3A_100 = tpu.memref_slice %arg5[%dma_wait3A_98, %dma_wait3A_99] : memref<79x128xi32, #tpu.memory_space<vmem>> -> memref<1x128xi32, #tpu.memory_space<vmem>>
          %dma_wait3A_101 = arith.constant 0 : i32
          %dma_wait3A_102 = tpu.memref_slice %arg3[%run_scoped3A_75, %add3A_74, %dma_wait3A_101] : memref<2x2500x128xi32, #tpu.memory_space<hbm>> -> memref<1x1x128xi32, #tpu.memory_space<hbm>>
          %dma_wait3A_103 = tpu.memref_squeeze %dma_wait3A_102 : memref<1x1x128xi32, #tpu.memory_space<hbm>> -> memref<1x128xi32, #tpu.memory_space<hbm>>
          tpu.wait_dma2 semaphore(%run_scoped3A_79 : memref<!tpu.dma_semaphore, #tpu.memory_space<semaphore_mem>>) src(%dma_wait3A_103 : memref<1x128xi32, #tpu.memory_space<hbm>>) dst(%dma_wait3A_100 : memref<1x128xi32, #tpu.memory_space<vmem>>)
          tpu.yield
        }) : () -> ()
        %add3A_76 = arith.constant 2496 : i32
        %add3A_77 = arith.addi %add3A_76, %add3A : i32
        %run_scoped3A_78 = arith.constant 1 : i32
        "tpu.region"() ({
          %run_scoped3A_79 = tpu.sem_alloc : memref<!tpu.dma_semaphore, #tpu.memory_space<semaphore_mem>>
          %dma_start3A_80 = arith.constant 78 : i32
          %dma_start3A_81 = arith.constant 0 : i32
          %dma_start3A_82 = tpu.memref_slice %arg6[%dma_start3A_80, %dma_start3A_81] : memref<79x128xi32, #tpu.memory_space<vmem>> -> memref<1x128xi32, #tpu.memory_space<vmem>>
          %dma_start3A_83 = arith.constant 0 : i32
          %dma_start3A_84 = tpu.memref_slice %arg3[%run_scoped3A_78, %add3A_77, %dma_start3A_83] : memref<2x2500x128xi32, #tpu.memory_space<hbm>> -> memref<1x1x128xi32, #tpu.memory_space<hbm>>
          %dma_start3A_85 = tpu.memref_squeeze %dma_start3A_84 : memref<1x1x128xi32, #tpu.memory_space<hbm>> -> memref<1x128xi32, #tpu.memory_space<hbm>>
          %dma_start3A_86 = arith.constant 78 : i32
          %dma_start3A_87 = arith.constant 0 : i32
          %dma_start3A_88 = tpu.memref_slice %arg6[%dma_start3A_86, %dma_start3A_87] : memref<79x128xi32, #tpu.memory_space<vmem>> -> memref<1x128xi32, #tpu.memory_space<vmem>>
          %dma_start3A_89 = arith.constant 0 : i32
          %dma_start3A_90 = tpu.memref_slice %arg3[%run_scoped3A_78, %add3A_77, %dma_start3A_89] : memref<2x2500x128xi32, #tpu.memory_space<hbm>> -> memref<1x1x128xi32, #tpu.memory_space<hbm>>
          %dma_start3A_91 = tpu.memref_squeeze %dma_start3A_90 : memref<1x1x128xi32, #tpu.memory_space<hbm>> -> memref<1x128xi32, #tpu.memory_space<hbm>>
          tpu.enqueue_dma source(%dma_start3A_91 : memref<1x128xi32, #tpu.memory_space<hbm>>) target(%dma_start3A_88 : memref<1x128xi32, #tpu.memory_space<vmem>>) target_semaphore(%run_scoped3A_79 : memref<!tpu.dma_semaphore, #tpu.memory_space<semaphore_mem>>)
          %dma_wait3A_92 = arith.constant 78 : i32
          %dma_wait3A_93 = arith.constant 0 : i32
          %dma_wait3A_94 = tpu.memref_slice %arg6[%dma_wait3A_92, %dma_wait3A_93] : memref<79x128xi32, #tpu.memory_space<vmem>> -> memref<1x128xi32, #tpu.memory_space<vmem>>
          %dma_wait3A_95 = arith.constant 0 : i32
          %dma_wait3A_96 = tpu.memref_slice %arg3[%run_scoped3A_78, %add3A_77, %dma_wait3A_95] : memref<2x2500x128xi32, #tpu.memory_space<hbm>> -> memref<1x1x128xi32, #tpu.memory_space<hbm>>
          %dma_wait3A_97 = tpu.memref_squeeze %dma_wait3A_96 : memref<1x1x128xi32, #tpu.memory_space<hbm>> -> memref<1x128xi32, #tpu.memory_space<hbm>>
          %dma_wait3A_98 = arith.constant 78 : i32
          %dma_wait3A_99 = arith.constant 0 : i32
          %dma_wait3A_100 = tpu.memref_slice %arg6[%dma_wait3A_98, %dma_wait3A_99] : memref<79x128xi32, #tpu.memory_space<vmem>> -> memref<1x128xi32, #tpu.memory_space<vmem>>
          %dma_wait3A_101 = arith.constant 0 : i32
          %dma_wait3A_102 = tpu.memref_slice %arg3[%run_scoped3A_78, %add3A_77, %dma_wait3A_101] : memref<2x2500x128xi32, #tpu.memory_space<hbm>> -> memref<1x1x128xi32, #tpu.memory_space<hbm>>
          %dma_wait3A_103 = tpu.memref_squeeze %dma_wait3A_102 : memref<1x1x128xi32, #tpu.memory_space<hbm>> -> memref<1x128xi32, #tpu.memory_space<hbm>>
          tpu.wait_dma2 semaphore(%run_scoped3A_79 : memref<!tpu.dma_semaphore, #tpu.memory_space<semaphore_mem>>) src(%dma_wait3A_103 : memref<1x128xi32, #tpu.memory_space<hbm>>) dst(%dma_wait3A_100 : memref<1x128xi32, #tpu.memory_space<vmem>>)
          tpu.yield
        }) : () -> ()
      } else {
      }
      %mul3A_14 = arith.constant 640 : i32
      %mul3A_15 = arith.muli %arg1, %mul3A_14 : i32
      %mul3A_16 = arith.constant 640 : i32
      %mul3A_17 = arith.muli %arg1, %mul3A_16 : i32
      "tpu.region"() ({
        %run_scoped3A_73 = tpu.sem_alloc : memref<!tpu.dma_semaphore, #tpu.memory_space<semaphore_mem>>
        %dma_start3A_74 = arith.constant 0 : i32
        %dma_start3A_75 = tpu.memref_slice %arg11[%mul3A_17, %dma_start3A_74] : memref<10240x64xf32, #tpu.memory_space<vmem_shared>> -> memref<640x64xf32, #tpu.memory_space<vmem_shared>>
        %dma_start3A_76 = arith.constant 0 : i32
        %dma_start3A_77 = tpu.memref_slice %arg2[%mul3A_15, %dma_start3A_76] : memref<10240x64xf32, #tpu.memory_space<hbm>> -> memref<640x64xf32, #tpu.memory_space<hbm>>
        tpu.enqueue_dma source(%dma_start3A_77 : memref<640x64xf32, #tpu.memory_space<hbm>>) target(%dma_start3A_75 : memref<640x64xf32, #tpu.memory_space<vmem_shared>>) target_semaphore(%run_scoped3A_73 : memref<!tpu.dma_semaphore, #tpu.memory_space<semaphore_mem>>)
        %dma_wait3A_78 = arith.constant 0 : i32
        %dma_wait3A_79 = tpu.memref_slice %arg11[%mul3A_17, %dma_wait3A_78] : memref<10240x64xf32, #tpu.memory_space<vmem_shared>> -> memref<640x64xf32, #tpu.memory_space<vmem_shared>>
        %dma_wait3A_80 = arith.constant 0 : i32
        %dma_wait3A_81 = tpu.memref_slice %arg2[%mul3A_15, %dma_wait3A_80] : memref<10240x64xf32, #tpu.memory_space<hbm>> -> memref<640x64xf32, #tpu.memory_space<hbm>>
        tpu.wait_dma2 semaphore(%run_scoped3A_73 : memref<!tpu.dma_semaphore, #tpu.memory_space<semaphore_mem>>) src(%dma_wait3A_81 : memref<640x64xf32, #tpu.memory_space<hbm>>) dst(%dma_wait3A_79 : memref<640x64xf32, #tpu.memory_space<vmem_shared>>)
        tpu.yield
      }) : () -> ()
      %scan3A = arith.constant 0 : i32
      %scan3A_18 = arith.constant 128 : i32
      %scan3A_19 = arith.addi %scan3A, %scan3A_18 : i32
      %scan3A_20 = arith.constant 1 : i32
      scf.for %scan3A_73 = %scan3A to %scan3A_19 step %scan3A_20  : i32 {
        %mul3A_74 = arith.constant 1 : i32
        %mul3A_75 = arith.muli %scan3A_73, %mul3A_74 : i32
        %add3A_76 = arith.constant 0 : i32
        %add3A_77 = arith.addi %add3A_76, %mul3A_75 : i32
        %broadcast_in_dim3A = arith.constant 0.000000e+00 : f32
        %broadcast_in_dim3A_78 = vector.broadcast %broadcast_in_dim3A : f32 to vector<16xf32>
        %swap3A = arith.constant 0 : i32
        %swap3A_79 = arith.index_cast %swap3A : i32 to index
        %swap3A_80 = arith.index_cast %add3A_77 : i32 to index
        %swap3A_81 = arith.constant 0 : index
        %swap3A_82 = tpu.vector_load %run_scoped3A[%swap3A_79, %swap3A_80, %swap3A_81] {strides = array<i32>} : memref<2x128x64xf32, #tpu.memory_space<vmem>>, vector<1x1x16xf32>,
        %swap3A_83 = vector.shape_cast %swap3A_82 : vector<1x1x16xf32> to vector<16xf32>
        %swap3A_84 = vector.shape_cast %broadcast_in_dim3A_78 : vector<16xf32> to vector<1x1x16xf32>
        tpu.vector_store %run_scoped3A[%swap3A_79, %swap3A_80, %swap3A_81], %swap3A_84 {strides = array<i32>} : memref<2x128x64xf32, #tpu.memory_space<vmem>>, vector<1x1x16xf32>,
        %broadcast_in_dim3A_85 = arith.constant 0.000000e+00 : f32
        %broadcast_in_dim3A_86 = vector.broadcast %broadcast_in_dim3A_85 : f32 to vector<16xf32>
        %swap3A_87 = arith.constant 0 : i32
        %swap3A_88 = arith.index_cast %swap3A_87 : i32 to index
        %swap3A_89 = arith.index_cast %add3A_77 : i32 to index
        %swap3A_90 = arith.constant 16 : index
        %swap3A_91 = tpu.vector_load %run_scoped3A[%swap3A_88, %swap3A_89, %swap3A_90] {strides = array<i32>} : memref<2x128x64xf32, #tpu.memory_space<vmem>>, vector<1x1x16xf32>,
        %swap3A_92 = vector.shape_cast %swap3A_91 : vector<1x1x16xf32> to vector<16xf32>
        %swap3A_93 = vector.shape_cast %broadcast_in_dim3A_86 : vector<16xf32> to vector<1x1x16xf32>
        tpu.vector_store %run_scoped3A[%swap3A_88, %swap3A_89, %swap3A_90], %swap3A_93 {strides = array<i32>} : memref<2x128x64xf32, #tpu.memory_space<vmem>>, vector<1x1x16xf32>,
        %broadcast_in_dim3A_94 = arith.constant 0.000000e+00 : f32
        %broadcast_in_dim3A_95 = vector.broadcast %broadcast_in_dim3A_94 : f32 to vector<16xf32>
        %swap3A_96 = arith.constant 0 : i32
        %swap3A_97 = arith.index_cast %swap3A_96 : i32 to index
        %swap3A_98 = arith.index_cast %add3A_77 : i32 to index
        %swap3A_99 = arith.constant 32 : index
        %swap3A_100 = tpu.vector_load %run_scoped3A[%swap3A_97, %swap3A_98, %swap3A_99] {strides = array<i32>} : memref<2x128x64xf32, #tpu.memory_space<vmem>>, vector<1x1x16xf32>,
        %swap3A_101 = vector.shape_cast %swap3A_100 : vector<1x1x16xf32> to vector<16xf32>
        %swap3A_102 = vector.shape_cast %broadcast_in_dim3A_95 : vector<16xf32> to vector<1x1x16xf32>
        tpu.vector_store %run_scoped3A[%swap3A_97, %swap3A_98, %swap3A_99], %swap3A_102 {strides = array<i32>} : memref<2x128x64xf32, #tpu.memory_space<vmem>>, vector<1x1x16xf32>,
        %broadcast_in_dim3A_103 = arith.constant 0.000000e+00 : f32
        %broadcast_in_dim3A_104 = vector.broadcast %broadcast_in_dim3A_103 : f32 to vector<16xf32>
        %swap3A_105 = arith.constant 0 : i32
        %swap3A_106 = arith.index_cast %swap3A_105 : i32 to index
        %swap3A_107 = arith.index_cast %add3A_77 : i32 to index
        %swap3A_108 = arith.constant 48 : index
        %swap3A_109 = tpu.vector_load %run_scoped3A[%swap3A_106, %swap3A_107, %swap3A_108] {strides = array<i32>} : memref<2x128x64xf32, #tpu.memory_space<vmem>>, vector<1x1x16xf32>,
        %swap3A_110 = vector.shape_cast %swap3A_109 : vector<1x1x16xf32> to vector<16xf32>
        %swap3A_111 = vector.shape_cast %broadcast_in_dim3A_104 : vector<16xf32> to vector<1x1x16xf32>
        tpu.vector_store %run_scoped3A[%swap3A_106, %swap3A_107, %swap3A_108], %swap3A_111 {strides = array<i32>} : memref<2x128x64xf32, #tpu.memory_space<vmem>>, vector<1x1x16xf32>,
      }
      %scan3A_21 = arith.constant 128 : i32
      %scan3A_22 = arith.constant 0 : i32
      %scan3A_23 = arith.constant 5 : i32
      %scan3A_24 = arith.addi %scan3A_22, %scan3A_23 : i32
      %scan3A_25 = arith.constant 1 : i32
      scf.for %scan3A_73 = %scan3A_22 to %scan3A_24 step %scan3A_25  : i32 {
        %mul3A_74 = arith.constant 1 : i32
        %mul3A_75 = arith.muli %scan3A_73, %mul3A_74 : i32
        %add3A_76 = arith.constant 0 : i32
        %add3A_77 = arith.addi %add3A_76, %mul3A_75 : i32
        %mul3A_78 = arith.constant 640 : i32
        %mul3A_79 = arith.muli %arg1, %mul3A_78 : i32
        %mul3A_80 = arith.constant 128 : i32
        %mul3A_81 = arith.muli %add3A_77, %mul3A_80 : i32
        %add3A_82 = arith.addi %mul3A_79, %mul3A_81 : i32
        %run_scoped3A_83 = arith.constant 0 : i32
        "tpu.region"() ({
          %run_scoped3A_84 = tpu.sem_alloc : memref<!tpu.dma_semaphore, #tpu.memory_space<semaphore_mem>>
          %dma_start3A_85 = arith.constant 0 : i32
          %dma_start3A_86 = arith.constant 0 : i32
          %dma_start3A_87 = tpu.memref_slice %run_scoped3A[%run_scoped3A_83, %dma_start3A_85, %dma_start3A_86] : memref<2x128x64xf32, #tpu.memory_space<vmem>> -> memref<1x128x64xf32, #tpu.memory_space<vmem>>
          %dma_start3A_88 = tpu.memref_squeeze %dma_start3A_87 : memref<1x128x64xf32, #tpu.memory_space<vmem>> -> memref<128x64xf32, #tpu.memory_space<vmem>>
          %dma_start3A_89 = arith.constant 0 : i32
          %dma_start3A_90 = tpu.memref_slice %arg12[%add3A_82, %dma_start3A_89] : memref<10240x64xf32, #tpu.memory_space<vmem_shared>> -> memref<128x64xf32, #tpu.memory_space<vmem_shared>>
          %dma_start3A_91 = arith.constant 0 : i32
          %dma_start3A_92 = tpu.memref_slice %arg12[%add3A_82, %dma_start3A_91] : memref<10240x64xf32, #tpu.memory_space<vmem_shared>> -> memref<128x64xf32, #tpu.memory_space<vmem_shared>>
          %dma_start3A_93 = arith.constant 0 : i32
          %dma_start3A_94 = arith.constant 0 : i32
          %dma_start3A_95 = tpu.memref_slice %run_scoped3A[%run_scoped3A_83, %dma_start3A_93, %dma_start3A_94] : memref<2x128x64xf32, #tpu.memory_space<vmem>> -> memref<1x128x64xf32, #tpu.memory_space<vmem>>
          %dma_start3A_96 = tpu.memref_squeeze %dma_start3A_95 : memref<1x128x64xf32, #tpu.memory_space<vmem>> -> memref<128x64xf32, #tpu.memory_space<vmem>>
          tpu.enqueue_dma source(%dma_start3A_96 : memref<128x64xf32, #tpu.memory_space<vmem>>) target(%dma_start3A_92 : memref<128x64xf32, #tpu.memory_space<vmem_shared>>) target_semaphore(%run_scoped3A_84 : memref<!tpu.dma_semaphore, #tpu.memory_space<semaphore_mem>>)
          %dma_wait3A_97 = arith.constant 0 : i32
          %dma_wait3A_98 = arith.constant 0 : i32
          %dma_wait3A_99 = tpu.memref_slice %run_scoped3A[%run_scoped3A_83, %dma_wait3A_97, %dma_wait3A_98] : memref<2x128x64xf32, #tpu.memory_space<vmem>> -> memref<1x128x64xf32, #tpu.memory_space<vmem>>
          %dma_wait3A_100 = tpu.memref_squeeze %dma_wait3A_99 : memref<1x128x64xf32, #tpu.memory_space<vmem>> -> memref<128x64xf32, #tpu.memory_space<vmem>>
          %dma_wait3A_101 = arith.constant 0 : i32
          %dma_wait3A_102 = tpu.memref_slice %arg12[%add3A_82, %dma_wait3A_101] : memref<10240x64xf32, #tpu.memory_space<vmem_shared>> -> memref<128x64xf32, #tpu.memory_space<vmem_shared>>
          %dma_wait3A_103 = arith.constant 0 : i32
          %dma_wait3A_104 = tpu.memref_slice %arg12[%add3A_82, %dma_wait3A_103] : memref<10240x64xf32, #tpu.memory_space<vmem_shared>> -> memref<128x64xf32, #tpu.memory_space<vmem_shared>>
          %dma_wait3A_105 = arith.constant 0 : i32
          %dma_wait3A_106 = arith.constant 0 : i32
          %dma_wait3A_107 = tpu.memref_slice %run_scoped3A[%run_scoped3A_83, %dma_wait3A_105, %dma_wait3A_106] : memref<2x128x64xf32, #tpu.memory_space<vmem>> -> memref<1x128x64xf32, #tpu.memory_space<vmem>>
          %dma_wait3A_108 = tpu.memref_squeeze %dma_wait3A_107 : memref<1x128x64xf32, #tpu.memory_space<vmem>> -> memref<128x64xf32, #tpu.memory_space<vmem>>
          tpu.wait_dma2 semaphore(%run_scoped3A_84 : memref<!tpu.dma_semaphore, #tpu.memory_space<semaphore_mem>>) src(%dma_wait3A_108 : memref<128x64xf32, #tpu.memory_space<vmem>>) dst(%dma_wait3A_104 : memref<128x64xf32, #tpu.memory_space<vmem_shared>>)
          tpu.yield
        }) : () -> ()
      }
      %scan3A_26 = arith.constant 5 : i32
      %barrier3A = arith.constant 0 : index
      tpu.barrier barrier_id(%barrier3A)
      %dma_start3A = arith.constant 0 : i32
      %dma_start3A_27 = arith.constant 0 : i32
      %dma_start3A_28 = arith.constant 0 : i32
      %dma_start3A_29 = arith.constant 0 : i32
      %dma_start3A_30 = tpu.memref_slice %run_scoped3A[%dma_start3A_27, %dma_start3A_28, %dma_start3A_29] : memref<2x128x64xf32, #tpu.memory_space<vmem>> -> memref<1x128x64xf32, #tpu.memory_space<vmem>>
      %dma_start3A_31 = tpu.memref_squeeze %dma_start3A_30 : memref<1x128x64xf32, #tpu.memory_space<vmem>> -> memref<128x64xf32, #tpu.memory_space<vmem>>
      %dma_start3A_32 = arith.constant 0 : i32
      %dma_start3A_33 = tpu.memref_slice %arg5[%dma_start3A, %dma_start3A_32] : memref<79x128xi32, #tpu.memory_space<vmem>> -> memref<1x128xi32, #tpu.memory_space<vmem>>
      %dma_start3A_34 = tpu.memref_squeeze %dma_start3A_33 : memref<1x128xi32, #tpu.memory_space<vmem>> -> memref<128xi32, #tpu.memory_space<vmem>>
      %dma_start3A_35 = arith.constant 0 : i32
      %dma_start3A_36 = arith.constant 0 : i32
      %dma_start3A_37 = tpu.memref_slice %arg11[%dma_start3A_35, %dma_start3A_36] : memref<10240x64xf32, #tpu.memory_space<vmem_shared>> -> memref<10240x64xf32, #tpu.memory_space<vmem_shared>>
      tpu.enqueue_indirect_dma source(%dma_start3A_37 : memref<10240x64xf32, #tpu.memory_space<vmem_shared>>) target(%dma_start3A_31 : memref<128x64xf32, #tpu.memory_space<vmem>>) offsets(%dma_start3A_34 : memref<128xi32, #tpu.memory_space<vmem>>) semaphore(%arg7 : memref<!tpu.dma_semaphore, #tpu.memory_space<semaphore_mem>>)
      %sub3A = arith.constant 0 : i32
      %sub3A_38 = arith.subi %add3A_3, %sub3A : i32
      %sub3A_39 = arith.constant 1 : i32
      %sub3A_40 = arith.constant 1 : i32
      %sub3A_41 = arith.subi %sub3A_39, %sub3A_40 : i32
      %add3A_42 = arith.addi %sub3A_38, %sub3A_41 : i32
      %div3A = arith.constant 1 : i32
      %div3A_43 = arith.divsi %add3A_42, %div3A : i32
      %while3A = arith.constant 1 : i32
      %while3A_44 = arith.constant 0 : i32
      %while3A_45 = arith.constant 0 : i32
      %while3A_46 = arith.subi %div3A_43, %while3A_45 : i32
      %while3A_47 = arith.addi %while3A_45, %while3A_46 : i32
      %while3A_48 = arith.constant 1 : i32
      %while3A_49 = arith.divsi %while3A_46, %while3A_48 : i32
      %while3A_50 = arith.muli %while3A_49, %while3A_48 : i32
      %while3A_51 = arith.addi %while3A_45, %while3A_50 : i32
      %while3A_52 = arith.constant 1 : i32
      scf.for %while3A_73 = %while3A_45 to %while3A_51 step %while3A_52  : i32 {
        %mul3A_74 = arith.muli %while3A_73, %while3A : i32
        %add3A_75 = arith.addi %while3A_44, %mul3A_74 : i32
        %and3A_76 = arith.constant 1 : i32
        %and3A_77 = arith.andi %add3A_75, %and3A_76 : i32
        %dma_wait3A_78 = arith.constant 0 : i32
        %dma_wait3A_79 = arith.constant 0 : i32
        %dma_wait3A_80 = tpu.memref_slice %run_scoped3A[%and3A_77, %dma_wait3A_78, %dma_wait3A_79] : memref<2x128x64xf32, #tpu.memory_space<vmem>> -> memref<1x128x64xf32, #tpu.memory_space<vmem>>
        %dma_wait3A_81 = tpu.memref_squeeze %dma_wait3A_80 : memref<1x128x64xf32, #tpu.memory_space<vmem>> -> memref<128x64xf32, #tpu.memory_space<vmem>>
        %dma_wait3A_82 = arith.constant 0 : i32
        %dma_wait3A_83 = tpu.memref_slice %arg5[%add3A_75, %dma_wait3A_82] : memref<79x128xi32, #tpu.memory_space<vmem>> -> memref<1x128xi32, #tpu.memory_space<vmem>>
        %dma_wait3A_84 = tpu.memref_squeeze %dma_wait3A_83 : memref<1x128xi32, #tpu.memory_space<vmem>> -> memref<128xi32, #tpu.memory_space<vmem>>
        %dma_wait3A_85 = arith.constant 0 : i32
        %dma_wait3A_86 = arith.constant 0 : i32
        %dma_wait3A_87 = tpu.memref_slice %arg11[%dma_wait3A_85, %dma_wait3A_86] : memref<10240x64xf32, #tpu.memory_space<vmem_shared>> -> memref<10240x64xf32, #tpu.memory_space<vmem_shared>>
        tpu.wait_indirect_dma semaphore(%arg7 : memref<!tpu.dma_semaphore, #tpu.memory_space<semaphore_mem>>) src(%dma_wait3A_87 : memref<10240x64xf32, #tpu.memory_space<vmem_shared>>) dst(%dma_wait3A_81 : memref<128x64xf32, #tpu.memory_space<vmem>>)
        %gt3A = arith.constant 0 : i32
        %gt3A_88 = arith.cmpi sgt, %add3A_75, %gt3A : i32
        %convert_element_type3A_89 = arith.extui %gt3A_88 : i1 to i32
        %cond3A_90 = arith.constant 0 : i32
        %cond3A_91 = arith.cmpi ne, %convert_element_type3A_89, %cond3A_90 : i32
        scf.if %cond3A_91 {
          %sub3A_108 = arith.constant 1 : i32
          %sub3A_109 = arith.subi %sub3A_108, %and3A_77 : i32
          %sub3A_110 = arith.constant 1 : i32
          %sub3A_111 = arith.subi %add3A_75, %sub3A_110 : i32
          %dma_wait3A_112 = arith.constant 0 : i32
          %dma_wait3A_113 = arith.constant 0 : i32
          %dma_wait3A_114 = tpu.memref_slice %run_scoped3A[%sub3A_109, %dma_wait3A_112, %dma_wait3A_113] : memref<2x128x64xf32, #tpu.memory_space<vmem>> -> memref<1x128x64xf32, #tpu.memory_space<vmem>>
          %dma_wait3A_115 = tpu.memref_squeeze %dma_wait3A_114 : memref<1x128x64xf32, #tpu.memory_space<vmem>> -> memref<128x64xf32, #tpu.memory_space<vmem>>
          %dma_wait3A_116 = arith.constant 0 : i32
          %dma_wait3A_117 = tpu.memref_slice %arg6[%sub3A_111, %dma_wait3A_116] : memref<79x128xi32, #tpu.memory_space<vmem>> -> memref<1x128xi32, #tpu.memory_space<vmem>>
          %dma_wait3A_118 = tpu.memref_squeeze %dma_wait3A_117 : memref<1x128xi32, #tpu.memory_space<vmem>> -> memref<128xi32, #tpu.memory_space<vmem>>
          %dma_wait3A_119 = arith.constant 0 : i32
          %dma_wait3A_120 = arith.constant 0 : i32
          %dma_wait3A_121 = tpu.memref_slice %arg12[%dma_wait3A_119, %dma_wait3A_120] : memref<10240x64xf32, #tpu.memory_space<vmem_shared>> -> memref<10240x64xf32, #tpu.memory_space<vmem_shared>>
          tpu.wait_indirect_dma semaphore(%arg9 : memref<!tpu.dma_semaphore, #tpu.memory_space<semaphore_mem>>) src(%dma_wait3A_115 : memref<128x64xf32, #tpu.memory_space<vmem>>) dst(%dma_wait3A_121 : memref<10240x64xf32, #tpu.memory_space<vmem_shared>>)
        } else {
        }
        %sub3A_92 = arith.constant 1 : i32
        %sub3A_93 = arith.subi %add3A_3, %sub3A_92 : i32
        %lt3A_94 = arith.cmpi slt, %add3A_75, %sub3A_93 : i32
        %convert_element_type3A_95 = arith.extui %lt3A_94 : i1 to i32
        %cond3A_96 = arith.constant 0 : i32
        %cond3A_97 = arith.cmpi ne, %convert_element_type3A_95, %cond3A_96 : i32
        scf.if %cond3A_97 {
          %add3A_108 = arith.constant 1 : i32
          %add3A_109 = arith.addi %add3A_75, %add3A_108 : i32
          %sub3A_110 = arith.constant 1 : i32
          %sub3A_111 = arith.subi %sub3A_110, %and3A_77 : i32
          %dma_start3A_112 = arith.constant 0 : i32
          %dma_start3A_113 = arith.constant 0 : i32
          %dma_start3A_114 = tpu.memref_slice %run_scoped3A[%sub3A_111, %dma_start3A_112, %dma_start3A_113] : memref<2x128x64xf32, #tpu.memory_space<vmem>> -> memref<1x128x64xf32, #tpu.memory_space<vmem>>
          %dma_start3A_115 = tpu.memref_squeeze %dma_start3A_114 : memref<1x128x64xf32, #tpu.memory_space<vmem>> -> memref<128x64xf32, #tpu.memory_space<vmem>>
          %dma_start3A_116 = arith.constant 0 : i32
          %dma_start3A_117 = tpu.memref_slice %arg5[%add3A_109, %dma_start3A_116] : memref<79x128xi32, #tpu.memory_space<vmem>> -> memref<1x128xi32, #tpu.memory_space<vmem>>
          %dma_start3A_118 = tpu.memref_squeeze %dma_start3A_117 : memref<1x128xi32, #tpu.memory_space<vmem>> -> memref<128xi32, #tpu.memory_space<vmem>>
          %dma_start3A_119 = arith.constant 0 : i32
          %dma_start3A_120 = arith.constant 0 : i32
          %dma_start3A_121 = tpu.memref_slice %arg11[%dma_start3A_119, %dma_start3A_120] : memref<10240x64xf32, #tpu.memory_space<vmem_shared>> -> memref<10240x64xf32, #tpu.memory_space<vmem_shared>>
          tpu.enqueue_indirect_dma source(%dma_start3A_121 : memref<10240x64xf32, #tpu.memory_space<vmem_shared>>) target(%dma_start3A_115 : memref<128x64xf32, #tpu.memory_space<vmem>>) offsets(%dma_start3A_118 : memref<128xi32, #tpu.memory_space<vmem>>) semaphore(%arg7 : memref<!tpu.dma_semaphore, #tpu.memory_space<semaphore_mem>>)
        } else {
        }
        %dma_start3A_98 = arith.constant 0 : i32
        %dma_start3A_99 = arith.constant 0 : i32
        %dma_start3A_100 = tpu.memref_slice %run_scoped3A[%and3A_77, %dma_start3A_98, %dma_start3A_99] : memref<2x128x64xf32, #tpu.memory_space<vmem>> -> memref<1x128x64xf32, #tpu.memory_space<vmem>>
        %dma_start3A_101 = tpu.memref_squeeze %dma_start3A_100 : memref<1x128x64xf32, #tpu.memory_space<vmem>> -> memref<128x64xf32, #tpu.memory_space<vmem>>
        %dma_start3A_102 = arith.constant 0 : i32
        %dma_start3A_103 = tpu.memref_slice %arg6[%add3A_75, %dma_start3A_102] : memref<79x128xi32, #tpu.memory_space<vmem>> -> memref<1x128xi32, #tpu.memory_space<vmem>>
        %dma_start3A_104 = tpu.memref_squeeze %dma_start3A_103 : memref<1x128xi32, #tpu.memory_space<vmem>> -> memref<128xi32, #tpu.memory_space<vmem>>
        %dma_start3A_105 = arith.constant 0 : i32
        %dma_start3A_106 = arith.constant 0 : i32
        %dma_start3A_107 = tpu.memref_slice %arg12[%dma_start3A_105, %dma_start3A_106] : memref<10240x64xf32, #tpu.memory_space<vmem_shared>> -> memref<10240x64xf32, #tpu.memory_space<vmem_shared>>
        tpu.enqueue_indirect_dma source(%dma_start3A_101 : memref<128x64xf32, #tpu.memory_space<vmem>>) target(%dma_start3A_107 : memref<10240x64xf32, #tpu.memory_space<vmem_shared>>) offsets(%dma_start3A_104 : memref<128xi32, #tpu.memory_space<vmem>>) semaphore(%arg9 : memref<!tpu.dma_semaphore, #tpu.memory_space<semaphore_mem>>) {add = true}
      }
      %while3A_53 = arith.constant 1 : i32
      scf.for %while3A_73 = %while3A_51 to %while3A_47 step %while3A_53  : i32 {
        %mul3A_74 = arith.muli %while3A_73, %while3A : i32
        %add3A_75 = arith.addi %while3A_44, %mul3A_74 : i32
        %and3A_76 = arith.constant 1 : i32
        %and3A_77 = arith.andi %add3A_75, %and3A_76 : i32
        %dma_wait3A_78 = arith.constant 0 : i32
        %dma_wait3A_79 = arith.constant 0 : i32
        %dma_wait3A_80 = tpu.memref_slice %run_scoped3A[%and3A_77, %dma_wait3A_78, %dma_wait3A_79] : memref<2x128x64xf32, #tpu.memory_space<vmem>> -> memref<1x128x64xf32, #tpu.memory_space<vmem>>
        %dma_wait3A_81 = tpu.memref_squeeze %dma_wait3A_80 : memref<1x128x64xf32, #tpu.memory_space<vmem>> -> memref<128x64xf32, #tpu.memory_space<vmem>>
        %dma_wait3A_82 = arith.constant 0 : i32
        %dma_wait3A_83 = tpu.memref_slice %arg5[%add3A_75, %dma_wait3A_82] : memref<79x128xi32, #tpu.memory_space<vmem>> -> memref<1x128xi32, #tpu.memory_space<vmem>>
        %dma_wait3A_84 = tpu.memref_squeeze %dma_wait3A_83 : memref<1x128xi32, #tpu.memory_space<vmem>> -> memref<128xi32, #tpu.memory_space<vmem>>
        %dma_wait3A_85 = arith.constant 0 : i32
        %dma_wait3A_86 = arith.constant 0 : i32
        %dma_wait3A_87 = tpu.memref_slice %arg11[%dma_wait3A_85, %dma_wait3A_86] : memref<10240x64xf32, #tpu.memory_space<vmem_shared>> -> memref<10240x64xf32, #tpu.memory_space<vmem_shared>>
        tpu.wait_indirect_dma semaphore(%arg7 : memref<!tpu.dma_semaphore, #tpu.memory_space<semaphore_mem>>) src(%dma_wait3A_87 : memref<10240x64xf32, #tpu.memory_space<vmem_shared>>) dst(%dma_wait3A_81 : memref<128x64xf32, #tpu.memory_space<vmem>>)
        %gt3A = arith.constant 0 : i32
        %gt3A_88 = arith.cmpi sgt, %add3A_75, %gt3A : i32
        %convert_element_type3A_89 = arith.extui %gt3A_88 : i1 to i32
        %cond3A_90 = arith.constant 0 : i32
        %cond3A_91 = arith.cmpi ne, %convert_element_type3A_89, %cond3A_90 : i32
        scf.if %cond3A_91 {
          %sub3A_108 = arith.constant 1 : i32
          %sub3A_109 = arith.subi %sub3A_108, %and3A_77 : i32
          %sub3A_110 = arith.constant 1 : i32
          %sub3A_111 = arith.subi %add3A_75, %sub3A_110 : i32
          %dma_wait3A_112 = arith.constant 0 : i32
          %dma_wait3A_113 = arith.constant 0 : i32
          %dma_wait3A_114 = tpu.memref_slice %run_scoped3A[%sub3A_109, %dma_wait3A_112, %dma_wait3A_113] : memref<2x128x64xf32, #tpu.memory_space<vmem>> -> memref<1x128x64xf32, #tpu.memory_space<vmem>>
          %dma_wait3A_115 = tpu.memref_squeeze %dma_wait3A_114 : memref<1x128x64xf32, #tpu.memory_space<vmem>> -> memref<128x64xf32, #tpu.memory_space<vmem>>
          %dma_wait3A_116 = arith.constant 0 : i32
          %dma_wait3A_117 = tpu.memref_slice %arg6[%sub3A_111, %dma_wait3A_116] : memref<79x128xi32, #tpu.memory_space<vmem>> -> memref<1x128xi32, #tpu.memory_space<vmem>>
          %dma_wait3A_118 = tpu.memref_squeeze %dma_wait3A_117 : memref<1x128xi32, #tpu.memory_space<vmem>> -> memref<128xi32, #tpu.memory_space<vmem>>
          %dma_wait3A_119 = arith.constant 0 : i32
          %dma_wait3A_120 = arith.constant 0 : i32
          %dma_wait3A_121 = tpu.memref_slice %arg12[%dma_wait3A_119, %dma_wait3A_120] : memref<10240x64xf32, #tpu.memory_space<vmem_shared>> -> memref<10240x64xf32, #tpu.memory_space<vmem_shared>>
          tpu.wait_indirect_dma semaphore(%arg9 : memref<!tpu.dma_semaphore, #tpu.memory_space<semaphore_mem>>) src(%dma_wait3A_115 : memref<128x64xf32, #tpu.memory_space<vmem>>) dst(%dma_wait3A_121 : memref<10240x64xf32, #tpu.memory_space<vmem_shared>>)
        } else {
        }
        %sub3A_92 = arith.constant 1 : i32
        %sub3A_93 = arith.subi %add3A_3, %sub3A_92 : i32
        %lt3A_94 = arith.cmpi slt, %add3A_75, %sub3A_93 : i32
        %convert_element_type3A_95 = arith.extui %lt3A_94 : i1 to i32
        %cond3A_96 = arith.constant 0 : i32
        %cond3A_97 = arith.cmpi ne, %convert_element_type3A_95, %cond3A_96 : i32
        scf.if %cond3A_97 {
          %add3A_108 = arith.constant 1 : i32
          %add3A_109 = arith.addi %add3A_75, %add3A_108 : i32
          %sub3A_110 = arith.constant 1 : i32
          %sub3A_111 = arith.subi %sub3A_110, %and3A_77 : i32
          %dma_start3A_112 = arith.constant 0 : i32
          %dma_start3A_113 = arith.constant 0 : i32
          %dma_start3A_114 = tpu.memref_slice %run_scoped3A[%sub3A_111, %dma_start3A_112, %dma_start3A_113] : memref<2x128x64xf32, #tpu.memory_space<vmem>> -> memref<1x128x64xf32, #tpu.memory_space<vmem>>
          %dma_start3A_115 = tpu.memref_squeeze %dma_start3A_114 : memref<1x128x64xf32, #tpu.memory_space<vmem>> -> memref<128x64xf32, #tpu.memory_space<vmem>>
          %dma_start3A_116 = arith.constant 0 : i32
          %dma_start3A_117 = tpu.memref_slice %arg5[%add3A_109, %dma_start3A_116] : memref<79x128xi32, #tpu.memory_space<vmem>> -> memref<1x128xi32, #tpu.memory_space<vmem>>
          %dma_start3A_118 = tpu.memref_squeeze %dma_start3A_117 : memref<1x128xi32, #tpu.memory_space<vmem>> -> memref<128xi32, #tpu.memory_space<vmem>>
          %dma_start3A_119 = arith.constant 0 : i32
          %dma_start3A_120 = arith.constant 0 : i32
          %dma_start3A_121 = tpu.memref_slice %arg11[%dma_start3A_119, %dma_start3A_120] : memref<10240x64xf32, #tpu.memory_space<vmem_shared>> -> memref<10240x64xf32, #tpu.memory_space<vmem_shared>>
          tpu.enqueue_indirect_dma source(%dma_start3A_121 : memref<10240x64xf32, #tpu.memory_space<vmem_shared>>) target(%dma_start3A_115 : memref<128x64xf32, #tpu.memory_space<vmem>>) offsets(%dma_start3A_118 : memref<128xi32, #tpu.memory_space<vmem>>) semaphore(%arg7 : memref<!tpu.dma_semaphore, #tpu.memory_space<semaphore_mem>>)
        } else {
        }
        %dma_start3A_98 = arith.constant 0 : i32
        %dma_start3A_99 = arith.constant 0 : i32
        %dma_start3A_100 = tpu.memref_slice %run_scoped3A[%and3A_77, %dma_start3A_98, %dma_start3A_99] : memref<2x128x64xf32, #tpu.memory_space<vmem>> -> memref<1x128x64xf32, #tpu.memory_space<vmem>>
        %dma_start3A_101 = tpu.memref_squeeze %dma_start3A_100 : memref<1x128x64xf32, #tpu.memory_space<vmem>> -> memref<128x64xf32, #tpu.memory_space<vmem>>
        %dma_start3A_102 = arith.constant 0 : i32
        %dma_start3A_103 = tpu.memref_slice %arg6[%add3A_75, %dma_start3A_102] : memref<79x128xi32, #tpu.memory_space<vmem>> -> memref<1x128xi32, #tpu.memory_space<vmem>>
        %dma_start3A_104 = tpu.memref_squeeze %dma_start3A_103 : memref<1x128xi32, #tpu.memory_space<vmem>> -> memref<128xi32, #tpu.memory_space<vmem>>
        %dma_start3A_105 = arith.constant 0 : i32
        %dma_start3A_106 = arith.constant 0 : i32
        %dma_start3A_107 = tpu.memref_slice %arg12[%dma_start3A_105, %dma_start3A_106] : memref<10240x64xf32, #tpu.memory_space<vmem_shared>> -> memref<10240x64xf32, #tpu.memory_space<vmem_shared>>
        tpu.enqueue_indirect_dma source(%dma_start3A_101 : memref<128x64xf32, #tpu.memory_space<vmem>>) target(%dma_start3A_107 : memref<10240x64xf32, #tpu.memory_space<vmem_shared>>) offsets(%dma_start3A_104 : memref<128xi32, #tpu.memory_space<vmem>>) semaphore(%arg9 : memref<!tpu.dma_semaphore, #tpu.memory_space<semaphore_mem>>) {add = true}
      }
      %sub3A_54 = arith.constant 1 : i32
      %sub3A_55 = arith.subi %add3A_3, %sub3A_54 : i32
      %and3A = arith.constant 1 : i32
      %and3A_56 = arith.andi %sub3A_55, %and3A : i32
      %sub3A_57 = arith.constant 1 : i32
      %sub3A_58 = arith.subi %add3A_3, %sub3A_57 : i32
      %dma_wait3A = arith.constant 0 : i32
      %dma_wait3A_59 = arith.constant 0 : i32
      %dma_wait3A_60 = tpu.memref_slice %run_scoped3A[%and3A_56, %dma_wait3A, %dma_wait3A_59] : memref<2x128x64xf32, #tpu.memory_space<vmem>> -> memref<1x128x64xf32, #tpu.memory_space<vmem>>
      %dma_wait3A_61 = tpu.memref_squeeze %dma_wait3A_60 : memref<1x128x64xf32, #tpu.memory_space<vmem>> -> memref<128x64xf32, #tpu.memory_space<vmem>>
      %dma_wait3A_62 = arith.constant 0 : i32
      %dma_wait3A_63 = tpu.memref_slice %arg6[%sub3A_58, %dma_wait3A_62] : memref<79x128xi32, #tpu.memory_space<vmem>> -> memref<1x128xi32, #tpu.memory_space<vmem>>
      %dma_wait3A_64 = tpu.memref_squeeze %dma_wait3A_63 : memref<1x128xi32, #tpu.memory_space<vmem>> -> memref<128xi32, #tpu.memory_space<vmem>>
      %dma_wait3A_65 = arith.constant 0 : i32
      %dma_wait3A_66 = arith.constant 0 : i32
      %dma_wait3A_67 = tpu.memref_slice %arg12[%dma_wait3A_65, %dma_wait3A_66] : memref<10240x64xf32, #tpu.memory_space<vmem_shared>> -> memref<10240x64xf32, #tpu.memory_space<vmem_shared>>
      tpu.wait_indirect_dma semaphore(%arg9 : memref<!tpu.dma_semaphore, #tpu.memory_space<semaphore_mem>>) src(%dma_wait3A_61 : memref<128x64xf32, #tpu.memory_space<vmem>>) dst(%dma_wait3A_67 : memref<10240x64xf32, #tpu.memory_space<vmem_shared>>)
      %barrier3A_68 = arith.constant 0 : index
      tpu.barrier barrier_id(%barrier3A_68)
      %mul3A_69 = arith.constant 640 : i32
      %mul3A_70 = arith.muli %arg1, %mul3A_69 : i32
      %mul3A_71 = arith.constant 640 : i32
      %mul3A_72 = arith.muli %arg1, %mul3A_71 : i32
      "tpu.region"() ({
        %run_scoped3A_73 = tpu.sem_alloc : memref<!tpu.dma_semaphore, #tpu.memory_space<semaphore_mem>>
        %dma_start3A_74 = arith.constant 0 : i32
        %dma_start3A_75 = tpu.memref_slice %arg4[%arg0, %mul3A_72, %dma_start3A_74] : memref<2x10240x64xf32, #tpu.memory_space<hbm>> -> memref<1x640x64xf32, #tpu.memory_space<hbm>>
        %dma_start3A_76 = tpu.memref_squeeze %dma_start3A_75 : memref<1x640x64xf32, #tpu.memory_space<hbm>> -> memref<640x64xf32, #tpu.memory_space<hbm>>
        %dma_start3A_77 = arith.constant 0 : i32
        %dma_start3A_78 = tpu.memref_slice %arg12[%mul3A_70, %dma_start3A_77] : memref<10240x64xf32, #tpu.memory_space<vmem_shared>> -> memref<640x64xf32, #tpu.memory_space<vmem_shared>>
        tpu.enqueue_dma source(%dma_start3A_78 : memref<640x64xf32, #tpu.memory_space<vmem_shared>>) target(%dma_start3A_76 : memref<640x64xf32, #tpu.memory_space<hbm>>) target_semaphore(%run_scoped3A_73 : memref<!tpu.dma_semaphore, #tpu.memory_space<semaphore_mem>>)
        %dma_wait3A_79 = arith.constant 0 : i32
        %dma_wait3A_80 = tpu.memref_slice %arg4[%arg0, %mul3A_72, %dma_wait3A_79] : memref<2x10240x64xf32, #tpu.memory_space<hbm>> -> memref<1x640x64xf32, #tpu.memory_space<hbm>>
        %dma_wait3A_81 = tpu.memref_squeeze %dma_wait3A_80 : memref<1x640x64xf32, #tpu.memory_space<hbm>> -> memref<640x64xf32, #tpu.memory_space<hbm>>
        %dma_wait3A_82 = arith.constant 0 : i32
        %dma_wait3A_83 = tpu.memref_slice %arg12[%mul3A_70, %dma_wait3A_82] : memref<10240x64xf32, #tpu.memory_space<vmem_shared>> -> memref<640x64xf32, #tpu.memory_space<vmem_shared>>
        tpu.wait_dma2 semaphore(%run_scoped3A_73 : memref<!tpu.dma_semaphore, #tpu.memory_space<semaphore_mem>>) src(%dma_wait3A_83 : memref<640x64xf32, #tpu.memory_space<vmem_shared>>) dst(%dma_wait3A_81 : memref<640x64xf32, #tpu.memory_space<hbm>>)
        tpu.yield
      }) : () -> ()
      tpu.yield
    }) : () -> ()
    return
  }
}

#map = affine_map<(d0, d1) -> (0, 0, 0)>
module attributes {stable_mosaic.version = 14 : i64} {
  func.func @_deg_body(%arg0: i32, %arg1: i32, %arg2: memref<2x2500x128xi32, #tpu.memory_space<hbm>>, %arg3: memref<2x10240x16xf32, #tpu.memory_space<hbm>>, %arg4: memref<79x128xi32, #tpu.memory_space<vmem>>, %arg5: memref<128x16xf32, #tpu.memory_space<vmem>>, %arg6: memref<!tpu.dma_semaphore, #tpu.memory_space<semaphore_mem>>, %arg7: memref<10240x16xf32, #tpu.memory_space<vmem_shared>>) attributes {dimension_semantics = [#tpu.dimension_semantics<core_parallel>, #tpu.dimension_semantics<subcore_parallel>], iteration_bounds = array<i64: 2, 16>, scalar_prefetch = 0 : i64, scratch_operands = 4 : i64, tpu.core_type = #tpu.core_type<sc_vector_subcore>, window_params = [{transform_indices = #map}, {transform_indices = #map}]} {
    %mul3A = arith.constant 16 : i32
    %mul3A_0 = arith.muli %arg0, %mul3A : i32
    %add3A = arith.addi %mul3A_0, %arg1 : i32
    %lt3A = arith.constant 4 : i32
    %lt3A_1 = arith.cmpi slt, %add3A, %lt3A : i32
    %convert_element_type3A = arith.extui %lt3A_1 : i1 to i32
    %add3A_2 = arith.constant 78 : i32
    %add3A_3 = arith.addi %add3A_2, %convert_element_type3A : i32
    %mul3A_4 = arith.constant 78 : i32
    %mul3A_5 = arith.muli %add3A, %mul3A_4 : i32
    %run_scoped3A = arith.constant 1 : i32
    "tpu.region"() ({
      %run_scoped3A_45 = tpu.sem_alloc : memref<!tpu.dma_semaphore, #tpu.memory_space<semaphore_mem>>
      %dma_start3A = arith.constant 0 : i32
      %dma_start3A_46 = arith.constant 0 : i32
      %dma_start3A_47 = tpu.memref_slice %arg4[%dma_start3A, %dma_start3A_46] : memref<79x128xi32, #tpu.memory_space<vmem>> -> memref<78x128xi32, #tpu.memory_space<vmem>>
      %dma_start3A_48 = arith.constant 0 : i32
      %dma_start3A_49 = tpu.memref_slice %arg2[%run_scoped3A, %mul3A_5, %dma_start3A_48] : memref<2x2500x128xi32, #tpu.memory_space<hbm>> -> memref<1x78x128xi32, #tpu.memory_space<hbm>>
      %dma_start3A_50 = tpu.memref_squeeze %dma_start3A_49 : memref<1x78x128xi32, #tpu.memory_space<hbm>> -> memref<78x128xi32, #tpu.memory_space<hbm>>
      %dma_start3A_51 = arith.constant 0 : i32
      %dma_start3A_52 = arith.constant 0 : i32
      %dma_start3A_53 = tpu.memref_slice %arg4[%dma_start3A_51, %dma_start3A_52] : memref<79x128xi32, #tpu.memory_space<vmem>> -> memref<78x128xi32, #tpu.memory_space<vmem>>
      %dma_start3A_54 = arith.constant 0 : i32
      %dma_start3A_55 = tpu.memref_slice %arg2[%run_scoped3A, %mul3A_5, %dma_start3A_54] : memref<2x2500x128xi32, #tpu.memory_space<hbm>> -> memref<1x78x128xi32, #tpu.memory_space<hbm>>
      %dma_start3A_56 = tpu.memref_squeeze %dma_start3A_55 : memref<1x78x128xi32, #tpu.memory_space<hbm>> -> memref<78x128xi32, #tpu.memory_space<hbm>>
      tpu.enqueue_dma source(%dma_start3A_56 : memref<78x128xi32, #tpu.memory_space<hbm>>) target(%dma_start3A_53 : memref<78x128xi32, #tpu.memory_space<vmem>>) target_semaphore(%run_scoped3A_45 : memref<!tpu.dma_semaphore, #tpu.memory_space<semaphore_mem>>)
      %dma_wait3A = arith.constant 0 : i32
      %dma_wait3A_57 = arith.constant 0 : i32
      %dma_wait3A_58 = tpu.memref_slice %arg4[%dma_wait3A, %dma_wait3A_57] : memref<79x128xi32, #tpu.memory_space<vmem>> -> memref<78x128xi32, #tpu.memory_space<vmem>>
      %dma_wait3A_59 = arith.constant 0 : i32
      %dma_wait3A_60 = tpu.memref_slice %arg2[%run_scoped3A, %mul3A_5, %dma_wait3A_59] : memref<2x2500x128xi32, #tpu.memory_space<hbm>> -> memref<1x78x128xi32, #tpu.memory_space<hbm>>
      %dma_wait3A_61 = tpu.memref_squeeze %dma_wait3A_60 : memref<1x78x128xi32, #tpu.memory_space<hbm>> -> memref<78x128xi32, #tpu.memory_space<hbm>>
      %dma_wait3A_62 = arith.constant 0 : i32
      %dma_wait3A_63 = arith.constant 0 : i32
      %dma_wait3A_64 = tpu.memref_slice %arg4[%dma_wait3A_62, %dma_wait3A_63] : memref<79x128xi32, #tpu.memory_space<vmem>> -> memref<78x128xi32, #tpu.memory_space<vmem>>
      %dma_wait3A_65 = arith.constant 0 : i32
      %dma_wait3A_66 = tpu.memref_slice %arg2[%run_scoped3A, %mul3A_5, %dma_wait3A_65] : memref<2x2500x128xi32, #tpu.memory_space<hbm>> -> memref<1x78x128xi32, #tpu.memory_space<hbm>>
      %dma_wait3A_67 = tpu.memref_squeeze %dma_wait3A_66 : memref<1x78x128xi32, #tpu.memory_space<hbm>> -> memref<78x128xi32, #tpu.memory_space<hbm>>
      tpu.wait_dma2 semaphore(%run_scoped3A_45 : memref<!tpu.dma_semaphore, #tpu.memory_space<semaphore_mem>>) src(%dma_wait3A_67 : memref<78x128xi32, #tpu.memory_space<hbm>>) dst(%dma_wait3A_64 : memref<78x128xi32, #tpu.memory_space<vmem>>)
      tpu.yield
    }) : () -> ()
    %lt3A_6 = arith.constant 4 : i32
    %lt3A_7 = arith.cmpi slt, %add3A, %lt3A_6 : i32
    %convert_element_type3A_8 = arith.extui %lt3A_7 : i1 to i32
    %cond3A = arith.constant 0 : i32
    %cond3A_9 = arith.cmpi ne, %convert_element_type3A_8, %cond3A : i32
    scf.if %cond3A_9 {
      %add3A_45 = arith.constant 2496 : i32
      %add3A_46 = arith.addi %add3A_45, %add3A : i32
      %run_scoped3A_47 = arith.constant 1 : i32
      "tpu.region"() ({
        %run_scoped3A_48 = tpu.sem_alloc : memref<!tpu.dma_semaphore, #tpu.memory_space<semaphore_mem>>
        %dma_start3A = arith.constant 78 : i32
        %dma_start3A_49 = arith.constant 0 : i32
        %dma_start3A_50 = tpu.memref_slice %arg4[%dma_start3A, %dma_start3A_49] : memref<79x128xi32, #tpu.memory_space<vmem>> -> memref<1x128xi32, #tpu.memory_space<vmem>>
        %dma_start3A_51 = arith.constant 0 : i32
        %dma_start3A_52 = tpu.memref_slice %arg2[%run_scoped3A_47, %add3A_46, %dma_start3A_51] : memref<2x2500x128xi32, #tpu.memory_space<hbm>> -> memref<1x1x128xi32, #tpu.memory_space<hbm>>
        %dma_start3A_53 = tpu.memref_squeeze %dma_start3A_52 : memref<1x1x128xi32, #tpu.memory_space<hbm>> -> memref<1x128xi32, #tpu.memory_space<hbm>>
        %dma_start3A_54 = arith.constant 78 : i32
        %dma_start3A_55 = arith.constant 0 : i32
        %dma_start3A_56 = tpu.memref_slice %arg4[%dma_start3A_54, %dma_start3A_55] : memref<79x128xi32, #tpu.memory_space<vmem>> -> memref<1x128xi32, #tpu.memory_space<vmem>>
        %dma_start3A_57 = arith.constant 0 : i32
        %dma_start3A_58 = tpu.memref_slice %arg2[%run_scoped3A_47, %add3A_46, %dma_start3A_57] : memref<2x2500x128xi32, #tpu.memory_space<hbm>> -> memref<1x1x128xi32, #tpu.memory_space<hbm>>
        %dma_start3A_59 = tpu.memref_squeeze %dma_start3A_58 : memref<1x1x128xi32, #tpu.memory_space<hbm>> -> memref<1x128xi32, #tpu.memory_space<hbm>>
        tpu.enqueue_dma source(%dma_start3A_59 : memref<1x128xi32, #tpu.memory_space<hbm>>) target(%dma_start3A_56 : memref<1x128xi32, #tpu.memory_space<vmem>>) target_semaphore(%run_scoped3A_48 : memref<!tpu.dma_semaphore, #tpu.memory_space<semaphore_mem>>)
        %dma_wait3A = arith.constant 78 : i32
        %dma_wait3A_60 = arith.constant 0 : i32
        %dma_wait3A_61 = tpu.memref_slice %arg4[%dma_wait3A, %dma_wait3A_60] : memref<79x128xi32, #tpu.memory_space<vmem>> -> memref<1x128xi32, #tpu.memory_space<vmem>>
        %dma_wait3A_62 = arith.constant 0 : i32
        %dma_wait3A_63 = tpu.memref_slice %arg2[%run_scoped3A_47, %add3A_46, %dma_wait3A_62] : memref<2x2500x128xi32, #tpu.memory_space<hbm>> -> memref<1x1x128xi32, #tpu.memory_space<hbm>>
        %dma_wait3A_64 = tpu.memref_squeeze %dma_wait3A_63 : memref<1x1x128xi32, #tpu.memory_space<hbm>> -> memref<1x128xi32, #tpu.memory_space<hbm>>
        %dma_wait3A_65 = arith.constant 78 : i32
        %dma_wait3A_66 = arith.constant 0 : i32
        %dma_wait3A_67 = tpu.memref_slice %arg4[%dma_wait3A_65, %dma_wait3A_66] : memref<79x128xi32, #tpu.memory_space<vmem>> -> memref<1x128xi32, #tpu.memory_space<vmem>>
        %dma_wait3A_68 = arith.constant 0 : i32
        %dma_wait3A_69 = tpu.memref_slice %arg2[%run_scoped3A_47, %add3A_46, %dma_wait3A_68] : memref<2x2500x128xi32, #tpu.memory_space<hbm>> -> memref<1x1x128xi32, #tpu.memory_space<hbm>>
        %dma_wait3A_70 = tpu.memref_squeeze %dma_wait3A_69 : memref<1x1x128xi32, #tpu.memory_space<hbm>> -> memref<1x128xi32, #tpu.memory_space<hbm>>
        tpu.wait_dma2 semaphore(%run_scoped3A_48 : memref<!tpu.dma_semaphore, #tpu.memory_space<semaphore_mem>>) src(%dma_wait3A_70 : memref<1x128xi32, #tpu.memory_space<hbm>>) dst(%dma_wait3A_67 : memref<1x128xi32, #tpu.memory_space<vmem>>)
        tpu.yield
      }) : () -> ()
    } else {
    }
    %scan3A = arith.constant 0 : i32
    %scan3A_10 = arith.constant 128 : i32
    %scan3A_11 = arith.addi %scan3A, %scan3A_10 : i32
    %scan3A_12 = arith.constant 1 : i32
    scf.for %scan3A_45 = %scan3A to %scan3A_11 step %scan3A_12  : i32 {
      %mul3A_46 = arith.constant 1 : i32
      %mul3A_47 = arith.muli %scan3A_45, %mul3A_46 : i32
      %add3A_48 = arith.constant 0 : i32
      %add3A_49 = arith.addi %add3A_48, %mul3A_47 : i32
      %broadcast_in_dim3A = arith.constant 0.000000e+00 : f32
      %broadcast_in_dim3A_50 = vector.broadcast %broadcast_in_dim3A : f32 to vector<16xf32>
      %swap3A = arith.index_cast %add3A_49 : i32 to index
      %swap3A_51 = arith.constant 0 : index
      %swap3A_52 = tpu.vector_load %arg5[%swap3A, %swap3A_51] {strides = array<i32>} : memref<128x16xf32, #tpu.memory_space<vmem>>, vector<1x16xf32>,
      %swap3A_53 = vector.shape_cast %swap3A_52 : vector<1x16xf32> to vector<16xf32>
      %swap3A_54 = vector.shape_cast %broadcast_in_dim3A_50 : vector<16xf32> to vector<1x16xf32>
      tpu.vector_store %arg5[%swap3A, %swap3A_51], %swap3A_54 {strides = array<i32>} : memref<128x16xf32, #tpu.memory_space<vmem>>, vector<1x16xf32>,
    }
    %scan3A_13 = arith.constant 128 : i32
    %scan3A_14 = arith.constant 0 : i32
    %scan3A_15 = arith.constant 5 : i32
    %scan3A_16 = arith.addi %scan3A_14, %scan3A_15 : i32
    %scan3A_17 = arith.constant 1 : i32
    scf.for %scan3A_45 = %scan3A_14 to %scan3A_16 step %scan3A_17  : i32 {
      %mul3A_46 = arith.constant 1 : i32
      %mul3A_47 = arith.muli %scan3A_45, %mul3A_46 : i32
      %add3A_48 = arith.constant 0 : i32
      %add3A_49 = arith.addi %add3A_48, %mul3A_47 : i32
      %mul3A_50 = arith.constant 640 : i32
      %mul3A_51 = arith.muli %arg1, %mul3A_50 : i32
      %mul3A_52 = arith.constant 128 : i32
      %mul3A_53 = arith.muli %add3A_49, %mul3A_52 : i32
      %add3A_54 = arith.addi %mul3A_51, %mul3A_53 : i32
      "tpu.region"() ({
        %run_scoped3A_55 = tpu.sem_alloc : memref<!tpu.dma_semaphore, #tpu.memory_space<semaphore_mem>>
        %dma_start3A = arith.constant 0 : i32
        %dma_start3A_56 = tpu.memref_slice %arg7[%add3A_54, %dma_start3A] : memref<10240x16xf32, #tpu.memory_space<vmem_shared>> -> memref<128x16xf32, #tpu.memory_space<vmem_shared>>
        %dma_start3A_57 = arith.constant 0 : i32
        %dma_start3A_58 = tpu.memref_slice %arg7[%add3A_54, %dma_start3A_57] : memref<10240x16xf32, #tpu.memory_space<vmem_shared>> -> memref<128x16xf32, #tpu.memory_space<vmem_shared>>
        tpu.enqueue_dma source(%arg5 : memref<128x16xf32, #tpu.memory_space<vmem>>) target(%dma_start3A_58 : memref<128x16xf32, #tpu.memory_space<vmem_shared>>) target_semaphore(%run_scoped3A_55 : memref<!tpu.dma_semaphore, #tpu.memory_space<semaphore_mem>>)
        %dma_wait3A = arith.constant 0 : i32
        %dma_wait3A_59 = tpu.memref_slice %arg7[%add3A_54, %dma_wait3A] : memref<10240x16xf32, #tpu.memory_space<vmem_shared>> -> memref<128x16xf32, #tpu.memory_space<vmem_shared>>
        %dma_wait3A_60 = arith.constant 0 : i32
        %dma_wait3A_61 = tpu.memref_slice %arg7[%add3A_54, %dma_wait3A_60] : memref<10240x16xf32, #tpu.memory_space<vmem_shared>> -> memref<128x16xf32, #tpu.memory_space<vmem_shared>>
        tpu.wait_dma2 semaphore(%run_scoped3A_55 : memref<!tpu.dma_semaphore, #tpu.memory_space<semaphore_mem>>) src(%arg5 : memref<128x16xf32, #tpu.memory_space<vmem>>) dst(%dma_wait3A_61 : memref<128x16xf32, #tpu.memory_space<vmem_shared>>)
        tpu.yield
      }) : () -> ()
    }
    %scan3A_18 = arith.constant 5 : i32
    %scan3A_19 = arith.constant 0 : i32
    %scan3A_20 = arith.constant 128 : i32
    %scan3A_21 = arith.addi %scan3A_19, %scan3A_20 : i32
    %scan3A_22 = arith.constant 1 : i32
    scf.for %scan3A_45 = %scan3A_19 to %scan3A_21 step %scan3A_22  : i32 {
      %mul3A_46 = arith.constant 1 : i32
      %mul3A_47 = arith.muli %scan3A_45, %mul3A_46 : i32
      %add3A_48 = arith.constant 0 : i32
      %add3A_49 = arith.addi %add3A_48, %mul3A_47 : i32
      %broadcast_in_dim3A = arith.constant 1.000000e+00 : f32
      %broadcast_in_dim3A_50 = vector.broadcast %broadcast_in_dim3A : f32 to vector<16xf32>
      %swap3A = arith.index_cast %add3A_49 : i32 to index
      %swap3A_51 = arith.constant 0 : index
      %swap3A_52 = tpu.vector_load %arg5[%swap3A, %swap3A_51] {strides = array<i32>} : memref<128x16xf32, #tpu.memory_space<vmem>>, vector<1x16xf32>,
      %swap3A_53 = vector.shape_cast %swap3A_52 : vector<1x16xf32> to vector<16xf32>
      %swap3A_54 = vector.shape_cast %broadcast_in_dim3A_50 : vector<16xf32> to vector<1x16xf32>
      tpu.vector_store %arg5[%swap3A, %swap3A_51], %swap3A_54 {strides = array<i32>} : memref<128x16xf32, #tpu.memory_space<vmem>>, vector<1x16xf32>,
    }
    %scan3A_23 = arith.constant 128 : i32
    %barrier3A = arith.constant 0 : index
    tpu.barrier barrier_id(%barrier3A)
    %sub3A = arith.constant 0 : i32
    %sub3A_24 = arith.subi %add3A_3, %sub3A : i32
    %sub3A_25 = arith.constant 1 : i32
    %sub3A_26 = arith.constant 1 : i32
    %sub3A_27 = arith.subi %sub3A_25, %sub3A_26 : i32
    %add3A_28 = arith.addi %sub3A_24, %sub3A_27 : i32
    %div3A = arith.constant 1 : i32
    %div3A_29 = arith.divsi %add3A_28, %div3A : i32
    %while3A = arith.constant 1 : i32
    %while3A_30 = arith.constant 0 : i32
    %while3A_31 = arith.constant 0 : i32
    %while3A_32 = arith.subi %div3A_29, %while3A_31 : i32
    %while3A_33 = arith.addi %while3A_31, %while3A_32 : i32
    %while3A_34 = arith.constant 1 : i32
    %while3A_35 = arith.divsi %while3A_32, %while3A_34 : i32
    %while3A_36 = arith.muli %while3A_35, %while3A_34 : i32
    %while3A_37 = arith.addi %while3A_31, %while3A_36 : i32
    %while3A_38 = arith.constant 1 : i32
    scf.for %while3A_45 = %while3A_31 to %while3A_37 step %while3A_38  : i32 {
      %mul3A_46 = arith.muli %while3A_45, %while3A : i32
      %add3A_47 = arith.addi %while3A_30, %mul3A_46 : i32
      "tpu.region"() ({
        %run_scoped3A_48 = tpu.sem_alloc : memref<!tpu.dma_semaphore, #tpu.memory_space<semaphore_mem>>
        %dma_start3A = arith.constant 0 : i32
        %dma_start3A_49 = tpu.memref_slice %arg4[%add3A_47, %dma_start3A] : memref<79x128xi32, #tpu.memory_space<vmem>> -> memref<1x128xi32, #tpu.memory_space<vmem>>
        %dma_start3A_50 = tpu.memref_squeeze %dma_start3A_49 : memref<1x128xi32, #tpu.memory_space<vmem>> -> memref<128xi32, #tpu.memory_space<vmem>>
        %dma_start3A_51 = arith.constant 0 : i32
        %dma_start3A_52 = arith.constant 0 : i32
        %dma_start3A_53 = tpu.memref_slice %arg7[%dma_start3A_51, %dma_start3A_52] : memref<10240x16xf32, #tpu.memory_space<vmem_shared>> -> memref<10240x16xf32, #tpu.memory_space<vmem_shared>>
        tpu.enqueue_indirect_dma source(%arg5 : memref<128x16xf32, #tpu.memory_space<vmem>>) target(%dma_start3A_53 : memref<10240x16xf32, #tpu.memory_space<vmem_shared>>) offsets(%dma_start3A_50 : memref<128xi32, #tpu.memory_space<vmem>>) semaphore(%run_scoped3A_48 : memref<!tpu.dma_semaphore, #tpu.memory_space<semaphore_mem>>) {add = true}
        %dma_wait3A = arith.constant 0 : i32
        %dma_wait3A_54 = tpu.memref_slice %arg4[%add3A_47, %dma_wait3A] : memref<79x128xi32, #tpu.memory_space<vmem>> -> memref<1x128xi32, #tpu.memory_space<vmem>>
        %dma_wait3A_55 = tpu.memref_squeeze %dma_wait3A_54 : memref<1x128xi32, #tpu.memory_space<vmem>> -> memref<128xi32, #tpu.memory_space<vmem>>
        %dma_wait3A_56 = arith.constant 0 : i32
        %dma_wait3A_57 = arith.constant 0 : i32
        %dma_wait3A_58 = tpu.memref_slice %arg7[%dma_wait3A_56, %dma_wait3A_57] : memref<10240x16xf32, #tpu.memory_space<vmem_shared>> -> memref<10240x16xf32, #tpu.memory_space<vmem_shared>>
        tpu.wait_indirect_dma semaphore(%run_scoped3A_48 : memref<!tpu.dma_semaphore, #tpu.memory_space<semaphore_mem>>) src(%arg5 : memref<128x16xf32, #tpu.memory_space<vmem>>) dst(%dma_wait3A_58 : memref<10240x16xf32, #tpu.memory_space<vmem_shared>>)
        tpu.yield
      }) : () -> ()
    }
    %while3A_39 = arith.constant 1 : i32
    scf.for %while3A_45 = %while3A_37 to %while3A_33 step %while3A_39  : i32 {
      %mul3A_46 = arith.muli %while3A_45, %while3A : i32
      %add3A_47 = arith.addi %while3A_30, %mul3A_46 : i32
      "tpu.region"() ({
        %run_scoped3A_48 = tpu.sem_alloc : memref<!tpu.dma_semaphore, #tpu.memory_space<semaphore_mem>>
        %dma_start3A = arith.constant 0 : i32
        %dma_start3A_49 = tpu.memref_slice %arg4[%add3A_47, %dma_start3A] : memref<79x128xi32, #tpu.memory_space<vmem>> -> memref<1x128xi32, #tpu.memory_space<vmem>>
        %dma_start3A_50 = tpu.memref_squeeze %dma_start3A_49 : memref<1x128xi32, #tpu.memory_space<vmem>> -> memref<128xi32, #tpu.memory_space<vmem>>
        %dma_start3A_51 = arith.constant 0 : i32
        %dma_start3A_52 = arith.constant 0 : i32
        %dma_start3A_53 = tpu.memref_slice %arg7[%dma_start3A_51, %dma_start3A_52] : memref<10240x16xf32, #tpu.memory_space<vmem_shared>> -> memref<10240x16xf32, #tpu.memory_space<vmem_shared>>
        tpu.enqueue_indirect_dma source(%arg5 : memref<128x16xf32, #tpu.memory_space<vmem>>) target(%dma_start3A_53 : memref<10240x16xf32, #tpu.memory_space<vmem_shared>>) offsets(%dma_start3A_50 : memref<128xi32, #tpu.memory_space<vmem>>) semaphore(%run_scoped3A_48 : memref<!tpu.dma_semaphore, #tpu.memory_space<semaphore_mem>>) {add = true}
        %dma_wait3A = arith.constant 0 : i32
        %dma_wait3A_54 = tpu.memref_slice %arg4[%add3A_47, %dma_wait3A] : memref<79x128xi32, #tpu.memory_space<vmem>> -> memref<1x128xi32, #tpu.memory_space<vmem>>
        %dma_wait3A_55 = tpu.memref_squeeze %dma_wait3A_54 : memref<1x128xi32, #tpu.memory_space<vmem>> -> memref<128xi32, #tpu.memory_space<vmem>>
        %dma_wait3A_56 = arith.constant 0 : i32
        %dma_wait3A_57 = arith.constant 0 : i32
        %dma_wait3A_58 = tpu.memref_slice %arg7[%dma_wait3A_56, %dma_wait3A_57] : memref<10240x16xf32, #tpu.memory_space<vmem_shared>> -> memref<10240x16xf32, #tpu.memory_space<vmem_shared>>
        tpu.wait_indirect_dma semaphore(%run_scoped3A_48 : memref<!tpu.dma_semaphore, #tpu.memory_space<semaphore_mem>>) src(%arg5 : memref<128x16xf32, #tpu.memory_space<vmem>>) dst(%dma_wait3A_58 : memref<10240x16xf32, #tpu.memory_space<vmem_shared>>)
        tpu.yield
      }) : () -> ()
    }
    %barrier3A_40 = arith.constant 0 : index
    tpu.barrier barrier_id(%barrier3A_40)
    %mul3A_41 = arith.constant 640 : i32
    %mul3A_42 = arith.muli %arg1, %mul3A_41 : i32
    %mul3A_43 = arith.constant 640 : i32
    %mul3A_44 = arith.muli %arg1, %mul3A_43 : i32
    "tpu.region"() ({
      %run_scoped3A_45 = tpu.sem_alloc : memref<!tpu.dma_semaphore, #tpu.memory_space<semaphore_mem>>
      %dma_start3A = arith.constant 0 : i32
      %dma_start3A_46 = tpu.memref_slice %arg3[%arg0, %mul3A_44, %dma_start3A] : memref<2x10240x16xf32, #tpu.memory_space<hbm>> -> memref<1x640x16xf32, #tpu.memory_space<hbm>>
      %dma_start3A_47 = tpu.memref_squeeze %dma_start3A_46 : memref<1x640x16xf32, #tpu.memory_space<hbm>> -> memref<640x16xf32, #tpu.memory_space<hbm>>
      %dma_start3A_48 = arith.constant 0 : i32
      %dma_start3A_49 = tpu.memref_slice %arg7[%mul3A_42, %dma_start3A_48] : memref<10240x16xf32, #tpu.memory_space<vmem_shared>> -> memref<640x16xf32, #tpu.memory_space<vmem_shared>>
      tpu.enqueue_dma source(%dma_start3A_49 : memref<640x16xf32, #tpu.memory_space<vmem_shared>>) target(%dma_start3A_47 : memref<640x16xf32, #tpu.memory_space<hbm>>) target_semaphore(%run_scoped3A_45 : memref<!tpu.dma_semaphore, #tpu.memory_space<semaphore_mem>>)
      %dma_wait3A = arith.constant 0 : i32
      %dma_wait3A_50 = tpu.memref_slice %arg3[%arg0, %mul3A_44, %dma_wait3A] : memref<2x10240x16xf32, #tpu.memory_space<hbm>> -> memref<1x640x16xf32, #tpu.memory_space<hbm>>
      %dma_wait3A_51 = tpu.memref_squeeze %dma_wait3A_50 : memref<1x640x16xf32, #tpu.memory_space<hbm>> -> memref<640x16xf32, #tpu.memory_space<hbm>>
      %dma_wait3A_52 = arith.constant 0 : i32
      %dma_wait3A_53 = tpu.memref_slice %arg7[%mul3A_42, %dma_wait3A_52] : memref<10240x16xf32, #tpu.memory_space<vmem_shared>> -> memref<640x16xf32, #tpu.memory_space<vmem_shared>>
      tpu.wait_dma2 semaphore(%run_scoped3A_45 : memref<!tpu.dma_semaphore, #tpu.memory_space<semaphore_mem>>) src(%dma_wait3A_53 : memref<640x16xf32, #tpu.memory_space<vmem_shared>>) dst(%dma_wait3A_51 : memref<640x16xf32, #tpu.memory_space<hbm>>)
      tpu.yield
    }) : () -> ()
    return
  }
}

#map = affine_map<(d0, d1) -> (0, 0)>
#map1 = affine_map<(d0, d1) -> (0, 0, 0)>
module attributes {stable_mosaic.version = 14 : i64} {
  func.func @_edge_body(%arg0: i32, %arg1: i32, %arg2: memref<10240x64xf32, #tpu.memory_space<hbm>>, %arg3: memref<2x2500x128xi32, #tpu.memory_space<hbm>>, %arg4: memref<2x10240x64xf32, #tpu.memory_space<hbm>>, %arg5: memref<79x128xi32, #tpu.memory_space<vmem>>, %arg6: memref<79x128xi32, #tpu.memory_space<vmem>>, %arg7: memref<!tpu.dma_semaphore, #tpu.memory_space<semaphore_mem>>, %arg8: memref<!tpu.dma_semaphore, #tpu.memory_space<semaphore_mem>>, %arg9: memref<!tpu.dma_semaphore, #tpu.memory_space<semaphore_mem>>, %arg10: memref<!tpu.dma_semaphore, #tpu.memory_space<semaphore_mem>>, %arg11: memref<10240x64xf32, #tpu.memory_space<vmem_shared>>, %arg12: memref<10240x64xf32, #tpu.memory_space<vmem_shared>>) attributes {dimension_semantics = [#tpu.dimension_semantics<core_parallel>, #tpu.dimension_semantics<subcore_parallel>], iteration_bounds = array<i64: 2, 16>, scalar_prefetch = 0 : i64, scratch_operands = 8 : i64, tpu.core_type = #tpu.core_type<sc_vector_subcore>, window_params = [{transform_indices = #map}, {transform_indices = #map1}, {transform_indices = #map1}]} {
    "tpu.region"() ({
      %run_scoped3A = memref.alloca() : memref<2x128x64xf32, #tpu.memory_space<vmem>>
      %mul3A = arith.constant 16 : i32
      %mul3A_0 = arith.muli %arg0, %mul3A : i32
      %add3A = arith.addi %mul3A_0, %arg1 : i32
      %lt3A = arith.constant 4 : i32
      %lt3A_1 = arith.cmpi slt, %add3A, %lt3A : i32
      %convert_element_type3A = arith.extui %lt3A_1 : i1 to i32
      %add3A_2 = arith.constant 78 : i32
      %add3A_3 = arith.addi %add3A_2, %convert_element_type3A : i32
      %mul3A_4 = arith.constant 78 : i32
      %mul3A_5 = arith.muli %add3A, %mul3A_4 : i32
      %run_scoped3A_6 = arith.constant 0 : i32
      "tpu.region"() ({
        %run_scoped3A_73 = tpu.sem_alloc : memref<!tpu.dma_semaphore, #tpu.memory_space<semaphore_mem>>
        %dma_start3A_74 = arith.constant 0 : i32
        %dma_start3A_75 = arith.constant 0 : i32
        %dma_start3A_76 = tpu.memref_slice %arg5[%dma_start3A_74, %dma_start3A_75] : memref<79x128xi32, #tpu.memory_space<vmem>> -> memref<78x128xi32, #tpu.memory_space<vmem>>
        %dma_start3A_77 = arith.constant 0 : i32
        %dma_start3A_78 = tpu.memref_slice %arg3[%run_scoped3A_6, %mul3A_5, %dma_start3A_77] : memref<2x2500x128xi32, #tpu.memory_space<hbm>> -> memref<1x78x128xi32, #tpu.memory_space<hbm>>
        %dma_start3A_79 = tpu.memref_squeeze %dma_start3A_78 : memref<1x78x128xi32, #tpu.memory_space<hbm>> -> memref<78x128xi32, #tpu.memory_space<hbm>>
        %dma_start3A_80 = arith.constant 0 : i32
        %dma_start3A_81 = arith.constant 0 : i32
        %dma_start3A_82 = tpu.memref_slice %arg5[%dma_start3A_80, %dma_start3A_81] : memref<79x128xi32, #tpu.memory_space<vmem>> -> memref<78x128xi32, #tpu.memory_space<vmem>>
        %dma_start3A_83 = arith.constant 0 : i32
        %dma_start3A_84 = tpu.memref_slice %arg3[%run_scoped3A_6, %mul3A_5, %dma_start3A_83] : memref<2x2500x128xi32, #tpu.memory_space<hbm>> -> memref<1x78x128xi32, #tpu.memory_space<hbm>>
        %dma_start3A_85 = tpu.memref_squeeze %dma_start3A_84 : memref<1x78x128xi32, #tpu.memory_space<hbm>> -> memref<78x128xi32, #tpu.memory_space<hbm>>
        tpu.enqueue_dma source(%dma_start3A_85 : memref<78x128xi32, #tpu.memory_space<hbm>>) target(%dma_start3A_82 : memref<78x128xi32, #tpu.memory_space<vmem>>) target_semaphore(%run_scoped3A_73 : memref<!tpu.dma_semaphore, #tpu.memory_space<semaphore_mem>>)
        %dma_wait3A_86 = arith.constant 0 : i32
        %dma_wait3A_87 = arith.constant 0 : i32
        %dma_wait3A_88 = tpu.memref_slice %arg5[%dma_wait3A_86, %dma_wait3A_87] : memref<79x128xi32, #tpu.memory_space<vmem>> -> memref<78x128xi32, #tpu.memory_space<vmem>>
        %dma_wait3A_89 = arith.constant 0 : i32
        %dma_wait3A_90 = tpu.memref_slice %arg3[%run_scoped3A_6, %mul3A_5, %dma_wait3A_89] : memref<2x2500x128xi32, #tpu.memory_space<hbm>> -> memref<1x78x128xi32, #tpu.memory_space<hbm>>
        %dma_wait3A_91 = tpu.memref_squeeze %dma_wait3A_90 : memref<1x78x128xi32, #tpu.memory_space<hbm>> -> memref<78x128xi32, #tpu.memory_space<hbm>>
        %dma_wait3A_92 = arith.constant 0 : i32
        %dma_wait3A_93 = arith.constant 0 : i32
        %dma_wait3A_94 = tpu.memref_slice %arg5[%dma_wait3A_92, %dma_wait3A_93] : memref<79x128xi32, #tpu.memory_space<vmem>> -> memref<78x128xi32, #tpu.memory_space<vmem>>
        %dma_wait3A_95 = arith.constant 0 : i32
        %dma_wait3A_96 = tpu.memref_slice %arg3[%run_scoped3A_6, %mul3A_5, %dma_wait3A_95] : memref<2x2500x128xi32, #tpu.memory_space<hbm>> -> memref<1x78x128xi32, #tpu.memory_space<hbm>>
        %dma_wait3A_97 = tpu.memref_squeeze %dma_wait3A_96 : memref<1x78x128xi32, #tpu.memory_space<hbm>> -> memref<78x128xi32, #tpu.memory_space<hbm>>
        tpu.wait_dma2 semaphore(%run_scoped3A_73 : memref<!tpu.dma_semaphore, #tpu.memory_space<semaphore_mem>>) src(%dma_wait3A_97 : memref<78x128xi32, #tpu.memory_space<hbm>>) dst(%dma_wait3A_94 : memref<78x128xi32, #tpu.memory_space<vmem>>)
        tpu.yield
      }) : () -> ()
      %mul3A_7 = arith.constant 78 : i32
      %mul3A_8 = arith.muli %add3A, %mul3A_7 : i32
      %run_scoped3A_9 = arith.constant 1 : i32
      "tpu.region"() ({
        %run_scoped3A_73 = tpu.sem_alloc : memref<!tpu.dma_semaphore, #tpu.memory_space<semaphore_mem>>
        %dma_start3A_74 = arith.constant 0 : i32
        %dma_start3A_75 = arith.constant 0 : i32
        %dma_start3A_76 = tpu.memref_slice %arg6[%dma_start3A_74, %dma_start3A_75] : memref<79x128xi32, #tpu.memory_space<vmem>> -> memref<78x128xi32, #tpu.memory_space<vmem>>
        %dma_start3A_77 = arith.constant 0 : i32
        %dma_start3A_78 = tpu.memref_slice %arg3[%run_scoped3A_9, %mul3A_8, %dma_start3A_77] : memref<2x2500x128xi32, #tpu.memory_space<hbm>> -> memref<1x78x128xi32, #tpu.memory_space<hbm>>
        %dma_start3A_79 = tpu.memref_squeeze %dma_start3A_78 : memref<1x78x128xi32, #tpu.memory_space<hbm>> -> memref<78x128xi32, #tpu.memory_space<hbm>>
        %dma_start3A_80 = arith.constant 0 : i32
        %dma_start3A_81 = arith.constant 0 : i32
        %dma_start3A_82 = tpu.memref_slice %arg6[%dma_start3A_80, %dma_start3A_81] : memref<79x128xi32, #tpu.memory_space<vmem>> -> memref<78x128xi32, #tpu.memory_space<vmem>>
        %dma_start3A_83 = arith.constant 0 : i32
        %dma_start3A_84 = tpu.memref_slice %arg3[%run_scoped3A_9, %mul3A_8, %dma_start3A_83] : memref<2x2500x128xi32, #tpu.memory_space<hbm>> -> memref<1x78x128xi32, #tpu.memory_space<hbm>>
        %dma_start3A_85 = tpu.memref_squeeze %dma_start3A_84 : memref<1x78x128xi32, #tpu.memory_space<hbm>> -> memref<78x128xi32, #tpu.memory_space<hbm>>
        tpu.enqueue_dma source(%dma_start3A_85 : memref<78x128xi32, #tpu.memory_space<hbm>>) target(%dma_start3A_82 : memref<78x128xi32, #tpu.memory_space<vmem>>) target_semaphore(%run_scoped3A_73 : memref<!tpu.dma_semaphore, #tpu.memory_space<semaphore_mem>>)
        %dma_wait3A_86 = arith.constant 0 : i32
        %dma_wait3A_87 = arith.constant 0 : i32
        %dma_wait3A_88 = tpu.memref_slice %arg6[%dma_wait3A_86, %dma_wait3A_87] : memref<79x128xi32, #tpu.memory_space<vmem>> -> memref<78x128xi32, #tpu.memory_space<vmem>>
        %dma_wait3A_89 = arith.constant 0 : i32
        %dma_wait3A_90 = tpu.memref_slice %arg3[%run_scoped3A_9, %mul3A_8, %dma_wait3A_89] : memref<2x2500x128xi32, #tpu.memory_space<hbm>> -> memref<1x78x128xi32, #tpu.memory_space<hbm>>
        %dma_wait3A_91 = tpu.memref_squeeze %dma_wait3A_90 : memref<1x78x128xi32, #tpu.memory_space<hbm>> -> memref<78x128xi32, #tpu.memory_space<hbm>>
        %dma_wait3A_92 = arith.constant 0 : i32
        %dma_wait3A_93 = arith.constant 0 : i32
        %dma_wait3A_94 = tpu.memref_slice %arg6[%dma_wait3A_92, %dma_wait3A_93] : memref<79x128xi32, #tpu.memory_space<vmem>> -> memref<78x128xi32, #tpu.memory_space<vmem>>
        %dma_wait3A_95 = arith.constant 0 : i32
        %dma_wait3A_96 = tpu.memref_slice %arg3[%run_scoped3A_9, %mul3A_8, %dma_wait3A_95] : memref<2x2500x128xi32, #tpu.memory_space<hbm>> -> memref<1x78x128xi32, #tpu.memory_space<hbm>>
        %dma_wait3A_97 = tpu.memref_squeeze %dma_wait3A_96 : memref<1x78x128xi32, #tpu.memory_space<hbm>> -> memref<78x128xi32, #tpu.memory_space<hbm>>
        tpu.wait_dma2 semaphore(%run_scoped3A_73 : memref<!tpu.dma_semaphore, #tpu.memory_space<semaphore_mem>>) src(%dma_wait3A_97 : memref<78x128xi32, #tpu.memory_space<hbm>>) dst(%dma_wait3A_94 : memref<78x128xi32, #tpu.memory_space<vmem>>)
        tpu.yield
      }) : () -> ()
      %lt3A_10 = arith.constant 4 : i32
      %lt3A_11 = arith.cmpi slt, %add3A, %lt3A_10 : i32
      %convert_element_type3A_12 = arith.extui %lt3A_11 : i1 to i32
      %cond3A = arith.constant 0 : i32
      %cond3A_13 = arith.cmpi ne, %convert_element_type3A_12, %cond3A : i32
      scf.if %cond3A_13 {
        %add3A_73 = arith.constant 2496 : i32
        %add3A_74 = arith.addi %add3A_73, %add3A : i32
        %run_scoped3A_75 = arith.constant 0 : i32
        "tpu.region"() ({
          %run_scoped3A_79 = tpu.sem_alloc : memref<!tpu.dma_semaphore, #tpu.memory_space<semaphore_mem>>
          %dma_start3A_80 = arith.constant 78 : i32
          %dma_start3A_81 = arith.constant 0 : i32
          %dma_start3A_82 = tpu.memref_slice %arg5[%dma_start3A_80, %dma_start3A_81] : memref<79x128xi32, #tpu.memory_space<vmem>> -> memref<1x128xi32, #tpu.memory_space<vmem>>
          %dma_start3A_83 = arith.constant 0 : i32
          %dma_start3A_84 = tpu.memref_slice %arg3[%run_scoped3A_75, %add3A_74, %dma_start3A_83] : memref<2x2500x128xi32, #tpu.memory_space<hbm>> -> memref<1x1x128xi32, #tpu.memory_space<hbm>>
          %dma_start3A_85 = tpu.memref_squeeze %dma_start3A_84 : memref<1x1x128xi32, #tpu.memory_space<hbm>> -> memref<1x128xi32, #tpu.memory_space<hbm>>
          %dma_start3A_86 = arith.constant 78 : i32
          %dma_start3A_87 = arith.constant 0 : i32
          %dma_start3A_88 = tpu.memref_slice %arg5[%dma_start3A_86, %dma_start3A_87] : memref<79x128xi32, #tpu.memory_space<vmem>> -> memref<1x128xi32, #tpu.memory_space<vmem>>
          %dma_start3A_89 = arith.constant 0 : i32
          %dma_start3A_90 = tpu.memref_slice %arg3[%run_scoped3A_75, %add3A_74, %dma_start3A_89] : memref<2x2500x128xi32, #tpu.memory_space<hbm>> -> memref<1x1x128xi32, #tpu.memory_space<hbm>>
          %dma_start3A_91 = tpu.memref_squeeze %dma_start3A_90 : memref<1x1x128xi32, #tpu.memory_space<hbm>> -> memref<1x128xi32, #tpu.memory_space<hbm>>
          tpu.enqueue_dma source(%dma_start3A_91 : memref<1x128xi32, #tpu.memory_space<hbm>>) target(%dma_start3A_88 : memref<1x128xi32, #tpu.memory_space<vmem>>) target_semaphore(%run_scoped3A_79 : memref<!tpu.dma_semaphore, #tpu.memory_space<semaphore_mem>>)
          %dma_wait3A_92 = arith.constant 78 : i32
          %dma_wait3A_93 = arith.constant 0 : i32
          %dma_wait3A_94 = tpu.memref_slice %arg5[%dma_wait3A_92, %dma_wait3A_93] : memref<79x128xi32, #tpu.memory_space<vmem>> -> memref<1x128xi32, #tpu.memory_space<vmem>>
          %dma_wait3A_95 = arith.constant 0 : i32
          %dma_wait3A_96 = tpu.memref_slice %arg3[%run_scoped3A_75, %add3A_74, %dma_wait3A_95] : memref<2x2500x128xi32, #tpu.memory_space<hbm>> -> memref<1x1x128xi32, #tpu.memory_space<hbm>>
          %dma_wait3A_97 = tpu.memref_squeeze %dma_wait3A_96 : memref<1x1x128xi32, #tpu.memory_space<hbm>> -> memref<1x128xi32, #tpu.memory_space<hbm>>
          %dma_wait3A_98 = arith.constant 78 : i32
          %dma_wait3A_99 = arith.constant 0 : i32
          %dma_wait3A_100 = tpu.memref_slice %arg5[%dma_wait3A_98, %dma_wait3A_99] : memref<79x128xi32, #tpu.memory_space<vmem>> -> memref<1x128xi32, #tpu.memory_space<vmem>>
          %dma_wait3A_101 = arith.constant 0 : i32
          %dma_wait3A_102 = tpu.memref_slice %arg3[%run_scoped3A_75, %add3A_74, %dma_wait3A_101] : memref<2x2500x128xi32, #tpu.memory_space<hbm>> -> memref<1x1x128xi32, #tpu.memory_space<hbm>>
          %dma_wait3A_103 = tpu.memref_squeeze %dma_wait3A_102 : memref<1x1x128xi32, #tpu.memory_space<hbm>> -> memref<1x128xi32, #tpu.memory_space<hbm>>
          tpu.wait_dma2 semaphore(%run_scoped3A_79 : memref<!tpu.dma_semaphore, #tpu.memory_space<semaphore_mem>>) src(%dma_wait3A_103 : memref<1x128xi32, #tpu.memory_space<hbm>>) dst(%dma_wait3A_100 : memref<1x128xi32, #tpu.memory_space<vmem>>)
          tpu.yield
        }) : () -> ()
        %add3A_76 = arith.constant 2496 : i32
        %add3A_77 = arith.addi %add3A_76, %add3A : i32
        %run_scoped3A_78 = arith.constant 1 : i32
        "tpu.region"() ({
          %run_scoped3A_79 = tpu.sem_alloc : memref<!tpu.dma_semaphore, #tpu.memory_space<semaphore_mem>>
          %dma_start3A_80 = arith.constant 78 : i32
          %dma_start3A_81 = arith.constant 0 : i32
          %dma_start3A_82 = tpu.memref_slice %arg6[%dma_start3A_80, %dma_start3A_81] : memref<79x128xi32, #tpu.memory_space<vmem>> -> memref<1x128xi32, #tpu.memory_space<vmem>>
          %dma_start3A_83 = arith.constant 0 : i32
          %dma_start3A_84 = tpu.memref_slice %arg3[%run_scoped3A_78, %add3A_77, %dma_start3A_83] : memref<2x2500x128xi32, #tpu.memory_space<hbm>> -> memref<1x1x128xi32, #tpu.memory_space<hbm>>
          %dma_start3A_85 = tpu.memref_squeeze %dma_start3A_84 : memref<1x1x128xi32, #tpu.memory_space<hbm>> -> memref<1x128xi32, #tpu.memory_space<hbm>>
          %dma_start3A_86 = arith.constant 78 : i32
          %dma_start3A_87 = arith.constant 0 : i32
          %dma_start3A_88 = tpu.memref_slice %arg6[%dma_start3A_86, %dma_start3A_87] : memref<79x128xi32, #tpu.memory_space<vmem>> -> memref<1x128xi32, #tpu.memory_space<vmem>>
          %dma_start3A_89 = arith.constant 0 : i32
          %dma_start3A_90 = tpu.memref_slice %arg3[%run_scoped3A_78, %add3A_77, %dma_start3A_89] : memref<2x2500x128xi32, #tpu.memory_space<hbm>> -> memref<1x1x128xi32, #tpu.memory_space<hbm>>
          %dma_start3A_91 = tpu.memref_squeeze %dma_start3A_90 : memref<1x1x128xi32, #tpu.memory_space<hbm>> -> memref<1x128xi32, #tpu.memory_space<hbm>>
          tpu.enqueue_dma source(%dma_start3A_91 : memref<1x128xi32, #tpu.memory_space<hbm>>) target(%dma_start3A_88 : memref<1x128xi32, #tpu.memory_space<vmem>>) target_semaphore(%run_scoped3A_79 : memref<!tpu.dma_semaphore, #tpu.memory_space<semaphore_mem>>)
          %dma_wait3A_92 = arith.constant 78 : i32
          %dma_wait3A_93 = arith.constant 0 : i32
          %dma_wait3A_94 = tpu.memref_slice %arg6[%dma_wait3A_92, %dma_wait3A_93] : memref<79x128xi32, #tpu.memory_space<vmem>> -> memref<1x128xi32, #tpu.memory_space<vmem>>
          %dma_wait3A_95 = arith.constant 0 : i32
          %dma_wait3A_96 = tpu.memref_slice %arg3[%run_scoped3A_78, %add3A_77, %dma_wait3A_95] : memref<2x2500x128xi32, #tpu.memory_space<hbm>> -> memref<1x1x128xi32, #tpu.memory_space<hbm>>
          %dma_wait3A_97 = tpu.memref_squeeze %dma_wait3A_96 : memref<1x1x128xi32, #tpu.memory_space<hbm>> -> memref<1x128xi32, #tpu.memory_space<hbm>>
          %dma_wait3A_98 = arith.constant 78 : i32
          %dma_wait3A_99 = arith.constant 0 : i32
          %dma_wait3A_100 = tpu.memref_slice %arg6[%dma_wait3A_98, %dma_wait3A_99] : memref<79x128xi32, #tpu.memory_space<vmem>> -> memref<1x128xi32, #tpu.memory_space<vmem>>
          %dma_wait3A_101 = arith.constant 0 : i32
          %dma_wait3A_102 = tpu.memref_slice %arg3[%run_scoped3A_78, %add3A_77, %dma_wait3A_101] : memref<2x2500x128xi32, #tpu.memory_space<hbm>> -> memref<1x1x128xi32, #tpu.memory_space<hbm>>
          %dma_wait3A_103 = tpu.memref_squeeze %dma_wait3A_102 : memref<1x1x128xi32, #tpu.memory_space<hbm>> -> memref<1x128xi32, #tpu.memory_space<hbm>>
          tpu.wait_dma2 semaphore(%run_scoped3A_79 : memref<!tpu.dma_semaphore, #tpu.memory_space<semaphore_mem>>) src(%dma_wait3A_103 : memref<1x128xi32, #tpu.memory_space<hbm>>) dst(%dma_wait3A_100 : memref<1x128xi32, #tpu.memory_space<vmem>>)
          tpu.yield
        }) : () -> ()
      } else {
      }
      %mul3A_14 = arith.constant 640 : i32
      %mul3A_15 = arith.muli %arg1, %mul3A_14 : i32
      %mul3A_16 = arith.constant 640 : i32
      %mul3A_17 = arith.muli %arg1, %mul3A_16 : i32
      "tpu.region"() ({
        %run_scoped3A_73 = tpu.sem_alloc : memref<!tpu.dma_semaphore, #tpu.memory_space<semaphore_mem>>
        %dma_start3A_74 = arith.constant 0 : i32
        %dma_start3A_75 = tpu.memref_slice %arg11[%mul3A_17, %dma_start3A_74] : memref<10240x64xf32, #tpu.memory_space<vmem_shared>> -> memref<640x64xf32, #tpu.memory_space<vmem_shared>>
        %dma_start3A_76 = arith.constant 0 : i32
        %dma_start3A_77 = tpu.memref_slice %arg2[%mul3A_15, %dma_start3A_76] : memref<10240x64xf32, #tpu.memory_space<hbm>> -> memref<640x64xf32, #tpu.memory_space<hbm>>
        tpu.enqueue_dma source(%dma_start3A_77 : memref<640x64xf32, #tpu.memory_space<hbm>>) target(%dma_start3A_75 : memref<640x64xf32, #tpu.memory_space<vmem_shared>>) target_semaphore(%run_scoped3A_73 : memref<!tpu.dma_semaphore, #tpu.memory_space<semaphore_mem>>)
        %dma_wait3A_78 = arith.constant 0 : i32
        %dma_wait3A_79 = tpu.memref_slice %arg11[%mul3A_17, %dma_wait3A_78] : memref<10240x64xf32, #tpu.memory_space<vmem_shared>> -> memref<640x64xf32, #tpu.memory_space<vmem_shared>>
        %dma_wait3A_80 = arith.constant 0 : i32
        %dma_wait3A_81 = tpu.memref_slice %arg2[%mul3A_15, %dma_wait3A_80] : memref<10240x64xf32, #tpu.memory_space<hbm>> -> memref<640x64xf32, #tpu.memory_space<hbm>>
        tpu.wait_dma2 semaphore(%run_scoped3A_73 : memref<!tpu.dma_semaphore, #tpu.memory_space<semaphore_mem>>) src(%dma_wait3A_81 : memref<640x64xf32, #tpu.memory_space<hbm>>) dst(%dma_wait3A_79 : memref<640x64xf32, #tpu.memory_space<vmem_shared>>)
        tpu.yield
      }) : () -> ()
      %scan3A = arith.constant 0 : i32
      %scan3A_18 = arith.constant 128 : i32
      %scan3A_19 = arith.addi %scan3A, %scan3A_18 : i32
      %scan3A_20 = arith.constant 1 : i32
      scf.for %scan3A_73 = %scan3A to %scan3A_19 step %scan3A_20  : i32 {
        %mul3A_74 = arith.constant 1 : i32
        %mul3A_75 = arith.muli %scan3A_73, %mul3A_74 : i32
        %add3A_76 = arith.constant 0 : i32
        %add3A_77 = arith.addi %add3A_76, %mul3A_75 : i32
        %broadcast_in_dim3A = arith.constant 0.000000e+00 : f32
        %broadcast_in_dim3A_78 = vector.broadcast %broadcast_in_dim3A : f32 to vector<16xf32>
        %swap3A = arith.constant 0 : i32
        %swap3A_79 = arith.index_cast %swap3A : i32 to index
        %swap3A_80 = arith.index_cast %add3A_77 : i32 to index
        %swap3A_81 = arith.constant 0 : index
        %swap3A_82 = tpu.vector_load %run_scoped3A[%swap3A_79, %swap3A_80, %swap3A_81] {strides = array<i32>} : memref<2x128x64xf32, #tpu.memory_space<vmem>>, vector<1x1x16xf32>,
        %swap3A_83 = vector.shape_cast %swap3A_82 : vector<1x1x16xf32> to vector<16xf32>
        %swap3A_84 = vector.shape_cast %broadcast_in_dim3A_78 : vector<16xf32> to vector<1x1x16xf32>
        tpu.vector_store %run_scoped3A[%swap3A_79, %swap3A_80, %swap3A_81], %swap3A_84 {strides = array<i32>} : memref<2x128x64xf32, #tpu.memory_space<vmem>>, vector<1x1x16xf32>,
        %broadcast_in_dim3A_85 = arith.constant 0.000000e+00 : f32
        %broadcast_in_dim3A_86 = vector.broadcast %broadcast_in_dim3A_85 : f32 to vector<16xf32>
        %swap3A_87 = arith.constant 0 : i32
        %swap3A_88 = arith.index_cast %swap3A_87 : i32 to index
        %swap3A_89 = arith.index_cast %add3A_77 : i32 to index
        %swap3A_90 = arith.constant 16 : index
        %swap3A_91 = tpu.vector_load %run_scoped3A[%swap3A_88, %swap3A_89, %swap3A_90] {strides = array<i32>} : memref<2x128x64xf32, #tpu.memory_space<vmem>>, vector<1x1x16xf32>,
        %swap3A_92 = vector.shape_cast %swap3A_91 : vector<1x1x16xf32> to vector<16xf32>
        %swap3A_93 = vector.shape_cast %broadcast_in_dim3A_86 : vector<16xf32> to vector<1x1x16xf32>
        tpu.vector_store %run_scoped3A[%swap3A_88, %swap3A_89, %swap3A_90], %swap3A_93 {strides = array<i32>} : memref<2x128x64xf32, #tpu.memory_space<vmem>>, vector<1x1x16xf32>,
        %broadcast_in_dim3A_94 = arith.constant 0.000000e+00 : f32
        %broadcast_in_dim3A_95 = vector.broadcast %broadcast_in_dim3A_94 : f32 to vector<16xf32>
        %swap3A_96 = arith.constant 0 : i32
        %swap3A_97 = arith.index_cast %swap3A_96 : i32 to index
        %swap3A_98 = arith.index_cast %add3A_77 : i32 to index
        %swap3A_99 = arith.constant 32 : index
        %swap3A_100 = tpu.vector_load %run_scoped3A[%swap3A_97, %swap3A_98, %swap3A_99] {strides = array<i32>} : memref<2x128x64xf32, #tpu.memory_space<vmem>>, vector<1x1x16xf32>,
        %swap3A_101 = vector.shape_cast %swap3A_100 : vector<1x1x16xf32> to vector<16xf32>
        %swap3A_102 = vector.shape_cast %broadcast_in_dim3A_95 : vector<16xf32> to vector<1x1x16xf32>
        tpu.vector_store %run_scoped3A[%swap3A_97, %swap3A_98, %swap3A_99], %swap3A_102 {strides = array<i32>} : memref<2x128x64xf32, #tpu.memory_space<vmem>>, vector<1x1x16xf32>,
        %broadcast_in_dim3A_103 = arith.constant 0.000000e+00 : f32
        %broadcast_in_dim3A_104 = vector.broadcast %broadcast_in_dim3A_103 : f32 to vector<16xf32>
        %swap3A_105 = arith.constant 0 : i32
        %swap3A_106 = arith.index_cast %swap3A_105 : i32 to index
        %swap3A_107 = arith.index_cast %add3A_77 : i32 to index
        %swap3A_108 = arith.constant 48 : index
        %swap3A_109 = tpu.vector_load %run_scoped3A[%swap3A_106, %swap3A_107, %swap3A_108] {strides = array<i32>} : memref<2x128x64xf32, #tpu.memory_space<vmem>>, vector<1x1x16xf32>,
        %swap3A_110 = vector.shape_cast %swap3A_109 : vector<1x1x16xf32> to vector<16xf32>
        %swap3A_111 = vector.shape_cast %broadcast_in_dim3A_104 : vector<16xf32> to vector<1x1x16xf32>
        tpu.vector_store %run_scoped3A[%swap3A_106, %swap3A_107, %swap3A_108], %swap3A_111 {strides = array<i32>} : memref<2x128x64xf32, #tpu.memory_space<vmem>>, vector<1x1x16xf32>,
      }
      %scan3A_21 = arith.constant 128 : i32
      %scan3A_22 = arith.constant 0 : i32
      %scan3A_23 = arith.constant 5 : i32
      %scan3A_24 = arith.addi %scan3A_22, %scan3A_23 : i32
      %scan3A_25 = arith.constant 1 : i32
      scf.for %scan3A_73 = %scan3A_22 to %scan3A_24 step %scan3A_25  : i32 {
        %mul3A_74 = arith.constant 1 : i32
        %mul3A_75 = arith.muli %scan3A_73, %mul3A_74 : i32
        %add3A_76 = arith.constant 0 : i32
        %add3A_77 = arith.addi %add3A_76, %mul3A_75 : i32
        %mul3A_78 = arith.constant 640 : i32
        %mul3A_79 = arith.muli %arg1, %mul3A_78 : i32
        %mul3A_80 = arith.constant 128 : i32
        %mul3A_81 = arith.muli %add3A_77, %mul3A_80 : i32
        %add3A_82 = arith.addi %mul3A_79, %mul3A_81 : i32
        %run_scoped3A_83 = arith.constant 0 : i32
        "tpu.region"() ({
          %run_scoped3A_84 = tpu.sem_alloc : memref<!tpu.dma_semaphore, #tpu.memory_space<semaphore_mem>>
          %dma_start3A_85 = arith.constant 0 : i32
          %dma_start3A_86 = arith.constant 0 : i32
          %dma_start3A_87 = tpu.memref_slice %run_scoped3A[%run_scoped3A_83, %dma_start3A_85, %dma_start3A_86] : memref<2x128x64xf32, #tpu.memory_space<vmem>> -> memref<1x128x64xf32, #tpu.memory_space<vmem>>
          %dma_start3A_88 = tpu.memref_squeeze %dma_start3A_87 : memref<1x128x64xf32, #tpu.memory_space<vmem>> -> memref<128x64xf32, #tpu.memory_space<vmem>>
          %dma_start3A_89 = arith.constant 0 : i32
          %dma_start3A_90 = tpu.memref_slice %arg12[%add3A_82, %dma_start3A_89] : memref<10240x64xf32, #tpu.memory_space<vmem_shared>> -> memref<128x64xf32, #tpu.memory_space<vmem_shared>>
          %dma_start3A_91 = arith.constant 0 : i32
          %dma_start3A_92 = tpu.memref_slice %arg12[%add3A_82, %dma_start3A_91] : memref<10240x64xf32, #tpu.memory_space<vmem_shared>> -> memref<128x64xf32, #tpu.memory_space<vmem_shared>>
          %dma_start3A_93 = arith.constant 0 : i32
          %dma_start3A_94 = arith.constant 0 : i32
          %dma_start3A_95 = tpu.memref_slice %run_scoped3A[%run_scoped3A_83, %dma_start3A_93, %dma_start3A_94] : memref<2x128x64xf32, #tpu.memory_space<vmem>> -> memref<1x128x64xf32, #tpu.memory_space<vmem>>
          %dma_start3A_96 = tpu.memref_squeeze %dma_start3A_95 : memref<1x128x64xf32, #tpu.memory_space<vmem>> -> memref<128x64xf32, #tpu.memory_space<vmem>>
          tpu.enqueue_dma source(%dma_start3A_96 : memref<128x64xf32, #tpu.memory_space<vmem>>) target(%dma_start3A_92 : memref<128x64xf32, #tpu.memory_space<vmem_shared>>) target_semaphore(%run_scoped3A_84 : memref<!tpu.dma_semaphore, #tpu.memory_space<semaphore_mem>>)
          %dma_wait3A_97 = arith.constant 0 : i32
          %dma_wait3A_98 = arith.constant 0 : i32
          %dma_wait3A_99 = tpu.memref_slice %run_scoped3A[%run_scoped3A_83, %dma_wait3A_97, %dma_wait3A_98] : memref<2x128x64xf32, #tpu.memory_space<vmem>> -> memref<1x128x64xf32, #tpu.memory_space<vmem>>
          %dma_wait3A_100 = tpu.memref_squeeze %dma_wait3A_99 : memref<1x128x64xf32, #tpu.memory_space<vmem>> -> memref<128x64xf32, #tpu.memory_space<vmem>>
          %dma_wait3A_101 = arith.constant 0 : i32
          %dma_wait3A_102 = tpu.memref_slice %arg12[%add3A_82, %dma_wait3A_101] : memref<10240x64xf32, #tpu.memory_space<vmem_shared>> -> memref<128x64xf32, #tpu.memory_space<vmem_shared>>
          %dma_wait3A_103 = arith.constant 0 : i32
          %dma_wait3A_104 = tpu.memref_slice %arg12[%add3A_82, %dma_wait3A_103] : memref<10240x64xf32, #tpu.memory_space<vmem_shared>> -> memref<128x64xf32, #tpu.memory_space<vmem_shared>>
          %dma_wait3A_105 = arith.constant 0 : i32
          %dma_wait3A_106 = arith.constant 0 : i32
          %dma_wait3A_107 = tpu.memref_slice %run_scoped3A[%run_scoped3A_83, %dma_wait3A_105, %dma_wait3A_106] : memref<2x128x64xf32, #tpu.memory_space<vmem>> -> memref<1x128x64xf32, #tpu.memory_space<vmem>>
          %dma_wait3A_108 = tpu.memref_squeeze %dma_wait3A_107 : memref<1x128x64xf32, #tpu.memory_space<vmem>> -> memref<128x64xf32, #tpu.memory_space<vmem>>
          tpu.wait_dma2 semaphore(%run_scoped3A_84 : memref<!tpu.dma_semaphore, #tpu.memory_space<semaphore_mem>>) src(%dma_wait3A_108 : memref<128x64xf32, #tpu.memory_space<vmem>>) dst(%dma_wait3A_104 : memref<128x64xf32, #tpu.memory_space<vmem_shared>>)
          tpu.yield
        }) : () -> ()
      }
      %scan3A_26 = arith.constant 5 : i32
      %barrier3A = arith.constant 0 : index
      tpu.barrier barrier_id(%barrier3A)
      %dma_start3A = arith.constant 0 : i32
      %dma_start3A_27 = arith.constant 0 : i32
      %dma_start3A_28 = arith.constant 0 : i32
      %dma_start3A_29 = arith.constant 0 : i32
      %dma_start3A_30 = tpu.memref_slice %run_scoped3A[%dma_start3A_27, %dma_start3A_28, %dma_start3A_29] : memref<2x128x64xf32, #tpu.memory_space<vmem>> -> memref<1x128x64xf32, #tpu.memory_space<vmem>>
      %dma_start3A_31 = tpu.memref_squeeze %dma_start3A_30 : memref<1x128x64xf32, #tpu.memory_space<vmem>> -> memref<128x64xf32, #tpu.memory_space<vmem>>
      %dma_start3A_32 = arith.constant 0 : i32
      %dma_start3A_33 = tpu.memref_slice %arg5[%dma_start3A, %dma_start3A_32] : memref<79x128xi32, #tpu.memory_space<vmem>> -> memref<1x128xi32, #tpu.memory_space<vmem>>
      %dma_start3A_34 = tpu.memref_squeeze %dma_start3A_33 : memref<1x128xi32, #tpu.memory_space<vmem>> -> memref<128xi32, #tpu.memory_space<vmem>>
      %dma_start3A_35 = arith.constant 0 : i32
      %dma_start3A_36 = arith.constant 0 : i32
      %dma_start3A_37 = tpu.memref_slice %arg11[%dma_start3A_35, %dma_start3A_36] : memref<10240x64xf32, #tpu.memory_space<vmem_shared>> -> memref<10240x64xf32, #tpu.memory_space<vmem_shared>>
      tpu.enqueue_indirect_dma source(%dma_start3A_37 : memref<10240x64xf32, #tpu.memory_space<vmem_shared>>) target(%dma_start3A_31 : memref<128x64xf32, #tpu.memory_space<vmem>>) offsets(%dma_start3A_34 : memref<128xi32, #tpu.memory_space<vmem>>) semaphore(%arg7 : memref<!tpu.dma_semaphore, #tpu.memory_space<semaphore_mem>>)
      %sub3A = arith.constant 0 : i32
      %sub3A_38 = arith.subi %add3A_3, %sub3A : i32
      %sub3A_39 = arith.constant 1 : i32
      %sub3A_40 = arith.constant 1 : i32
      %sub3A_41 = arith.subi %sub3A_39, %sub3A_40 : i32
      %add3A_42 = arith.addi %sub3A_38, %sub3A_41 : i32
      %div3A = arith.constant 1 : i32
      %div3A_43 = arith.divsi %add3A_42, %div3A : i32
      %while3A = arith.constant 1 : i32
      %while3A_44 = arith.constant 0 : i32
      %while3A_45 = arith.constant 0 : i32
      %while3A_46 = arith.subi %div3A_43, %while3A_45 : i32
      %while3A_47 = arith.addi %while3A_45, %while3A_46 : i32
      %while3A_48 = arith.constant 1 : i32
      %while3A_49 = arith.divsi %while3A_46, %while3A_48 : i32
      %while3A_50 = arith.muli %while3A_49, %while3A_48 : i32
      %while3A_51 = arith.addi %while3A_45, %while3A_50 : i32
      %while3A_52 = arith.constant 1 : i32
      scf.for %while3A_73 = %while3A_45 to %while3A_51 step %while3A_52  : i32 {
        %mul3A_74 = arith.muli %while3A_73, %while3A : i32
        %add3A_75 = arith.addi %while3A_44, %mul3A_74 : i32
        %and3A_76 = arith.constant 1 : i32
        %and3A_77 = arith.andi %add3A_75, %and3A_76 : i32
        %dma_wait3A_78 = arith.constant 0 : i32
        %dma_wait3A_79 = arith.constant 0 : i32
        %dma_wait3A_80 = tpu.memref_slice %run_scoped3A[%and3A_77, %dma_wait3A_78, %dma_wait3A_79] : memref<2x128x64xf32, #tpu.memory_space<vmem>> -> memref<1x128x64xf32, #tpu.memory_space<vmem>>
        %dma_wait3A_81 = tpu.memref_squeeze %dma_wait3A_80 : memref<1x128x64xf32, #tpu.memory_space<vmem>> -> memref<128x64xf32, #tpu.memory_space<vmem>>
        %dma_wait3A_82 = arith.constant 0 : i32
        %dma_wait3A_83 = tpu.memref_slice %arg5[%add3A_75, %dma_wait3A_82] : memref<79x128xi32, #tpu.memory_space<vmem>> -> memref<1x128xi32, #tpu.memory_space<vmem>>
        %dma_wait3A_84 = tpu.memref_squeeze %dma_wait3A_83 : memref<1x128xi32, #tpu.memory_space<vmem>> -> memref<128xi32, #tpu.memory_space<vmem>>
        %dma_wait3A_85 = arith.constant 0 : i32
        %dma_wait3A_86 = arith.constant 0 : i32
        %dma_wait3A_87 = tpu.memref_slice %arg11[%dma_wait3A_85, %dma_wait3A_86] : memref<10240x64xf32, #tpu.memory_space<vmem_shared>> -> memref<10240x64xf32, #tpu.memory_space<vmem_shared>>
        tpu.wait_indirect_dma semaphore(%arg7 : memref<!tpu.dma_semaphore, #tpu.memory_space<semaphore_mem>>) src(%dma_wait3A_87 : memref<10240x64xf32, #tpu.memory_space<vmem_shared>>) dst(%dma_wait3A_81 : memref<128x64xf32, #tpu.memory_space<vmem>>)
        %gt3A = arith.constant 0 : i32
        %gt3A_88 = arith.cmpi sgt, %add3A_75, %gt3A : i32
        %convert_element_type3A_89 = arith.extui %gt3A_88 : i1 to i32
        %cond3A_90 = arith.constant 0 : i32
        %cond3A_91 = arith.cmpi ne, %convert_element_type3A_89, %cond3A_90 : i32
        scf.if %cond3A_91 {
          %sub3A_108 = arith.constant 1 : i32
          %sub3A_109 = arith.subi %sub3A_108, %and3A_77 : i32
          %sub3A_110 = arith.constant 1 : i32
          %sub3A_111 = arith.subi %add3A_75, %sub3A_110 : i32
          %dma_wait3A_112 = arith.constant 0 : i32
          %dma_wait3A_113 = arith.constant 0 : i32
          %dma_wait3A_114 = tpu.memref_slice %run_scoped3A[%sub3A_109, %dma_wait3A_112, %dma_wait3A_113] : memref<2x128x64xf32, #tpu.memory_space<vmem>> -> memref<1x128x64xf32, #tpu.memory_space<vmem>>
          %dma_wait3A_115 = tpu.memref_squeeze %dma_wait3A_114 : memref<1x128x64xf32, #tpu.memory_space<vmem>> -> memref<128x64xf32, #tpu.memory_space<vmem>>
          %dma_wait3A_116 = arith.constant 0 : i32
          %dma_wait3A_117 = tpu.memref_slice %arg6[%sub3A_111, %dma_wait3A_116] : memref<79x128xi32, #tpu.memory_space<vmem>> -> memref<1x128xi32, #tpu.memory_space<vmem>>
          %dma_wait3A_118 = tpu.memref_squeeze %dma_wait3A_117 : memref<1x128xi32, #tpu.memory_space<vmem>> -> memref<128xi32, #tpu.memory_space<vmem>>
          %dma_wait3A_119 = arith.constant 0 : i32
          %dma_wait3A_120 = arith.constant 0 : i32
          %dma_wait3A_121 = tpu.memref_slice %arg12[%dma_wait3A_119, %dma_wait3A_120] : memref<10240x64xf32, #tpu.memory_space<vmem_shared>> -> memref<10240x64xf32, #tpu.memory_space<vmem_shared>>
          tpu.wait_indirect_dma semaphore(%arg9 : memref<!tpu.dma_semaphore, #tpu.memory_space<semaphore_mem>>) src(%dma_wait3A_115 : memref<128x64xf32, #tpu.memory_space<vmem>>) dst(%dma_wait3A_121 : memref<10240x64xf32, #tpu.memory_space<vmem_shared>>)
        } else {
        }
        %sub3A_92 = arith.constant 1 : i32
        %sub3A_93 = arith.subi %add3A_3, %sub3A_92 : i32
        %lt3A_94 = arith.cmpi slt, %add3A_75, %sub3A_93 : i32
        %convert_element_type3A_95 = arith.extui %lt3A_94 : i1 to i32
        %cond3A_96 = arith.constant 0 : i32
        %cond3A_97 = arith.cmpi ne, %convert_element_type3A_95, %cond3A_96 : i32
        scf.if %cond3A_97 {
          %add3A_108 = arith.constant 1 : i32
          %add3A_109 = arith.addi %add3A_75, %add3A_108 : i32
          %sub3A_110 = arith.constant 1 : i32
          %sub3A_111 = arith.subi %sub3A_110, %and3A_77 : i32
          %dma_start3A_112 = arith.constant 0 : i32
          %dma_start3A_113 = arith.constant 0 : i32
          %dma_start3A_114 = tpu.memref_slice %run_scoped3A[%sub3A_111, %dma_start3A_112, %dma_start3A_113] : memref<2x128x64xf32, #tpu.memory_space<vmem>> -> memref<1x128x64xf32, #tpu.memory_space<vmem>>
          %dma_start3A_115 = tpu.memref_squeeze %dma_start3A_114 : memref<1x128x64xf32, #tpu.memory_space<vmem>> -> memref<128x64xf32, #tpu.memory_space<vmem>>
          %dma_start3A_116 = arith.constant 0 : i32
          %dma_start3A_117 = tpu.memref_slice %arg5[%add3A_109, %dma_start3A_116] : memref<79x128xi32, #tpu.memory_space<vmem>> -> memref<1x128xi32, #tpu.memory_space<vmem>>
          %dma_start3A_118 = tpu.memref_squeeze %dma_start3A_117 : memref<1x128xi32, #tpu.memory_space<vmem>> -> memref<128xi32, #tpu.memory_space<vmem>>
          %dma_start3A_119 = arith.constant 0 : i32
          %dma_start3A_120 = arith.constant 0 : i32
          %dma_start3A_121 = tpu.memref_slice %arg11[%dma_start3A_119, %dma_start3A_120] : memref<10240x64xf32, #tpu.memory_space<vmem_shared>> -> memref<10240x64xf32, #tpu.memory_space<vmem_shared>>
          tpu.enqueue_indirect_dma source(%dma_start3A_121 : memref<10240x64xf32, #tpu.memory_space<vmem_shared>>) target(%dma_start3A_115 : memref<128x64xf32, #tpu.memory_space<vmem>>) offsets(%dma_start3A_118 : memref<128xi32, #tpu.memory_space<vmem>>) semaphore(%arg7 : memref<!tpu.dma_semaphore, #tpu.memory_space<semaphore_mem>>)
        } else {
        }
        %dma_start3A_98 = arith.constant 0 : i32
        %dma_start3A_99 = arith.constant 0 : i32
        %dma_start3A_100 = tpu.memref_slice %run_scoped3A[%and3A_77, %dma_start3A_98, %dma_start3A_99] : memref<2x128x64xf32, #tpu.memory_space<vmem>> -> memref<1x128x64xf32, #tpu.memory_space<vmem>>
        %dma_start3A_101 = tpu.memref_squeeze %dma_start3A_100 : memref<1x128x64xf32, #tpu.memory_space<vmem>> -> memref<128x64xf32, #tpu.memory_space<vmem>>
        %dma_start3A_102 = arith.constant 0 : i32
        %dma_start3A_103 = tpu.memref_slice %arg6[%add3A_75, %dma_start3A_102] : memref<79x128xi32, #tpu.memory_space<vmem>> -> memref<1x128xi32, #tpu.memory_space<vmem>>
        %dma_start3A_104 = tpu.memref_squeeze %dma_start3A_103 : memref<1x128xi32, #tpu.memory_space<vmem>> -> memref<128xi32, #tpu.memory_space<vmem>>
        %dma_start3A_105 = arith.constant 0 : i32
        %dma_start3A_106 = arith.constant 0 : i32
        %dma_start3A_107 = tpu.memref_slice %arg12[%dma_start3A_105, %dma_start3A_106] : memref<10240x64xf32, #tpu.memory_space<vmem_shared>> -> memref<10240x64xf32, #tpu.memory_space<vmem_shared>>
        tpu.enqueue_indirect_dma source(%dma_start3A_101 : memref<128x64xf32, #tpu.memory_space<vmem>>) target(%dma_start3A_107 : memref<10240x64xf32, #tpu.memory_space<vmem_shared>>) offsets(%dma_start3A_104 : memref<128xi32, #tpu.memory_space<vmem>>) semaphore(%arg9 : memref<!tpu.dma_semaphore, #tpu.memory_space<semaphore_mem>>) {add = true}
      }
      %while3A_53 = arith.constant 1 : i32
      scf.for %while3A_73 = %while3A_51 to %while3A_47 step %while3A_53  : i32 {
        %mul3A_74 = arith.muli %while3A_73, %while3A : i32
        %add3A_75 = arith.addi %while3A_44, %mul3A_74 : i32
        %and3A_76 = arith.constant 1 : i32
        %and3A_77 = arith.andi %add3A_75, %and3A_76 : i32
        %dma_wait3A_78 = arith.constant 0 : i32
        %dma_wait3A_79 = arith.constant 0 : i32
        %dma_wait3A_80 = tpu.memref_slice %run_scoped3A[%and3A_77, %dma_wait3A_78, %dma_wait3A_79] : memref<2x128x64xf32, #tpu.memory_space<vmem>> -> memref<1x128x64xf32, #tpu.memory_space<vmem>>
        %dma_wait3A_81 = tpu.memref_squeeze %dma_wait3A_80 : memref<1x128x64xf32, #tpu.memory_space<vmem>> -> memref<128x64xf32, #tpu.memory_space<vmem>>
        %dma_wait3A_82 = arith.constant 0 : i32
        %dma_wait3A_83 = tpu.memref_slice %arg5[%add3A_75, %dma_wait3A_82] : memref<79x128xi32, #tpu.memory_space<vmem>> -> memref<1x128xi32, #tpu.memory_space<vmem>>
        %dma_wait3A_84 = tpu.memref_squeeze %dma_wait3A_83 : memref<1x128xi32, #tpu.memory_space<vmem>> -> memref<128xi32, #tpu.memory_space<vmem>>
        %dma_wait3A_85 = arith.constant 0 : i32
        %dma_wait3A_86 = arith.constant 0 : i32
        %dma_wait3A_87 = tpu.memref_slice %arg11[%dma_wait3A_85, %dma_wait3A_86] : memref<10240x64xf32, #tpu.memory_space<vmem_shared>> -> memref<10240x64xf32, #tpu.memory_space<vmem_shared>>
        tpu.wait_indirect_dma semaphore(%arg7 : memref<!tpu.dma_semaphore, #tpu.memory_space<semaphore_mem>>) src(%dma_wait3A_87 : memref<10240x64xf32, #tpu.memory_space<vmem_shared>>) dst(%dma_wait3A_81 : memref<128x64xf32, #tpu.memory_space<vmem>>)
        %gt3A = arith.constant 0 : i32
        %gt3A_88 = arith.cmpi sgt, %add3A_75, %gt3A : i32
        %convert_element_type3A_89 = arith.extui %gt3A_88 : i1 to i32
        %cond3A_90 = arith.constant 0 : i32
        %cond3A_91 = arith.cmpi ne, %convert_element_type3A_89, %cond3A_90 : i32
        scf.if %cond3A_91 {
          %sub3A_108 = arith.constant 1 : i32
          %sub3A_109 = arith.subi %sub3A_108, %and3A_77 : i32
          %sub3A_110 = arith.constant 1 : i32
          %sub3A_111 = arith.subi %add3A_75, %sub3A_110 : i32
          %dma_wait3A_112 = arith.constant 0 : i32
          %dma_wait3A_113 = arith.constant 0 : i32
          %dma_wait3A_114 = tpu.memref_slice %run_scoped3A[%sub3A_109, %dma_wait3A_112, %dma_wait3A_113] : memref<2x128x64xf32, #tpu.memory_space<vmem>> -> memref<1x128x64xf32, #tpu.memory_space<vmem>>
          %dma_wait3A_115 = tpu.memref_squeeze %dma_wait3A_114 : memref<1x128x64xf32, #tpu.memory_space<vmem>> -> memref<128x64xf32, #tpu.memory_space<vmem>>
          %dma_wait3A_116 = arith.constant 0 : i32
          %dma_wait3A_117 = tpu.memref_slice %arg6[%sub3A_111, %dma_wait3A_116] : memref<79x128xi32, #tpu.memory_space<vmem>> -> memref<1x128xi32, #tpu.memory_space<vmem>>
          %dma_wait3A_118 = tpu.memref_squeeze %dma_wait3A_117 : memref<1x128xi32, #tpu.memory_space<vmem>> -> memref<128xi32, #tpu.memory_space<vmem>>
          %dma_wait3A_119 = arith.constant 0 : i32
          %dma_wait3A_120 = arith.constant 0 : i32
          %dma_wait3A_121 = tpu.memref_slice %arg12[%dma_wait3A_119, %dma_wait3A_120] : memref<10240x64xf32, #tpu.memory_space<vmem_shared>> -> memref<10240x64xf32, #tpu.memory_space<vmem_shared>>
          tpu.wait_indirect_dma semaphore(%arg9 : memref<!tpu.dma_semaphore, #tpu.memory_space<semaphore_mem>>) src(%dma_wait3A_115 : memref<128x64xf32, #tpu.memory_space<vmem>>) dst(%dma_wait3A_121 : memref<10240x64xf32, #tpu.memory_space<vmem_shared>>)
        } else {
        }
        %sub3A_92 = arith.constant 1 : i32
        %sub3A_93 = arith.subi %add3A_3, %sub3A_92 : i32
        %lt3A_94 = arith.cmpi slt, %add3A_75, %sub3A_93 : i32
        %convert_element_type3A_95 = arith.extui %lt3A_94 : i1 to i32
        %cond3A_96 = arith.constant 0 : i32
        %cond3A_97 = arith.cmpi ne, %convert_element_type3A_95, %cond3A_96 : i32
        scf.if %cond3A_97 {
          %add3A_108 = arith.constant 1 : i32
          %add3A_109 = arith.addi %add3A_75, %add3A_108 : i32
          %sub3A_110 = arith.constant 1 : i32
          %sub3A_111 = arith.subi %sub3A_110, %and3A_77 : i32
          %dma_start3A_112 = arith.constant 0 : i32
          %dma_start3A_113 = arith.constant 0 : i32
          %dma_start3A_114 = tpu.memref_slice %run_scoped3A[%sub3A_111, %dma_start3A_112, %dma_start3A_113] : memref<2x128x64xf32, #tpu.memory_space<vmem>> -> memref<1x128x64xf32, #tpu.memory_space<vmem>>
          %dma_start3A_115 = tpu.memref_squeeze %dma_start3A_114 : memref<1x128x64xf32, #tpu.memory_space<vmem>> -> memref<128x64xf32, #tpu.memory_space<vmem>>
          %dma_start3A_116 = arith.constant 0 : i32
          %dma_start3A_117 = tpu.memref_slice %arg5[%add3A_109, %dma_start3A_116] : memref<79x128xi32, #tpu.memory_space<vmem>> -> memref<1x128xi32, #tpu.memory_space<vmem>>
          %dma_start3A_118 = tpu.memref_squeeze %dma_start3A_117 : memref<1x128xi32, #tpu.memory_space<vmem>> -> memref<128xi32, #tpu.memory_space<vmem>>
          %dma_start3A_119 = arith.constant 0 : i32
          %dma_start3A_120 = arith.constant 0 : i32
          %dma_start3A_121 = tpu.memref_slice %arg11[%dma_start3A_119, %dma_start3A_120] : memref<10240x64xf32, #tpu.memory_space<vmem_shared>> -> memref<10240x64xf32, #tpu.memory_space<vmem_shared>>
          tpu.enqueue_indirect_dma source(%dma_start3A_121 : memref<10240x64xf32, #tpu.memory_space<vmem_shared>>) target(%dma_start3A_115 : memref<128x64xf32, #tpu.memory_space<vmem>>) offsets(%dma_start3A_118 : memref<128xi32, #tpu.memory_space<vmem>>) semaphore(%arg7 : memref<!tpu.dma_semaphore, #tpu.memory_space<semaphore_mem>>)
        } else {
        }
        %dma_start3A_98 = arith.constant 0 : i32
        %dma_start3A_99 = arith.constant 0 : i32
        %dma_start3A_100 = tpu.memref_slice %run_scoped3A[%and3A_77, %dma_start3A_98, %dma_start3A_99] : memref<2x128x64xf32, #tpu.memory_space<vmem>> -> memref<1x128x64xf32, #tpu.memory_space<vmem>>
        %dma_start3A_101 = tpu.memref_squeeze %dma_start3A_100 : memref<1x128x64xf32, #tpu.memory_space<vmem>> -> memref<128x64xf32, #tpu.memory_space<vmem>>
        %dma_start3A_102 = arith.constant 0 : i32
        %dma_start3A_103 = tpu.memref_slice %arg6[%add3A_75, %dma_start3A_102] : memref<79x128xi32, #tpu.memory_space<vmem>> -> memref<1x128xi32, #tpu.memory_space<vmem>>
        %dma_start3A_104 = tpu.memref_squeeze %dma_start3A_103 : memref<1x128xi32, #tpu.memory_space<vmem>> -> memref<128xi32, #tpu.memory_space<vmem>>
        %dma_start3A_105 = arith.constant 0 : i32
        %dma_start3A_106 = arith.constant 0 : i32
        %dma_start3A_107 = tpu.memref_slice %arg12[%dma_start3A_105, %dma_start3A_106] : memref<10240x64xf32, #tpu.memory_space<vmem_shared>> -> memref<10240x64xf32, #tpu.memory_space<vmem_shared>>
        tpu.enqueue_indirect_dma source(%dma_start3A_101 : memref<128x64xf32, #tpu.memory_space<vmem>>) target(%dma_start3A_107 : memref<10240x64xf32, #tpu.memory_space<vmem_shared>>) offsets(%dma_start3A_104 : memref<128xi32, #tpu.memory_space<vmem>>) semaphore(%arg9 : memref<!tpu.dma_semaphore, #tpu.memory_space<semaphore_mem>>) {add = true}
      }
      %sub3A_54 = arith.constant 1 : i32
      %sub3A_55 = arith.subi %add3A_3, %sub3A_54 : i32
      %and3A = arith.constant 1 : i32
      %and3A_56 = arith.andi %sub3A_55, %and3A : i32
      %sub3A_57 = arith.constant 1 : i32
      %sub3A_58 = arith.subi %add3A_3, %sub3A_57 : i32
      %dma_wait3A = arith.constant 0 : i32
      %dma_wait3A_59 = arith.constant 0 : i32
      %dma_wait3A_60 = tpu.memref_slice %run_scoped3A[%and3A_56, %dma_wait3A, %dma_wait3A_59] : memref<2x128x64xf32, #tpu.memory_space<vmem>> -> memref<1x128x64xf32, #tpu.memory_space<vmem>>
      %dma_wait3A_61 = tpu.memref_squeeze %dma_wait3A_60 : memref<1x128x64xf32, #tpu.memory_space<vmem>> -> memref<128x64xf32, #tpu.memory_space<vmem>>
      %dma_wait3A_62 = arith.constant 0 : i32
      %dma_wait3A_63 = tpu.memref_slice %arg6[%sub3A_58, %dma_wait3A_62] : memref<79x128xi32, #tpu.memory_space<vmem>> -> memref<1x128xi32, #tpu.memory_space<vmem>>
      %dma_wait3A_64 = tpu.memref_squeeze %dma_wait3A_63 : memref<1x128xi32, #tpu.memory_space<vmem>> -> memref<128xi32, #tpu.memory_space<vmem>>
      %dma_wait3A_65 = arith.constant 0 : i32
      %dma_wait3A_66 = arith.constant 0 : i32
      %dma_wait3A_67 = tpu.memref_slice %arg12[%dma_wait3A_65, %dma_wait3A_66] : memref<10240x64xf32, #tpu.memory_space<vmem_shared>> -> memref<10240x64xf32, #tpu.memory_space<vmem_shared>>
      tpu.wait_indirect_dma semaphore(%arg9 : memref<!tpu.dma_semaphore, #tpu.memory_space<semaphore_mem>>) src(%dma_wait3A_61 : memref<128x64xf32, #tpu.memory_space<vmem>>) dst(%dma_wait3A_67 : memref<10240x64xf32, #tpu.memory_space<vmem_shared>>)
      %barrier3A_68 = arith.constant 0 : index
      tpu.barrier barrier_id(%barrier3A_68)
      %mul3A_69 = arith.constant 640 : i32
      %mul3A_70 = arith.muli %arg1, %mul3A_69 : i32
      %mul3A_71 = arith.constant 640 : i32
      %mul3A_72 = arith.muli %arg1, %mul3A_71 : i32
      "tpu.region"() ({
        %run_scoped3A_73 = tpu.sem_alloc : memref<!tpu.dma_semaphore, #tpu.memory_space<semaphore_mem>>
        %dma_start3A_74 = arith.constant 0 : i32
        %dma_start3A_75 = tpu.memref_slice %arg4[%arg0, %mul3A_72, %dma_start3A_74] : memref<2x10240x64xf32, #tpu.memory_space<hbm>> -> memref<1x640x64xf32, #tpu.memory_space<hbm>>
        %dma_start3A_76 = tpu.memref_squeeze %dma_start3A_75 : memref<1x640x64xf32, #tpu.memory_space<hbm>> -> memref<640x64xf32, #tpu.memory_space<hbm>>
        %dma_start3A_77 = arith.constant 0 : i32
        %dma_start3A_78 = tpu.memref_slice %arg12[%mul3A_70, %dma_start3A_77] : memref<10240x64xf32, #tpu.memory_space<vmem_shared>> -> memref<640x64xf32, #tpu.memory_space<vmem_shared>>
        tpu.enqueue_dma source(%dma_start3A_78 : memref<640x64xf32, #tpu.memory_space<vmem_shared>>) target(%dma_start3A_76 : memref<640x64xf32, #tpu.memory_space<hbm>>) target_semaphore(%run_scoped3A_73 : memref<!tpu.dma_semaphore, #tpu.memory_space<semaphore_mem>>)
        %dma_wait3A_79 = arith.constant 0 : i32
        %dma_wait3A_80 = tpu.memref_slice %arg4[%arg0, %mul3A_72, %dma_wait3A_79] : memref<2x10240x64xf32, #tpu.memory_space<hbm>> -> memref<1x640x64xf32, #tpu.memory_space<hbm>>
        %dma_wait3A_81 = tpu.memref_squeeze %dma_wait3A_80 : memref<1x640x64xf32, #tpu.memory_space<hbm>> -> memref<640x64xf32, #tpu.memory_space<hbm>>
        %dma_wait3A_82 = arith.constant 0 : i32
        %dma_wait3A_83 = tpu.memref_slice %arg12[%mul3A_70, %dma_wait3A_82] : memref<10240x64xf32, #tpu.memory_space<vmem_shared>> -> memref<640x64xf32, #tpu.memory_space<vmem_shared>>
        tpu.wait_dma2 semaphore(%run_scoped3A_73 : memref<!tpu.dma_semaphore, #tpu.memory_space<semaphore_mem>>) src(%dma_wait3A_83 : memref<640x64xf32, #tpu.memory_space<vmem_shared>>) dst(%dma_wait3A_81 : memref<640x64xf32, #tpu.memory_space<hbm>>)
        tpu.yield
      }) : () -> ()
      tpu.yield
    }) : () -> ()
    return
  }
}

module attributes {stable_mosaic.version = 14 : i64} {
  func.func @_tc1a_body(%arg0: i32, %arg1: memref<1024x128xf32, #tpu.memory_space<vmem>>, %arg2: memref<128x64xf32, #tpu.memory_space<vmem>>, %arg3: memref<128x1xi32, #tpu.memory_space<vmem>>, %arg4: memref<128x64xf32, #tpu.memory_space<vmem>>, %arg5: memref<1024x64xf32, #tpu.memory_space<vmem>>, %arg6: memref<128x64xf32, #tpu.memory_space<vmem>>) attributes {dimension_semantics = [#tpu.dimension_semantics<arbitrary>], iteration_bounds = array<i64: 10>, scalar_prefetch = 0 : i64, scratch_operands = 0 : i64, tpu.core_type = #tpu.core_type<tc>, window_params = [{transform_indices = @transform_0, window_bounds = array<i64: 1024, 128>}, {pipeline_mode = #tpu.pipeline_mode<synchronous>, transform_indices = @transform_1, window_bounds = array<i64: 128, 64>}, {pipeline_mode = #tpu.pipeline_mode<synchronous>, transform_indices = @transform_2, window_bounds = array<i64: 128, 1>}, {pipeline_mode = #tpu.pipeline_mode<synchronous>, transform_indices = @transform_3, window_bounds = array<i64: 128, 64>}, {transform_indices = @transform_4, window_bounds = array<i64: 1024, 64>}, {pipeline_mode = #tpu.pipeline_mode<synchronous>, transform_indices = @transform_5, window_bounds = array<i64: 128, 64>}]} {
    %get3A = arith.constant 0 : index
    %get3A_0 = arith.constant 0 : index
    %get3A_1 = vector.load %arg1[%get3A, %get3A_0] : memref<1024x128xf32, #tpu.memory_space<vmem>>, vector<1024x128xf32>
    %get3A_2 = arith.constant 0 : index
    %get3A_3 = arith.constant 0 : index
    %get3A_4 = vector.load %arg2[%get3A_2, %get3A_3] : memref<128x64xf32, #tpu.memory_space<vmem>>, vector<128x64xf32>
    %dot_general3A = arith.constant dense<0.000000e+00> : vector<1024x64xf32>
    %dot_general3A_5 = tpu.matmul %get3A_1, %get3A_4, %dot_general3A {dimension_numbers = #tpu.dot_dimension_numbers<[1], [0], [0], [1], [0, 0, 1, 1], [], []>, transpose_lhs_hint = false} : vector<1024x128xf32>, vector<128x64xf32>, vector<1024x64xf32> -> vector<1024x64xf32>
    %swap3A = arith.constant 0 : index
    %swap3A_6 = arith.constant 0 : index
    %swap3A_7 = vector.load %arg5[%swap3A, %swap3A_6] : memref<1024x64xf32, #tpu.memory_space<vmem>>, vector<1024x64xf32>
    tpu.vector_store %arg5[%swap3A, %swap3A_6], %dot_general3A_5 {strides = array<i32>} : memref<1024x64xf32, #tpu.memory_space<vmem>>, vector<1024x64xf32>,
    %mul3A = arith.constant 1024 : i32
    %mul3A_8 = arith.muli %arg0, %mul3A : i32
    %iota3A = tpu.iota {dimensions = array<i32: 1>} : vector<1x1024xi32>
    %add3A = vector.broadcast %mul3A_8 : i32 to vector<1x1024xi32>
    %add3A_9 = arith.addi %add3A, %iota3A : vector<1x1024xi32>
    %get3A_10 = arith.constant 0 : index
    %get3A_11 = arith.constant 0 : index
    %get3A_12 = vector.load %arg3[%get3A_10, %get3A_11] : memref<128x1xi32, #tpu.memory_space<vmem>>, vector<128x1xi32>
    %eq3A = vector.broadcast %get3A_12 : vector<128x1xi32> to vector<128x1024xi32>
    %eq3A_13 = vector.broadcast %add3A_9 : vector<1x1024xi32> to vector<128x1024xi32>
    %eq3A_14 = arith.cmpi eq, %eq3A, %eq3A_13 : vector<128x1024xi32>
    %convert_element_type3A = arith.extui %eq3A_14 : vector<128x1024xi1> to vector<128x1024xi32>
    %convert_element_type3A_15 = arith.sitofp %convert_element_type3A : vector<128x1024xi32> to vector<128x1024xf32>
    %get3A_16 = arith.constant 0 : index
    %get3A_17 = arith.constant 0 : index
    %get3A_18 = vector.load %arg1[%get3A_16, %get3A_17] : memref<1024x128xf32, #tpu.memory_space<vmem>>, vector<1024x128xf32>
    %dot_general3A_19 = arith.constant dense<0.000000e+00> : vector<128x128xf32>
    %dot_general3A_20 = tpu.matmul %convert_element_type3A_15, %get3A_18, %dot_general3A_19 {dimension_numbers = #tpu.dot_dimension_numbers<[1], [0], [0], [1], [0, 0, 1, 1], [], []>, transpose_lhs_hint = false} : vector<128x1024xf32>, vector<1024x128xf32>, vector<128x128xf32> -> vector<128x128xf32>
    %max3A = arith.constant 0.000000e+00 : f32
    %max3A_21 = vector.broadcast %max3A : f32 to vector<128x128xf32>
    %max3A_22 = arith.maximumf %dot_general3A_20, %max3A_21 : vector<128x128xf32>
    %get3A_23 = arith.constant 0 : index
    %get3A_24 = arith.constant 0 : index
    %get3A_25 = vector.load %arg4[%get3A_23, %get3A_24] : memref<128x64xf32, #tpu.memory_space<vmem>>, vector<128x64xf32>
    %dot_general3A_26 = arith.constant dense<0.000000e+00> : vector<128x64xf32>
    %dot_general3A_27 = tpu.matmul %max3A_22, %get3A_25, %dot_general3A_26 {dimension_numbers = #tpu.dot_dimension_numbers<[1], [0], [0], [1], [0, 0, 1, 1], [], []>, transpose_lhs_hint = false} : vector<128x128xf32>, vector<128x64xf32>, vector<128x64xf32> -> vector<128x64xf32>
    %eq3A_28 = arith.constant 0 : i32
    %eq3A_29 = arith.cmpi eq, %arg0, %eq3A_28 : i32
    %convert_element_type3A_30 = arith.extui %eq3A_29 : i1 to i32
    %cond3A = arith.constant 0 : i32
    %cond3A_31 = arith.cmpi ne, %convert_element_type3A_30, %cond3A : i32
    scf.if %cond3A_31 {
      %broadcast_in_dim3A = arith.constant 0.000000e+00 : f32
      %broadcast_in_dim3A_39 = vector.broadcast %broadcast_in_dim3A : f32 to vector<128x64xf32>
      %swap3A_40 = arith.constant 0 : index
      %swap3A_41 = arith.constant 0 : index
      %swap3A_42 = vector.load %arg6[%swap3A_40, %swap3A_41] : memref<128x64xf32, #tpu.memory_space<vmem>>, vector<128x64xf32>
      tpu.vector_store %arg6[%swap3A_40, %swap3A_41], %broadcast_in_dim3A_39 {strides = array<i32>} : memref<128x64xf32, #tpu.memory_space<vmem>>, vector<128x64xf32>,
    } else {
    }
    %get3A_32 = arith.constant 0 : index
    %get3A_33 = arith.constant 0 : index
    %get3A_34 = vector.load %arg6[%get3A_32, %get3A_33] : memref<128x64xf32, #tpu.memory_space<vmem>>, vector<128x64xf32>
    %add3A_35 = arith.addf %get3A_34, %dot_general3A_27 : vector<128x64xf32>
    %swap3A_36 = arith.constant 0 : index
    %swap3A_37 = arith.constant 0 : index
    %swap3A_38 = vector.load %arg6[%swap3A_36, %swap3A_37] : memref<128x64xf32, #tpu.memory_space<vmem>>, vector<128x64xf32>
    tpu.vector_store %arg6[%swap3A_36, %swap3A_37], %add3A_35 {strides = array<i32>} : memref<128x64xf32, #tpu.memory_space<vmem>>, vector<128x64xf32>,
    return
  }
  func.func @transform_0(%arg0: i32) -> (i32, i32) {
    %c0_i32 = arith.constant 0 : i32
    %c0_i32_0 = arith.constant 0 : i32
    return %arg0, %c0_i32 : i32, i32
  }
  func.func @transform_1(%arg0: i32) -> (i32, i32) {
    %c0_i32 = arith.constant 0 : i32
    %c0_i32_0 = arith.constant 0 : i32
    %c0_i32_1 = arith.constant 0 : i32
    return %c0_i32, %c0_i32_0 : i32, i32
  }
  func.func @transform_2(%arg0: i32) -> (i32, i32) {
    %c0_i32 = arith.constant 0 : i32
    %c0_i32_0 = arith.constant 0 : i32
    %c0_i32_1 = arith.constant 0 : i32
    return %c0_i32, %c0_i32_0 : i32, i32
  }
  func.func @transform_3(%arg0: i32) -> (i32, i32) {
    %c0_i32 = arith.constant 0 : i32
    %c0_i32_0 = arith.constant 0 : i32
    %c0_i32_1 = arith.constant 0 : i32
    return %c0_i32, %c0_i32_0 : i32, i32
  }
  func.func @transform_4(%arg0: i32) -> (i32, i32) {
    %c0_i32 = arith.constant 0 : i32
    %c0_i32_0 = arith.constant 0 : i32
    return %arg0, %c0_i32 : i32, i32
  }
  func.func @transform_5(%arg0: i32) -> (i32, i32) {
    %c0_i32 = arith.constant 0 : i32
    %c0_i32_0 = arith.constant 0 : i32
    %c0_i32_1 = arith.constant 0 : i32
    return %c0_i32, %c0_i32_0 : i32, i32
  }
}

module attributes {stable_mosaic.version = 14 : i64} {
  func.func @_tc1b_body(%arg0: i32, %arg1: memref<1024x64xf32, #tpu.memory_space<vmem>>, %arg2: memref<2x1024x16xf32, #tpu.memory_space<vmem>>, %arg3: memref<1024x64xf32, #tpu.memory_space<vmem>>) attributes {dimension_semantics = [#tpu.dimension_semantics<arbitrary>], iteration_bounds = array<i64: 10>, scalar_prefetch = 0 : i64, scratch_operands = 0 : i64, tpu.core_type = #tpu.core_type<tc>, window_params = [{transform_indices = @transform_0, window_bounds = array<i64: 1024, 64>}, {transform_indices = @transform_1, window_bounds = array<i64: 2, 1024, 16>}, {transform_indices = @transform_2, window_bounds = array<i64: 1024, 64>}]} {
    %get3A = arith.constant 0 : index
    %get3A_0 = arith.constant 0 : index
    %get3A_1 = arith.constant 0 : index
    %get3A_2 = vector.load %arg2[%get3A, %get3A_0, %get3A_1] : memref<2x1024x16xf32, #tpu.memory_space<vmem>>, vector<1x1024x1xf32>
    %get3A_3 = vector.shape_cast %get3A_2 : vector<1x1024x1xf32> to vector<1024xf32>
    %get3A_4 = arith.constant 1 : index
    %get3A_5 = arith.constant 0 : index
    %get3A_6 = arith.constant 0 : index
    %get3A_7 = vector.load %arg2[%get3A_4, %get3A_5, %get3A_6] : memref<2x1024x16xf32, #tpu.memory_space<vmem>>, vector<1x1024x1xf32>
    %get3A_8 = vector.shape_cast %get3A_7 : vector<1x1024x1xf32> to vector<1024xf32>
    %add3A = arith.addf %get3A_3, %get3A_8 : vector<1024xf32>
    %add3A_9 = arith.constant 1.000000e+00 : f32
    %add3A_10 = vector.broadcast %add3A_9 : f32 to vector<1024xf32>
    %add3A_11 = arith.addf %add3A, %add3A_10 : vector<1024xf32>
    %rsqrt3A = math.rsqrt %add3A_11 : vector<1024xf32>
    %get3A_12 = arith.constant 0 : index
    %get3A_13 = arith.constant 0 : index
    %get3A_14 = vector.load %arg1[%get3A_12, %get3A_13] : memref<1024x64xf32, #tpu.memory_space<vmem>>, vector<1024x64xf32>
    %broadcast_in_dim3A = vector.shape_cast %rsqrt3A : vector<1024xf32> to vector<1024x1xf32>
    %mul3A = vector.broadcast %broadcast_in_dim3A : vector<1024x1xf32> to vector<1024x64xf32>
    %mul3A_15 = arith.mulf %get3A_14, %mul3A : vector<1024x64xf32>
    %swap3A = arith.constant 0 : index
    %swap3A_16 = arith.constant 0 : index
    %swap3A_17 = vector.load %arg3[%swap3A, %swap3A_16] : memref<1024x64xf32, #tpu.memory_space<vmem>>, vector<1024x64xf32>
    tpu.vector_store %arg3[%swap3A, %swap3A_16], %mul3A_15 {strides = array<i32>} : memref<1024x64xf32, #tpu.memory_space<vmem>>, vector<1024x64xf32>,
    return
  }
  func.func @transform_0(%arg0: i32) -> (i32, i32) {
    %c0_i32 = arith.constant 0 : i32
    %c0_i32_0 = arith.constant 0 : i32
    return %arg0, %c0_i32 : i32, i32
  }
  func.func @transform_1(%arg0: i32) -> (i32, i32, i32) {
    %c0_i32 = arith.constant 0 : i32
    %c0_i32_0 = arith.constant 0 : i32
    %c0_i32_1 = arith.constant 0 : i32
    return %c0_i32, %arg0, %c0_i32_0 : i32, i32, i32
  }
  func.func @transform_2(%arg0: i32) -> (i32, i32) {
    %c0_i32 = arith.constant 0 : i32
    %c0_i32_0 = arith.constant 0 : i32
    return %arg0, %c0_i32 : i32, i32
  }
}

module attributes {stable_mosaic.version = 14 : i64} {
  func.func @_tc2_body(%arg0: i32, %arg1: memref<2x1024x64xf32, #tpu.memory_space<vmem>>, %arg2: memref<1024x64xf32, #tpu.memory_space<vmem>>, %arg3: memref<2x1024x16xf32, #tpu.memory_space<vmem>>, %arg4: memref<8x64xf32, #tpu.memory_space<vmem>>, %arg5: memref<128x64xf32, #tpu.memory_space<vmem>>, %arg6: memref<1024x1xi32, #tpu.memory_space<vmem>>, %arg7: memref<64x64xf32, #tpu.memory_space<vmem>>, %arg8: memref<1024x64xf32, #tpu.memory_space<vmem>>, %arg9: memref<1024x64xf32, #tpu.memory_space<vmem>>) attributes {dimension_semantics = [#tpu.dimension_semantics<arbitrary>], iteration_bounds = array<i64: 10>, scalar_prefetch = 0 : i64, scratch_operands = 0 : i64, tpu.core_type = #tpu.core_type<tc>, window_params = [{transform_indices = @transform_0, window_bounds = array<i64: 2, 1024, 64>}, {transform_indices = @transform_1, window_bounds = array<i64: 1024, 64>}, {transform_indices = @transform_2, window_bounds = array<i64: 2, 1024, 16>}, {pipeline_mode = #tpu.pipeline_mode<synchronous>, transform_indices = @transform_3, window_bounds = array<i64: 8, 64>}, {pipeline_mode = #tpu.pipeline_mode<synchronous>, transform_indices = @transform_4, window_bounds = array<i64: 128, 64>}, {transform_indices = @transform_5, window_bounds = array<i64: 1024, 1>}, {pipeline_mode = #tpu.pipeline_mode<synchronous>, transform_indices = @transform_6, window_bounds = array<i64: 64, 64>}, {transform_indices = @transform_7, window_bounds = array<i64: 1024, 64>}, {transform_indices = @transform_8, window_bounds = array<i64: 1024, 64>}]} {
    %get3A = arith.constant 0 : index
    %get3A_0 = arith.constant 0 : index
    %get3A_1 = arith.constant 0 : index
    %get3A_2 = vector.load %arg3[%get3A, %get3A_0, %get3A_1] : memref<2x1024x16xf32, #tpu.memory_space<vmem>>, vector<1x1024x1xf32>
    %get3A_3 = vector.shape_cast %get3A_2 : vector<1x1024x1xf32> to vector<1024xf32>
    %get3A_4 = arith.constant 1 : index
    %get3A_5 = arith.constant 0 : index
    %get3A_6 = arith.constant 0 : index
    %get3A_7 = vector.load %arg3[%get3A_4, %get3A_5, %get3A_6] : memref<2x1024x16xf32, #tpu.memory_space<vmem>>, vector<1x1024x1xf32>
    %get3A_8 = vector.shape_cast %get3A_7 : vector<1x1024x1xf32> to vector<1024xf32>
    %add3A = arith.addf %get3A_3, %get3A_8 : vector<1024xf32>
    %add3A_9 = arith.constant 1.000000e+00 : f32
    %add3A_10 = vector.broadcast %add3A_9 : f32 to vector<1024xf32>
    %add3A_11 = arith.addf %add3A, %add3A_10 : vector<1024xf32>
    %rsqrt3A = math.rsqrt %add3A_11 : vector<1024xf32>
    %get3A_12 = arith.constant 0 : index
    %get3A_13 = arith.constant 0 : index
    %get3A_14 = arith.constant 0 : index
    %get3A_15 = vector.load %arg1[%get3A_12, %get3A_13, %get3A_14] : memref<2x1024x64xf32, #tpu.memory_space<vmem>>, vector<1x1024x64xf32>
    %get3A_16 = vector.shape_cast %get3A_15 : vector<1x1024x64xf32> to vector<1024x64xf32>
    %get3A_17 = arith.constant 1 : index
    %get3A_18 = arith.constant 0 : index
    %get3A_19 = arith.constant 0 : index
    %get3A_20 = vector.load %arg1[%get3A_17, %get3A_18, %get3A_19] : memref<2x1024x64xf32, #tpu.memory_space<vmem>>, vector<1x1024x64xf32>
    %get3A_21 = vector.shape_cast %get3A_20 : vector<1x1024x64xf32> to vector<1024x64xf32>
    %add3A_22 = arith.addf %get3A_16, %get3A_21 : vector<1024x64xf32>
    %get3A_23 = arith.constant 0 : index
    %get3A_24 = arith.constant 0 : index
    %get3A_25 = vector.load %arg2[%get3A_23, %get3A_24] : memref<1024x64xf32, #tpu.memory_space<vmem>>, vector<1024x64xf32>
    %add3A_26 = arith.addf %add3A_22, %get3A_25 : vector<1024x64xf32>
    %broadcast_in_dim3A = vector.shape_cast %rsqrt3A : vector<1024xf32> to vector<1024x1xf32>
    %mul3A = vector.broadcast %broadcast_in_dim3A : vector<1024x1xf32> to vector<1024x64xf32>
    %mul3A_27 = arith.mulf %add3A_26, %mul3A : vector<1024x64xf32>
    %get3A_28 = arith.constant 0 : index
    %get3A_29 = arith.constant 0 : index
    %get3A_30 = vector.load %arg4[%get3A_28, %get3A_29] : memref<8x64xf32, #tpu.memory_space<vmem>>, vector<1x64xf32>
    %add3A_31 = vector.broadcast %get3A_30 : vector<1x64xf32> to vector<1024x64xf32>
    %add3A_32 = arith.addf %mul3A_27, %add3A_31 : vector<1024x64xf32>
    %swap3A = arith.constant 0 : index
    %swap3A_33 = arith.constant 0 : index
    %swap3A_34 = vector.load %arg8[%swap3A, %swap3A_33] : memref<1024x64xf32, #tpu.memory_space<vmem>>, vector<1024x64xf32>
    tpu.vector_store %arg8[%swap3A, %swap3A_33], %add3A_32 {strides = array<i32>} : memref<1024x64xf32, #tpu.memory_space<vmem>>, vector<1024x64xf32>,
    %max3A = arith.constant 0.000000e+00 : f32
    %max3A_35 = vector.broadcast %max3A : f32 to vector<1024x64xf32>
    %max3A_36 = arith.maximumf %add3A_32, %max3A_35 : vector<1024x64xf32>
    %iota3A = tpu.iota {dimensions = array<i32: 1>} : vector<1x128xi32>
    %get3A_37 = arith.constant 0 : index
    %get3A_38 = arith.constant 0 : index
    %get3A_39 = vector.load %arg6[%get3A_37, %get3A_38] : memref<1024x1xi32, #tpu.memory_space<vmem>>, vector<1024x1xi32>
    %eq3A = vector.broadcast %get3A_39 : vector<1024x1xi32> to vector<1024x128xi32>
    %eq3A_40 = vector.broadcast %iota3A : vector<1x128xi32> to vector<1024x128xi32>
    %eq3A_41 = arith.cmpi eq, %eq3A, %eq3A_40 : vector<1024x128xi32>
    %convert_element_type3A = arith.extui %eq3A_41 : vector<1024x128xi1> to vector<1024x128xi32>
    %convert_element_type3A_42 = arith.sitofp %convert_element_type3A : vector<1024x128xi32> to vector<1024x128xf32>
    %get3A_43 = arith.constant 0 : index
    %get3A_44 = arith.constant 0 : index
    %get3A_45 = vector.load %arg5[%get3A_43, %get3A_44] : memref<128x64xf32, #tpu.memory_space<vmem>>, vector<128x64xf32>
    %dot_general3A = arith.constant dense<0.000000e+00> : vector<1024x64xf32>
    %dot_general3A_46 = tpu.matmul %convert_element_type3A_42, %get3A_45, %dot_general3A {dimension_numbers = #tpu.dot_dimension_numbers<[1], [0], [0], [1], [0, 0, 1, 1], [], []>, transpose_lhs_hint = false} : vector<1024x128xf32>, vector<128x64xf32>, vector<1024x64xf32> -> vector<1024x64xf32>
    %get3A_47 = arith.constant 0 : index
    %get3A_48 = arith.constant 0 : index
    %get3A_49 = vector.load %arg7[%get3A_47, %get3A_48] : memref<64x64xf32, #tpu.memory_space<vmem>>, vector<64x64xf32>
    %dot_general3A_50 = arith.constant dense<0.000000e+00> : vector<1024x64xf32>
    %dot_general3A_51 = tpu.matmul %max3A_36, %get3A_49, %dot_general3A_50 {dimension_numbers = #tpu.dot_dimension_numbers<[1], [0], [0], [1], [0, 0, 1, 1], [], []>, transpose_lhs_hint = false} : vector<1024x64xf32>, vector<64x64xf32>, vector<1024x64xf32> -> vector<1024x64xf32>
    %add3A_52 = arith.addf %dot_general3A_51, %dot_general3A_46 : vector<1024x64xf32>
    %broadcast_in_dim3A_53 = vector.shape_cast %rsqrt3A : vector<1024xf32> to vector<1024x1xf32>
    %mul3A_54 = vector.broadcast %broadcast_in_dim3A_53 : vector<1024x1xf32> to vector<1024x64xf32>
    %mul3A_55 = arith.mulf %add3A_52, %mul3A_54 : vector<1024x64xf32>
    %swap3A_56 = arith.constant 0 : index
    %swap3A_57 = arith.constant 0 : index
    %swap3A_58 = vector.load %arg9[%swap3A_56, %swap3A_57] : memref<1024x64xf32, #tpu.memory_space<vmem>>, vector<1024x64xf32>
    tpu.vector_store %arg9[%swap3A_56, %swap3A_57], %mul3A_55 {strides = array<i32>} : memref<1024x64xf32, #tpu.memory_space<vmem>>, vector<1024x64xf32>,
    return
  }
  func.func @transform_0(%arg0: i32) -> (i32, i32, i32) {
    %c0_i32 = arith.constant 0 : i32
    %c0_i32_0 = arith.constant 0 : i32
    %c0_i32_1 = arith.constant 0 : i32
    return %c0_i32, %arg0, %c0_i32_0 : i32, i32, i32
  }
  func.func @transform_1(%arg0: i32) -> (i32, i32) {
    %c0_i32 = arith.constant 0 : i32
    %c0_i32_0 = arith.constant 0 : i32
    return %arg0, %c0_i32 : i32, i32
  }
  func.func @transform_2(%arg0: i32) -> (i32, i32, i32) {
    %c0_i32 = arith.constant 0 : i32
    %c0_i32_0 = arith.constant 0 : i32
    %c0_i32_1 = arith.constant 0 : i32
    return %c0_i32, %arg0, %c0_i32_0 : i32, i32, i32
  }
  func.func @transform_3(%arg0: i32) -> (i32, i32) {
    %c0_i32 = arith.constant 0 : i32
    %c0_i32_0 = arith.constant 0 : i32
    %c0_i32_1 = arith.constant 0 : i32
    return %c0_i32, %c0_i32_0 : i32, i32
  }
  func.func @transform_4(%arg0: i32) -> (i32, i32) {
    %c0_i32 = arith.constant 0 : i32
    %c0_i32_0 = arith.constant 0 : i32
    %c0_i32_1 = arith.constant 0 : i32
    return %c0_i32, %c0_i32_0 : i32, i32
  }
  func.func @transform_5(%arg0: i32) -> (i32, i32) {
    %c0_i32 = arith.constant 0 : i32
    %c0_i32_0 = arith.constant 0 : i32
    return %arg0, %c0_i32 : i32, i32
  }
  func.func @transform_6(%arg0: i32) -> (i32, i32) {
    %c0_i32 = arith.constant 0 : i32
    %c0_i32_0 = arith.constant 0 : i32
    %c0_i32_1 = arith.constant 0 : i32
    return %c0_i32, %c0_i32_0 : i32, i32
  }
  func.func @transform_7(%arg0: i32) -> (i32, i32) {
    %c0_i32 = arith.constant 0 : i32
    %c0_i32_0 = arith.constant 0 : i32
    return %arg0, %c0_i32 : i32, i32
  }
  func.func @transform_8(%arg0: i32) -> (i32, i32) {
    %c0_i32 = arith.constant 0 : i32
    %c0_i32_0 = arith.constant 0 : i32
    return %arg0, %c0_i32 : i32, i32
  }
}

module attributes {stable_mosaic.version = 14 : i64} {
  func.func @_tc3_body(%arg0: i32, %arg1: memref<2x1024x64xf32, #tpu.memory_space<vmem>>, %arg2: memref<1024x64xf32, #tpu.memory_space<vmem>>, %arg3: memref<2x1024x16xf32, #tpu.memory_space<vmem>>, %arg4: memref<8x64xf32, #tpu.memory_space<vmem>>, %arg5: memref<1024x64xf32, #tpu.memory_space<vmem>>, %arg6: memref<1x1x1024xi32, #tpu.memory_space<vmem>>, %arg7: memref<128x1xi32, #tpu.memory_space<vmem>>, %arg8: memref<128x128xf32, #tpu.memory_space<vmem>>, %arg9: memref<128x64xf32, #tpu.memory_space<vmem>>, %arg10: memref<128x64xf32, #tpu.memory_space<vmem>>, %arg11: memref<128x64xf32, #tpu.memory_space<vmem>>) attributes {dimension_semantics = [#tpu.dimension_semantics<arbitrary>], iteration_bounds = array<i64: 10>, scalar_prefetch = 0 : i64, scratch_operands = 3 : i64, tpu.core_type = #tpu.core_type<tc>, window_params = [{transform_indices = @transform_0, window_bounds = array<i64: 2, 1024, 64>}, {transform_indices = @transform_1, window_bounds = array<i64: 1024, 64>}, {transform_indices = @transform_2, window_bounds = array<i64: 2, 1024, 16>}, {pipeline_mode = #tpu.pipeline_mode<synchronous>, transform_indices = @transform_3, window_bounds = array<i64: 8, 64>}, {transform_indices = @transform_4, window_bounds = array<i64: 1024, 64>}, {transform_indices = @transform_5, window_bounds = array<i64: 1, 1, 1024>}, {pipeline_mode = #tpu.pipeline_mode<synchronous>, transform_indices = @transform_6, window_bounds = array<i64: 128, 1>}, {pipeline_mode = #tpu.pipeline_mode<synchronous>, transform_indices = @transform_7, window_bounds = array<i64: 128, 128>}]} {
    %eq3A = arith.constant 0 : i32
    %eq3A_0 = arith.cmpi eq, %arg0, %eq3A : i32
    %convert_element_type3A = arith.extui %eq3A_0 : i1 to i32
    %cond3A = arith.constant 0 : i32
    %cond3A_1 = arith.cmpi ne, %convert_element_type3A, %cond3A : i32
    scf.if %cond3A_1 {
      %broadcast_in_dim3A_95 = arith.constant 0.000000e+00 : f32
      %broadcast_in_dim3A_96 = vector.broadcast %broadcast_in_dim3A_95 : f32 to vector<128x64xf32>
      %swap3A_97 = arith.constant 0 : index
      %swap3A_98 = arith.constant 0 : index
      %swap3A_99 = vector.load %arg9[%swap3A_97, %swap3A_98] : memref<128x64xf32, #tpu.memory_space<vmem>>, vector<128x64xf32>
      tpu.vector_store %arg9[%swap3A_97, %swap3A_98], %broadcast_in_dim3A_96 {strides = array<i32>} : memref<128x64xf32, #tpu.memory_space<vmem>>, vector<128x64xf32>,
      %broadcast_in_dim3A_100 = arith.constant 0.000000e+00 : f32
      %broadcast_in_dim3A_101 = vector.broadcast %broadcast_in_dim3A_100 : f32 to vector<128x64xf32>
      %swap3A_102 = arith.constant 0 : index
      %swap3A_103 = arith.constant 0 : index
      %swap3A_104 = vector.load %arg10[%swap3A_102, %swap3A_103] : memref<128x64xf32, #tpu.memory_space<vmem>>, vector<128x64xf32>
      tpu.vector_store %arg10[%swap3A_102, %swap3A_103], %broadcast_in_dim3A_101 {strides = array<i32>} : memref<128x64xf32, #tpu.memory_space<vmem>>, vector<128x64xf32>,
      %broadcast_in_dim3A_105 = arith.constant 0.000000e+00 : f32
      %broadcast_in_dim3A_106 = vector.broadcast %broadcast_in_dim3A_105 : f32 to vector<128x64xf32>
      %swap3A_107 = arith.constant 0 : index
      %swap3A_108 = arith.constant 0 : index
      %swap3A_109 = vector.load %arg11[%swap3A_107, %swap3A_108] : memref<128x64xf32, #tpu.memory_space<vmem>>, vector<128x64xf32>
      tpu.vector_store %arg11[%swap3A_107, %swap3A_108], %broadcast_in_dim3A_106 {strides = array<i32>} : memref<128x64xf32, #tpu.memory_space<vmem>>, vector<128x64xf32>,
    } else {
    }
    %get3A = arith.constant 0 : index
    %get3A_2 = arith.constant 0 : index
    %get3A_3 = arith.constant 0 : index
    %get3A_4 = vector.load %arg3[%get3A, %get3A_2, %get3A_3] : memref<2x1024x16xf32, #tpu.memory_space<vmem>>, vector<1x1024x1xf32>
    %get3A_5 = vector.shape_cast %get3A_4 : vector<1x1024x1xf32> to vector<1024xf32>
    %get3A_6 = arith.constant 1 : index
    %get3A_7 = arith.constant 0 : index
    %get3A_8 = arith.constant 0 : index
    %get3A_9 = vector.load %arg3[%get3A_6, %get3A_7, %get3A_8] : memref<2x1024x16xf32, #tpu.memory_space<vmem>>, vector<1x1024x1xf32>
    %get3A_10 = vector.shape_cast %get3A_9 : vector<1x1024x1xf32> to vector<1024xf32>
    %add3A = arith.addf %get3A_5, %get3A_10 : vector<1024xf32>
    %add3A_11 = arith.constant 1.000000e+00 : f32
    %add3A_12 = vector.broadcast %add3A_11 : f32 to vector<1024xf32>
    %add3A_13 = arith.addf %add3A, %add3A_12 : vector<1024xf32>
    %rsqrt3A = math.rsqrt %add3A_13 : vector<1024xf32>
    %get3A_14 = arith.constant 0 : index
    %get3A_15 = arith.constant 0 : index
    %get3A_16 = arith.constant 0 : index
    %get3A_17 = vector.load %arg1[%get3A_14, %get3A_15, %get3A_16] : memref<2x1024x64xf32, #tpu.memory_space<vmem>>, vector<1x1024x64xf32>
    %get3A_18 = vector.shape_cast %get3A_17 : vector<1x1024x64xf32> to vector<1024x64xf32>
    %get3A_19 = arith.constant 1 : index
    %get3A_20 = arith.constant 0 : index
    %get3A_21 = arith.constant 0 : index
    %get3A_22 = vector.load %arg1[%get3A_19, %get3A_20, %get3A_21] : memref<2x1024x64xf32, #tpu.memory_space<vmem>>, vector<1x1024x64xf32>
    %get3A_23 = vector.shape_cast %get3A_22 : vector<1x1024x64xf32> to vector<1024x64xf32>
    %add3A_24 = arith.addf %get3A_18, %get3A_23 : vector<1024x64xf32>
    %get3A_25 = arith.constant 0 : index
    %get3A_26 = arith.constant 0 : index
    %get3A_27 = vector.load %arg2[%get3A_25, %get3A_26] : memref<1024x64xf32, #tpu.memory_space<vmem>>, vector<1024x64xf32>
    %add3A_28 = arith.addf %add3A_24, %get3A_27 : vector<1024x64xf32>
    %broadcast_in_dim3A = vector.shape_cast %rsqrt3A : vector<1024xf32> to vector<1024x1xf32>
    %mul3A = vector.broadcast %broadcast_in_dim3A : vector<1024x1xf32> to vector<1024x64xf32>
    %mul3A_29 = arith.mulf %add3A_28, %mul3A : vector<1024x64xf32>
    %get3A_30 = arith.constant 0 : index
    %get3A_31 = arith.constant 0 : index
    %get3A_32 = vector.load %arg4[%get3A_30, %get3A_31] : memref<8x64xf32, #tpu.memory_space<vmem>>, vector<1x64xf32>
    %add3A_33 = vector.broadcast %get3A_32 : vector<1x64xf32> to vector<1024x64xf32>
    %add3A_34 = arith.addf %mul3A_29, %add3A_33 : vector<1024x64xf32>
    %max3A = arith.constant 0.000000e+00 : f32
    %max3A_35 = vector.broadcast %max3A : f32 to vector<1024x64xf32>
    %max3A_36 = arith.maximumf %add3A_34, %max3A_35 : vector<1024x64xf32>
    %iota3A = tpu.iota {dimensions = array<i32: 0>} : vector<128x1xi32>
    %get3A_37 = arith.constant 0 : index
    %get3A_38 = arith.constant 0 : index
    %get3A_39 = arith.constant 0 : index
    %get3A_40 = vector.load %arg6[%get3A_37, %get3A_38, %get3A_39] : memref<1x1x1024xi32, #tpu.memory_space<vmem>>, vector<1x1x1024xi32>
    %get3A_41 = vector.shape_cast %get3A_40 : vector<1x1x1024xi32> to vector<1x1024xi32>
    %eq3A_42 = vector.broadcast %get3A_41 : vector<1x1024xi32> to vector<128x1024xi32>
    %eq3A_43 = vector.broadcast %iota3A : vector<128x1xi32> to vector<128x1024xi32>
    %eq3A_44 = arith.cmpi eq, %eq3A_42, %eq3A_43 : vector<128x1024xi32>
    %convert_element_type3A_45 = arith.extui %eq3A_44 : vector<128x1024xi1> to vector<128x1024xi32>
    %convert_element_type3A_46 = arith.sitofp %convert_element_type3A_45 : vector<128x1024xi32> to vector<128x1024xf32>
    %get3A_47 = arith.constant 0 : index
    %get3A_48 = arith.constant 0 : index
    %get3A_49 = vector.load %arg9[%get3A_47, %get3A_48] : memref<128x64xf32, #tpu.memory_space<vmem>>, vector<128x64xf32>
    %dot_general3A = arith.constant dense<0.000000e+00> : vector<128x64xf32>
    %dot_general3A_50 = tpu.matmul %convert_element_type3A_46, %max3A_36, %dot_general3A {dimension_numbers = #tpu.dot_dimension_numbers<[1], [0], [0], [1], [0, 0, 1, 1], [], []>, transpose_lhs_hint = false} : vector<128x1024xf32>, vector<1024x64xf32>, vector<128x64xf32> -> vector<128x64xf32>
    %add3A_51 = arith.addf %get3A_49, %dot_general3A_50 : vector<128x64xf32>
    %swap3A = arith.constant 0 : index
    %swap3A_52 = arith.constant 0 : index
    %swap3A_53 = vector.load %arg9[%swap3A, %swap3A_52] : memref<128x64xf32, #tpu.memory_space<vmem>>, vector<128x64xf32>
    tpu.vector_store %arg9[%swap3A, %swap3A_52], %add3A_51 {strides = array<i32>} : memref<128x64xf32, #tpu.memory_space<vmem>>, vector<128x64xf32>,
    %broadcast_in_dim3A_54 = arith.constant 1.000000e+00 : f32
    %broadcast_in_dim3A_55 = vector.broadcast %broadcast_in_dim3A_54 : f32 to vector<1024x64xf32>
    %get3A_56 = arith.constant 0 : index
    %get3A_57 = arith.constant 0 : index
    %get3A_58 = vector.load %arg11[%get3A_56, %get3A_57] : memref<128x64xf32, #tpu.memory_space<vmem>>, vector<128x64xf32>
    %dot_general3A_59 = arith.constant dense<0.000000e+00> : vector<128x64xf32>
    %dot_general3A_60 = tpu.matmul %convert_element_type3A_46, %broadcast_in_dim3A_55, %dot_general3A_59 {dimension_numbers = #tpu.dot_dimension_numbers<[1], [0], [0], [1], [0, 0, 1, 1], [], []>, transpose_lhs_hint = false} : vector<128x1024xf32>, vector<1024x64xf32>, vector<128x64xf32> -> vector<128x64xf32>
    %add3A_61 = arith.addf %get3A_58, %dot_general3A_60 : vector<128x64xf32>
    %swap3A_62 = arith.constant 0 : index
    %swap3A_63 = arith.constant 0 : index
    %swap3A_64 = vector.load %arg11[%swap3A_62, %swap3A_63] : memref<128x64xf32, #tpu.memory_space<vmem>>, vector<128x64xf32>
    tpu.vector_store %arg11[%swap3A_62, %swap3A_63], %add3A_61 {strides = array<i32>} : memref<128x64xf32, #tpu.memory_space<vmem>>, vector<128x64xf32>,
    %mul3A_65 = arith.constant 1024 : i32
    %mul3A_66 = arith.muli %arg0, %mul3A_65 : i32
    %iota3A_67 = tpu.iota {dimensions = array<i32: 1>} : vector<1x1024xi32>
    %add3A_68 = vector.broadcast %mul3A_66 : i32 to vector<1x1024xi32>
    %add3A_69 = arith.addi %add3A_68, %iota3A_67 : vector<1x1024xi32>
    %get3A_70 = arith.constant 0 : index
    %get3A_71 = arith.constant 0 : index
    %get3A_72 = vector.load %arg7[%get3A_70, %get3A_71] : memref<128x1xi32, #tpu.memory_space<vmem>>, vector<128x1xi32>
    %eq3A_73 = vector.broadcast %get3A_72 : vector<128x1xi32> to vector<128x1024xi32>
    %eq3A_74 = vector.broadcast %add3A_69 : vector<1x1024xi32> to vector<128x1024xi32>
    %eq3A_75 = arith.cmpi eq, %eq3A_73, %eq3A_74 : vector<128x1024xi32>
    %convert_element_type3A_76 = arith.extui %eq3A_75 : vector<128x1024xi1> to vector<128x1024xi32>
    %convert_element_type3A_77 = arith.sitofp %convert_element_type3A_76 : vector<128x1024xi32> to vector<128x1024xf32>
    %get3A_78 = arith.constant 0 : index
    %get3A_79 = arith.constant 0 : index
    %get3A_80 = vector.load %arg10[%get3A_78, %get3A_79] : memref<128x64xf32, #tpu.memory_space<vmem>>, vector<128x64xf32>
    %get3A_81 = arith.constant 0 : index
    %get3A_82 = arith.constant 0 : index
    %get3A_83 = vector.load %arg5[%get3A_81, %get3A_82] : memref<1024x64xf32, #tpu.memory_space<vmem>>, vector<1024x64xf32>
    %dot_general3A_84 = arith.constant dense<0.000000e+00> : vector<128x64xf32>
    %dot_general3A_85 = tpu.matmul %convert_element_type3A_77, %get3A_83, %dot_general3A_84 {dimension_numbers = #tpu.dot_dimension_numbers<[1], [0], [0], [1], [0, 0, 1, 1], [], []>, transpose_lhs_hint = false} : vector<128x1024xf32>, vector<1024x64xf32>, vector<128x64xf32> -> vector<128x64xf32>
    %add3A_86 = arith.addf %get3A_80, %dot_general3A_85 : vector<128x64xf32>
    %swap3A_87 = arith.constant 0 : index
    %swap3A_88 = arith.constant 0 : index
    %swap3A_89 = vector.load %arg10[%swap3A_87, %swap3A_88] : memref<128x64xf32, #tpu.memory_space<vmem>>, vector<128x64xf32>
    tpu.vector_store %arg10[%swap3A_87, %swap3A_88], %add3A_86 {strides = array<i32>} : memref<128x64xf32, #tpu.memory_space<vmem>>, vector<128x64xf32>,
    %eq3A_90 = arith.constant 9 : i32
    %eq3A_91 = arith.cmpi eq, %arg0, %eq3A_90 : i32
    %convert_element_type3A_92 = arith.extui %eq3A_91 : i1 to i32
    %cond3A_93 = arith.constant 0 : i32
    %cond3A_94 = arith.cmpi ne, %convert_element_type3A_92, %cond3A_93 : i32
    scf.if %cond3A_94 {
      %get3A_95 = arith.constant 0 : index
      %get3A_96 = arith.constant 0 : index
      %get3A_97 = vector.load %arg11[%get3A_95, %get3A_96] : memref<128x64xf32, #tpu.memory_space<vmem>>, vector<128x64xf32>
      %get3A_98 = arith.constant 0 : index
      %get3A_99 = arith.constant 0 : index
      %get3A_100 = vector.load %arg9[%get3A_98, %get3A_99] : memref<128x64xf32, #tpu.memory_space<vmem>>, vector<128x64xf32>
      %max3A_101 = arith.constant 1.000000e+00 : f32
      %max3A_102 = vector.broadcast %max3A_101 : f32 to vector<128x64xf32>
      %max3A_103 = arith.maximumf %get3A_97, %max3A_102 : vector<128x64xf32>
      %div3A = arith.divf %get3A_100, %max3A_103 : vector<128x64xf32>
      %gt3A = arith.constant 0.000000e+00 : f32
      %gt3A_104 = vector.broadcast %gt3A : f32 to vector<128x64xf32>
      %gt3A_105 = arith.cmpf ogt, %get3A_97, %gt3A_104 : vector<128x64xf32>
      %get3A_106 = arith.constant 0 : index
      %get3A_107 = arith.constant 0 : index
      %get3A_108 = vector.load %arg10[%get3A_106, %get3A_107] : memref<128x64xf32, #tpu.memory_space<vmem>>, vector<128x64xf32>
      %jit3A = arith.constant 0.000000e+00 : f32
      %broadcast_in_dim3A_109 = vector.broadcast %jit3A : f32 to vector<128x64xf32>
      %select_n3A = arith.select %gt3A_105, %get3A_108, %broadcast_in_dim3A_109 : vector<128x64xi1>, vector<128x64xf32>
      %concatenate3A = tpu.concatenate %div3A, %select_n3A in 1 : vector<128x64xf32>, vector<128x64xf32> -> vector<128x128xf32>
      %swap3A_110 = arith.constant 0 : index
      %swap3A_111 = arith.constant 0 : index
      %swap3A_112 = vector.load %arg8[%swap3A_110, %swap3A_111] : memref<128x128xf32, #tpu.memory_space<vmem>>, vector<128x128xf32>
      tpu.vector_store %arg8[%swap3A_110, %swap3A_111], %concatenate3A {strides = array<i32>} : memref<128x128xf32, #tpu.memory_space<vmem>>, vector<128x128xf32>,
    } else {
    }
    return
  }
  func.func @transform_0(%arg0: i32) -> (i32, i32, i32) {
    %c0_i32 = arith.constant 0 : i32
    %c0_i32_0 = arith.constant 0 : i32
    %c0_i32_1 = arith.constant 0 : i32
    return %c0_i32, %arg0, %c0_i32_0 : i32, i32, i32
  }
  func.func @transform_1(%arg0: i32) -> (i32, i32) {
    %c0_i32 = arith.constant 0 : i32
    %c0_i32_0 = arith.constant 0 : i32
    return %arg0, %c0_i32 : i32, i32
  }
  func.func @transform_2(%arg0: i32) -> (i32, i32, i32) {
    %c0_i32 = arith.constant 0 : i32
    %c0_i32_0 = arith.constant 0 : i32
    %c0_i32_1 = arith.constant 0 : i32
    return %c0_i32, %arg0, %c0_i32_0 : i32, i32, i32
  }
  func.func @transform_3(%arg0: i32) -> (i32, i32) {
    %c0_i32 = arith.constant 0 : i32
    %c0_i32_0 = arith.constant 0 : i32
    %c0_i32_1 = arith.constant 0 : i32
    return %c0_i32, %c0_i32_0 : i32, i32
  }
  func.func @transform_4(%arg0: i32) -> (i32, i32) {
    %c0_i32 = arith.constant 0 : i32
    %c0_i32_0 = arith.constant 0 : i32
    return %arg0, %c0_i32 : i32, i32
  }
  func.func @transform_5(%arg0: i32) -> (i32, i32, i32) {
    %c0_i32 = arith.constant 0 : i32
    %c0_i32_0 = arith.constant 0 : i32
    %c0_i32_1 = arith.constant 0 : i32
    return %arg0, %c0_i32, %c0_i32_0 : i32, i32, i32
  }
  func.func @transform_6(%arg0: i32) -> (i32, i32) {
    %c0_i32 = arith.constant 0 : i32
    %c0_i32_0 = arith.constant 0 : i32
    %c0_i32_1 = arith.constant 0 : i32
    return %c0_i32, %c0_i32_0 : i32, i32
  }
  func.func @transform_7(%arg0: i32) -> (i32, i32) {
    %c0_i32 = arith.constant 0 : i32
    %c0_i32_0 = arith.constant 0 : i32
    %c0_i32_1 = arith.constant 0 : i32
    return %c0_i32, %c0_i32_0 : i32, i32
  }
}

</mosaic_0001>

<sc_bundles>
// kernel: kernel.12.cloned.1.call-start
scs
__scs_entry_jumppad:
0x0: {  	(pc) =	sbr.rel $0x88, $3  }
0x1: {  	(tag) =	ssettag $0x0;
	lr =	simm.s32 $0x1  }
0x2: {  	[smem:$0x3F99] =	sst lr;
	_ =	strace $0xD0000000  }
0x3: {  	_ = 	snop  }
0x4: {  	_ = 	snop  }
0x5: {  	_ = 	snop  }
0x6: {  	_ = 	snop  }
0x7: {  	_ = 	snop  }
__scs_overlays_trampoline_lowered:
0x8: {  	[smem:$0x3FA8] =	sst s0  }
0x9: {  	[smem:$0x3FA9] =	sst s1  }
0xa: {  	[smem:$0x3FAA] =	sst s2  }
0xb: {  	[smem:$0x3FAB] =	sst s3  }
0xc: {  	[smem:$0x3FAC] =	sst s4  }
0xd: {  	[smem:$0x3FAD] =	sst s5  }
0xe: {  	[smem:$0x3FAE] =	sst s6  }
0xf: {  	[smem:$0x3FAF] =	sst s7  }
0x10: {  	[smem:$0x3FB0] =	sst s8  }
0x11: {  	[smem:$0x3FB1] =	sst s9;
	s0 =	simm.s32 @!p0 $0x0  }
0x12: {  	s1 =	sld [smem:$0x3F97];
	s0 =	simm.s32 @p0 $0x1  }
0x13: {  	[smem:$0x3FB2] =	sst s0;
	s0 =	simm.s32 @!p1 $0x0  }
0x14: {  	s2 =	sld [smem:$0x3F96];
	s0 =	simm.s32 @p1 $0x1  }
0x15: {  	[smem:$0x3FB3] =	sst s0;
	s0 =	simm.s32 @!p2 $0x0  }
0x16: {  	s3 =	sld [smem:$0x3FDB];
	s0 =	simm.s32 @p2 $0x1  }
0x17: {  	s4 =	simm.s32 $0x1BF5;
	[smem:$0x3FB5] =	sst s0  }
0x18: {  	s0 =	sld [smem:$0x3F98];
	_ =	swait.ge [sflag:s4], $0x0  }
0x19: {  	s7 =	sld [smem:$0x3F99]  }
0x1a: {  	s8 =	sadd.s32 $0xFFFFE003, lr  }
0x1b: {  	s9 =	sadd.s32 $0xFFFFFEF7, lr;
	s5 =	simm.s32 $0xFFFFFFFF;
	p2 =	slt.u32 s8, $0xFFFFF086  }
0x1c: {  	p1 =	slt.u32 s9, $0xF7A;
	s5 =	simm.s32 @!p2 $0x0  }
0x1d: {  	s5 =	simm.s32 @p1 $0x1;
	p0 =	seq.s32 s7, s2  }
0x1e: {  	s7 =	smul.u32 @!p0 $0xF7A, s2;
	p2 =	seq.s32 @!p0 s5, $0x0  }
0x1f: {  	s9 =	smul.u32 $0xF7A, s1;
	s8 =	simm.s32 @!p0 $0x1BF5;
	p2 =	por !p2, p0  }
0x20: {  	[sflag:s8] =	ssyncset.s32 @!p0 $0xFFFFF086;
	s6 =	sadd.s32 @!p0 s3, s7;
	s7 =	simm.s32 @!p0 $0x108  }
0x21: {  	s3 =	sadd.s32 s3, s9;
	s6 =	sadd.s32 @!p0 $0x88, s6;
	s7 =	simm.s32 @p2 $0x1082  }
0x22: {  	[simem:s7], [sflag:s8] =	dma.local @!p0 [hbm:s6], $0xF7A  }
0x23: {  	s9 =	sor.u32 $0xD0000000, s2;
	s6 =	simm.s32 $0x108;
	_ =	swait.ge @!p0 [sflag:s8], $0x0  }
0x24: {  	s3 =	sadd.s32 $0x88, s3;
	s6 =	simm.s32 @!p1 $0x1082;
	[sflag:s4] =	ssyncset.s32 $0xFFFFF086  }
0x25: {  	[simem:s6], [sflag:s4] =	dma.local [hbm:s3], $0xF7A  }
0x26: {  	[smem:$0x3F99] =	sst s1;
	(tag) =	ssettag s2;
	_ =	strace s9  }
0x27: {  	s1 =	sld [smem:$0x3FA9]  }
0x28: {  	s2 =	sld [smem:$0x3FAA]  }
0x29: {  	s4 =	sld [smem:$0x3FAC]  }
0x2a: {  	p0 =	seq.s32 s5, $0x0;
	s5 =	sld [smem:$0x3FAD]  }
0x2b: {  	s6 =	sld [smem:$0x3FAE]  }
0x2c: {  	s7 =	sld [smem:$0x3FAF]  }
0x2d: {  	s3 =	simm.s32 $0x108;
	s8 =	sld [smem:$0x3FB0]  }
0x2e: {  	s3 =	simm.s32 @!p0 $0x1082;
	s9 =	sld [smem:$0x3FB1]  }
0x2f: {  	lr =	sadd.s32 s0, s3;
	s0 =	sld [smem:$0x3FA8]  }
0x30: {  	s3 =	sld [smem:$0x3FAB]  }
0x31: {  	[smem:$0x3FB4] =	sst s10  }
0x32: {  	s10 =	sld [smem:$0x3FB2];
	_ =	sdelay $0x3  }
0x33: {  	p0 =	seq.s32 s10, $0x1;
	s10 =	sld [smem:$0x3FB4];
	_ =	sdelay $0x3  }
0x34: {  	[smem:$0x3FB4] =	sst s10  }
0x35: {  	s10 =	sld [smem:$0x3FB3];
	_ =	sdelay $0x3  }
0x36: {  	p1 =	seq.s32 s10, $0x1;
	s10 =	sld [smem:$0x3FB4];
	_ =	sdelay $0x3  }
0x37: {  	[smem:$0x3FB4] =	sst s10  }
0x38: {  	s10 =	sld [smem:$0x3FB5]  }
0x39: {  	_ = 	snop;
	(pc) =	sbr.ind lr, $3  }
0x3a: {  	_ = 	snop  }
0x3b: {  	_ = 	snop  }
0x3c: {  	p2 =	seq.s32 s10, $0x1;
	s10 =	sld [smem:$0x3FB4]  }
0x3d: {  	_ =	shalt  }
0x3e: {  	_ =	shalt  }
0x3f: {  	_ =	shalt  }
0x40: {  	_ =	shalt  }
0x41: {  	_ =	shalt  }
0x42: {  	_ =	shalt  }
0x43: {  	_ =	shalt  }
0x44: {  	_ =	shalt  }
0x45: {  	_ =	shalt  }
0x46: {  	_ =	shalt  }
0x47: {  	_ =	shalt  }
0x48: {  	_ =	shalt  }
0x49: {  	_ =	shalt  }
0x4a: {  	_ =	shalt  }
0x4b: {  	_ =	shalt  }
0x4c: {  	_ =	shalt  }
0x4d: {  	_ =	shalt  }
0x4e: {  	_ =	shalt  }
0x4f: {  	_ =	shalt  }
0x50: {  	_ =	shalt  }
0x51: {  	_ =	shalt  }
0x52: {  	_ =	shalt  }
0x53: {  	_ =	shalt  }
0x54: {  	_ =	shalt  }
0x55: {  	_ =	shalt  }
0x56: {  	_ =	shalt  }
0x57: {  	_ =	shalt  }
0x58: {  	_ =	shalt  }
0x59: {  	_ =	shalt  }
0x5a: {  	_ =	shalt  }
0x5b: {  	_ =	shalt  }
0x5c: {  	_ =	shalt  }
0x5d: {  	_ =	shalt  }
0x5e: {  	_ =	shalt  }
0x5f: {  	_ =	shalt  }
0x60: {  	_ =	shalt  }
0x61: {  	_ =	shalt  }
0x62: {  	_ =	shalt  }
0x63: {  	_ =	shalt  }
0x64: {  	_ =	shalt  }
0x65: {  	_ =	shalt  }
0x66: {  	_ =	shalt  }
0x67: {  	_ =	shalt  }
0x68: {  	_ =	shalt  }
0x69: {  	_ =	shalt  }
0x6a: {  	_ =	shalt  }
0x6b: {  	_ =	shalt  }
0x6c: {  	_ =	shalt  }
0x6d: {  	_ =	shalt  }
0x6e: {  	_ =	shalt  }
0x6f: {  	_ =	shalt  }
0x70: {  	_ =	shalt  }
0x71: {  	_ =	shalt  }
0x72: {  	_ =	shalt  }
0x73: {  	_ =	shalt  }
0x74: {  	_ =	shalt  }
0x75: {  	_ =	shalt  }
0x76: {  	_ =	shalt  }
0x77: {  	_ =	shalt  }
0x78: {  	_ =	shalt  }
0x79: {  	_ =	shalt  }
0x7a: {  	_ =	shalt  }
0x7b: {  	_ =	shalt  }
0x7c: {  	_ =	shalt  }
0x7d: {  	_ =	shalt  }
0x7e: {  	_ =	shalt  }
0x7f: {  	_ =	shalt  }
0x80: {  	_ =	shalt  }
0x81: {  	_ =	shalt  }
0x82: {  	_ =	shalt  }
0x83: {  	_ =	shalt  }
0x84: {  	_ =	shalt  }
0x85: {  	_ =	shalt  }
0x86: {  	_ =	shalt  }
0x87: {  	_ =	shalt  }
.Lfunc_end0:
.L_simem_size_0:
called_computation.1_lowered:
.L_overlay_start_0:
0x88: {  	s2 =	sld [smem:$0x3FD9]  }
0x89: {  	s3 =	sld [smem:$0x3FFE];
	_ =	sdelay $0x1  }
0x8a: {  	s1 =	srdreg.scid  }
0x8b: {  	s0 =	sand.u32 $0x1, s1  }
0x8c: {  	s16 =	sshll.u32 s0, $0xA;
	s2 =	sadd.s32 s3, s2  }
0x8d: {  	s2 =	sadd.s32 s2, s16  }
0x8e: {  	[smem:$0x3FC0] =	sst s2  }
0x8f: {  	_ = 	snop  }
0x90: {  	(tm) =	ssettm $0x1  }
0x91: {  	s17 =	sld [smem:$0x3FFB];
	_ =	sdelay $0x3  }
0x92: {  	_ =	strace s17  }
0x93: {  	s2 =	sld [smem:$0x3FFC];
	_ =	sdelay $0x3  }
0x94: {  	_ =	strace s2  }
0x95: {  	s2 =	sld [smem:$0x3FFD];
	_ =	sdelay $0x3  }
0x96: {  	_ =	strace s2  }
0x97: {  	_ =	strace $0x8FFFFFFF  }
0x98: {  	s18 =	sld [smem:$0x3FDB];
	_ =	sdelay $0x1  }
0x99: {  	s19 =	simm.s32 $_scs_section_size  }
0x9a: {  	s4 =	simm.s32 $_size__tile_overlayer_lowered;
	s5 =	simm.s32 $_tile_overlayer_lowered  }
0x9b: {  	s22 =	simm.s32 $0x1BFF;
	s21 =	sshll.u32 s5, $0x1;
	s2 =	sadd.s32 s19, s18  }
0x9c: {  	s6 =	simm.s32 $0x0;
	s20 =	sshll.u32 s4, $0x1;
	s4 =	sadd.s32 s21, s2  }
0x9d: {  	[timem:s6], [sflag:s22] =	dma.local [hbm:s4], s20  }
0x9e: {  	_ =	swait.ge [sflag:s22], s20  }
0x9f: {  	s3 =	ssub.s32 $0x0, s20;
	[sflag:s22] =	ssyncset.done $0x0  }
0xa0: {  	[sflag:s22] =	ssyncadd.s32 s3;
	_ =	sdelay $0x1  }
0xa1: {  	s23 =	simm.s32 $0x1B8B  }
0xa2: {  	_ =	swait.ge [sflag:s23], $0x1  }
0xa3: {  	[sflag:s23] =	ssyncset.done $0x0  }
0xa4: {  	s25 =	simm.s32 $0x1B8E;
	s24 =	sld [smem:$0x3FFE];
	[sflag:s23] =	ssyncadd.s32 $0xFFFFFFFF  }
0xa5: {  	s26 =	simm.s32 $execute0_lowered;
	[smem:$0x3FD2] =	sst s25  }
0xa6: {  	s4 =	sshll.u32 s26, $0x1;
	_ =	strace $0x80000049;
	[dreg:$0x1] =	wrdreg $0xFFFFFFFF  }
0xa7: {  	s28 =	simm.s32 $_size_execute0_lowered;
	s2 =	sadd.s32 s2, s4;
	[dreg:$0x0] =	wrdreg $0x0  }
0xa8: {  	s4 =	sshll.u32 s28, $0x1;
	[dreg:$0x2] =	wrdreg s2  }
0xa9: {  	[dreg:$0x3] =	wrdreg s4  }
0xaa: {  	[dreg:$0x4] =	wrdreg $0xC0  }
0xab: {  	_ =	task [dreg:s6], $0x5FFFF  }
0xac: {  	[dreg:$0x1] =	wrdreg $0xFFFFFFFF  }
0xad: {  	[dreg:$0x0] =	wrdreg $0x60  }
0xae: {  	[dreg:$0x2] =	wrdreg s24  }
0xaf: {  	[dreg:$0x3] =	wrdreg $0x4F000  }
0xb0: {  	[dreg:$0x4] =	wrdreg $0xEF000  }
0xb1: {  	[dreg:$0x5] =	wrdreg $0x9  }
0xb2: {  	_ =	task.clear_ibuf [dreg:s6], $0x6FFFF;
	_ =	strace $0x90000049  }
0xb3: {  	s29 =	simm.s32 $0x9;
	_ =	strace $0x8000004B  }
0xb4: {  	_ =	swait.ge [sflag:s29], $0x1  }
0xb5: {  	[sflag:s29] =	ssyncadd.s32 $0xFFFFFFFF  }
0xb6: {  	_ =	strace $0x9000004B  }
0xb7: {  	_ =	sfence  }
0xb8: {  	s30 =	sld [smem:$0x0];
	_ =	sdelay $0x2  }
0xb9: {  	s31 =	sshll.u32 s1, $0xD;
	s1 =	sshrl.u32 s1, $0x2  }
0xba: {  	s3 =	sand.u32 $0x4000, s31;
	s1 =	sadd.s32 s1, s30  }
0xbb: {  	s0 =	sor.u32 s3, s0;
	s1 =	sshll.u32 s1, $0x11  }
0xbc: {  	s0 =	sor.u32 s1, s0  }
0xbd: {  	s0 =	sadd.s32 $0x8F2B, s0  }
0xbe: {  	[sflag:s0] =	ssyncadd.remote.s32 $0x1  }
0xbf: {  	_ =	sfence.sel $0xFFFF  }
0xc0: {  	[dreg:$0x0] =	wrdreg $0xFFFFFFFF;
	(pc) =	sbr.abs _section_cstart, $3  }
0xc1: {  	[dreg:$0x1] =	wrdreg $0xFFFFFFFF  }
0xc2: {  	_ =	task.clear_ibuf [dreg:s6], $0x2FFFF;
	_ =	strace $0x9FFFFFFF  }
0xc3: {  	(tm) =	ssettm $0x7FFFFFFF  }
tec
execute0_lowered:
.L_overlay_start_1:
0x0: {  	(tag) =	ssettag $0x1  }
0x1: {  	s0 =	rddreg [dreg:$0x0]  }
0x2: {  	s2 =	rddreg [dreg:$0x1]  }
0x3: {  	s3 =	rddreg [dreg:$0x2];
	s21 =	stileid.u32  }
0x4: {  	s4 =	simm.s32 $0x0;
	s5 =	srdreg.scid;
	s12 =	simm.s32 $0x4E  }
0x5: {  	s28 =	simm.s32 $0x1;
	s29 =	simm.s32 $0x2;
	s30 =	simm.s32 $0x0  }
0x6: {  	s1 =	smul.u32 $0xA000, s21;
	[smem:$0x7FF] =	sst s4;
	s5 =	sand.u32 $0x1, s5  }
0x7: {  	s8 =	sadd.s32 $0x3400, s0;
	s22 =	sshll.u32 s21, $0x4;
	s11 =	smul.u32 $0x28000, s21  }
0x8: {  	s31 =	sshll.u32 s21, $0x6;
	_ =	strace $0x8000004A;
	s7 =	smul.u32 $0xA0000, s5  }
0x9: {  	s16 =	sshll.u32 s5, $0x4;
	s5 =	ssub.s32 $0x2, s5;
	s23 =	sadd.s32 s22, s8  }
0xa: {  	s6 =	sshrl.u32 s1, $0x3;
	s19 =	sor.u32 s21, s16;
	s18 =	sshrl.u32 s5, $0x1  }
0xb: {  	s25 =	sadd.s32 $0x9C00, s23;
	s22 =	sadd.s32 s1, s2;
	s11 =	sshrl.u32 s11, $0x2  }
0xc: {  	s26 =	sadd.s32 s1, s3;
	s21 =	sor.u32 $0x1C03, s31;
	s10 =	sadd.s32 s6, s0  }
0xd: {  	s7 =	sadd.s32 s1, s7;
	s9 =	smul.u32 $0x2700, s19;
	s14 =	ssub.s32 s5, s18  }
0xe: {  	p0 =	slt.u32 s19, $0x4;
	s5 =	simm.s32 $0x4F;
	[dreg:$0x5] =	wrdreg s25  }
0xf: {  	s11 =	sadd.s32 s11, s3;
	s22 =	sshrl.u32 s22, $0x3;
	s25 =	sshrl.u32 s26, $0x3  }
0x10: {  	s17 =	sshrl.u32 s7, $0x3;
	s5 =	simm.s32 @!p0 $0x4E;
	s10 =	sadd.s32 $0x8EE00, s10  }
0x11: {  	s12 =	simm.s32 @!p0 $0x4D;
	s14 =	smax.u32 s14, $0x1;
	s15 =	sadd.s32 $0x2000, s11  }
0x12: {  	s16 =	sadd.s32 $0x4000, s11;
	s18 =	sadd.s32 $0x8000, s11;
	p0 =	sgt.u32 s19, $0x3  }
0x13: {  	s19 =	simm.s32 $0x3;
	s0 =	sadd.s32 s17, s0;
	s20 =	sshrl.u32 s9, $0x3  }
0x14: {  	s9 =	sadd.s32 $0x13840, s23;
	s17 =	sadd.s32 $0x6000, s11;
	s6 =	sadd.s32 s8, s20  }
0x15: {  	s23 =	simm.s32 $0x18F00;
	s13 =	sadd.s32 $0xA2E00, s0;
	s24 =	sadd.s32 $0x9C40, s6  }
0x16: {  	v0 =	vimm.f32 $0.0e+00;
	s20 =	simm.s32 $0x2780;
	[dreg:$0x4] =	wrdreg s24;
	s24 =	simm.s32 $0x80  }
.LBB2_1:
0x17: {  	[tilespmem:s4], [sflag:$0x3] =	stream.linear.gather [hbm4b:s6+s4], $0x2700, $0x38;
	[tilespmem:$0x1CF00] =	vst v63  }
0x18: {  	_ =	swait.ge [sflag:s19], $0x2700  }
0x19: {  	[sflag:s19] =	ssyncset.done $0x0  }
0x1a: {  	s0 =	rddreg [dreg:$0x4];
	[sflag:s19] =	ssyncadd.s32 $0xFFFFD900  }
0x1b: {  	[tilespmem:s20], [sflag:$0x3] =	stream.linear.gather [hbm4b:s0+s4], $0x2700, $0x38;
	[tilespmem:$0x1CF00] =	vst v63  }
0x1c: {  	_ =	swait.ge [sflag:s19], $0x2700  }
0x1d: {  	s1 =	simm.s32 @!p0 $0x2700;
	[sflag:s19] =	ssyncset.done $0x0  }
0x1e: {  	s0 =	simm.s32 @!p0 $0x0;
	s7 =	rddreg [dreg:$0x5];
	[sflag:s19] =	ssyncadd.s32 $0xFFFFD900  }
0x1f: {  	[tilespmem:s1], [sflag:$0x3] =	stream.linear.gather @!p0 [hbm4b:s7+s0], $0x80, $0x38;
	[tilespmem:$0x1CF00] =	vst v63  }
0x20: {  	s1 =	simm.s32 @!p0 $0x3  }
0x21: {  	_ =	swait.ge @!p0 [sflag:s1], $0x80  }
0x22: {  	[sflag:s1] =	ssyncset.done @!p0 $0x0  }
0x23: {  	s31 =	simm.s32 @!p0 $0x4E80;
	[sflag:s1] =	ssyncadd.s32 @!p0 $0xFFFFFF80  }
0x24: {  	[tilespmem:s31], [sflag:$0x3] =	stream.linear.gather @!p0 [hbm4b:s9+s0], $0x80, $0x38;
	[tilespmem:$0x1CF00] =	vst v63  }
0x25: {  	_ =	swait.ge @!p0 [sflag:s1], $0x80  }
0x26: {  	[sflag:s1] =	ssyncset.done @!p0 $0x0  }
0x27: {  	[sflag:s1] =	ssyncadd.s32 @!p0 $0xFFFFFF80  }
0x28: {  	[spmem:s22], [sflag:s21] =	dma.local [hbm:s10], $0x1400  }
0x29: {  	_ =	swait.ge [sflag:s19], $0x1400  }
0x2a: {  	[sflag:s19] =	ssyncset.done $0x0  }
0x2b: {  	s0 =	simm.s32 $0x0;
	s1 =	simm.s32 $0x100;
	[sflag:s19] =	ssyncadd.s32 $0xFFFFEC00  }
.LBB2_2:
0x2c: {  	p1 =	sne.s32 s1, $0x7F00;
	[tilespmem:s0+$0x18F30] =	vst v0;
	s31 =	smov.u32 s1;
	s1 =	sadd.s32 $0x100, s1  }
.Ltmp0:
0x2d: {  	[tilespmem:s0+$0x18F20] =	vst v0;
	(pc) =	sbr.rel @p1 .LBB2_2-.Ltmp0, $3  }
0x2e: {  	[tilespmem:s0+$0x18F00] =	vst v0  }
0x2f: {  	[tilespmem:s0+$0x18F10] =	vst v0;
	_ =	sdelay $0x1  }
0x30: {  	s0 =	sshra.s32 s31, $0x2  }
0x31: {  	[tilespmem:s0+$0x18F30] =	vst v0  }
0x32: {  	[tilespmem:s0+$0x18F20] =	vst v0  }
0x33: {  	[tilespmem:s0+$0x18F00] =	vst v0  }
0x34: {  	[tilespmem:s0+$0x18F10] =	vst v0  }
0x35: {  	[spmem:s11] =	stream.linear.scatter [tilespmem:s23], [sflag:$0x3], $0x2000, $0x38;
	[tilespmem:$0x1CF00] =	vst v63  }
0x36: {  	_ =	swait.ge [sflag:s19], $0x2000  }
0x37: {  	[sflag:s19] =	ssyncset.done $0x0  }
0x38: {  	[sflag:s19] =	ssyncadd.s32 $0xFFFFE000  }
0x39: {  	[spmem:s15] =	stream.linear.scatter [tilespmem:s23], [sflag:$0x3], $0x2000, $0x38;
	[tilespmem:$0x1CF00] =	vst v63  }
0x3a: {  	_ =	swait.ge [sflag:s19], $0x2000  }
0x3b: {  	[sflag:s19] =	ssyncset.done $0x0  }
0x3c: {  	[sflag:s19] =	ssyncadd.s32 $0xFFFFE000  }
0x3d: {  	[spmem:s16] =	stream.linear.scatter [tilespmem:s23], [sflag:$0x3], $0x2000, $0x38;
	[tilespmem:$0x1CF00] =	vst v63  }
0x3e: {  	_ =	swait.ge [sflag:s19], $0x2000  }
0x3f: {  	[sflag:s19] =	ssyncset.done $0x0  }
0x40: {  	[sflag:s19] =	ssyncadd.s32 $0xFFFFE000  }
0x41: {  	[spmem:s17] =	stream.linear.scatter [tilespmem:s23], [sflag:$0x3], $0x2000, $0x38;
	[tilespmem:$0x1CF00] =	vst v63  }
0x42: {  	_ =	swait.ge [sflag:s19], $0x2000  }
0x43: {  	[sflag:s19] =	ssyncset.done $0x0  }
0x44: {  	[sflag:s19] =	ssyncadd.s32 $0xFFFFE000  }
0x45: {  	[spmem:s18] =	stream.linear.scatter [tilespmem:s23], [sflag:$0x3], $0x2000, $0x38;
	[tilespmem:$0x1CF00] =	vst v63  }
0x46: {  	_ =	swait.ge [sflag:s19], $0x2000  }
0x47: {  	[sflag:s19] =	ssyncset.done $0x0  }
0x48: {  	[sflag:s19] =	ssyncadd.s32 $0xFFFFE000  }
0x49: {  	s26 =	simm.s32 $0x1;
	[bflag:$0x0] =	sbarrier.arrive $0xFFFF  }
0x4a: {  	[tilespmem:s23], [sflag:$0x1] =	stream.indirect.gather [spmem:s2], $0x40, s4, s24, $0xb8;
	[tilespmem:$0x1CF00] =	vst v63  }
0x4b: {  	_ =	swait.ge [sflag:s26], $0x2000  }
0x4c: {  	[sflag:s26] =	ssyncset.done $0x0  }
0x4d: {  	s1 =	simm.s32 $0x1AF00;
	[sflag:s26] =	ssyncadd.s32 $0xFFFFE000  }
0x4e: {  	[tilespmem:s1], [sflag:$0x1] =	stream.indirect.gather [spmem:s2], $0x40, s24, s24, $0xb8;
	[tilespmem:$0x1CF00] =	vst v63  }
0x4f: {  	_ = 	snop  }
0x50: {  	[spmem:s3] =	stream.indirect.scatter.add.f32 [tilespmem:s23], [sflag:$0x2], $0x40, s20, s24, $0xb8;
	[tilespmem:$0x1CF00] =	vst v63  }
0x51: {  	_ =	swait.ge [sflag:s28], $0x2000  }
0x52: {  	p1 =	sle.u32 s12, $0x1;
	s0 =	sand.u32 $0x1, s26;
	[sflag:s28] =	ssyncset.done $0x0  }
0x53: {  	s31 =	sshll.u32 @!p1 s0, $0xD;
	[sflag:s28] =	ssyncadd.s32 $0xFFFFE000  }
0x54: {  	s31 =	sxor.u32 @!p1 $0x2000, s31;
	_ =	swait.ge [sflag:s29], $0x2000  }
0x55: {  	s31 =	sor.u32 @!p1 $0x18F00, s31;
	[sflag:s29] =	ssyncset.done $0x0  }
0x56: {  	s26 =	simm.s32 @!p1 $0x80;
	s1 =	simm.s32 $0x100;
	[sflag:s29] =	ssyncadd.s32 $0xFFFFE000  }
0x57: {  	[tilespmem:s31], [sflag:$0x1] =	stream.indirect.gather @!p1 [spmem:s2], $0x40, s1, s26, $0xb8;
	[tilespmem:$0x1CF00] =	vst v63  }
0x58: {  	p1 =	sne.s32 s5, $0x2  }
.Ltmp1:
0x59: {  	_ = 	snop;
	(pc) =	sbr.rel @!p1 .LBB2_5-.Ltmp1, $4  }
0x5a: {  	s0 =	sshll.u32 s0, $0xD  }
0x5b: {  	s0 =	sor.u32 $0x18F00, s0;
	s31 =	simm.s32 $0x2800  }
0x5c: {  	[spmem:s3] =	stream.indirect.scatter.add.f32 [tilespmem:s0], [sflag:$0x2], $0x40, s31, s24, $0xb8;
	[tilespmem:$0x1CF00] =	vst v63  }
0x5d: {  	s1 =	simm.s32 $0x180;
	s0 =	simm.s32 $0x2  }
.LBB2_4:
0x5e: {  	_ =	swait.ge [sflag:s28], $0x2000  }
0x5f: {  	s31 =	sadd.s32 $0x80, s31;
	s26 =	smov.u32 s0;
	s0 =	sadd.s32 $0x1, s0  }
0x60: {  	[sflag:s28] =	ssyncset.done $0x0;
	p1 =	sne.s32 s5, s0  }
0x61: {  	s7 =	sand.u32 $0x1, s26;
	p2 =	sge.u32 s26, s12;
	[sflag:s28] =	ssyncadd.s32 $0xFFFFE000  }
0x62: {  	s26 =	sshll.u32 s7, $0xD;
	s7 =	sshll.u32 @!p2 s7, $0xD;
	_ =	swait.ge [sflag:s29], $0x2000  }
.Ltmp2:
0x63: {  	s7 =	sxor.u32 @!p2 $0x2000, s7;
	[sflag:s29] =	ssyncset.done $0x0;
	(pc) =	sbr.rel @p1 .LBB2_4-.Ltmp2, $4  }
0x64: {  	s8 =	simm.s32 @!p2 $0x80;
	s7 =	sor.u32 @!p2 $0x18F00, s7;
	[sflag:s29] =	ssyncadd.s32 $0xFFFFE000  }
0x65: {  	[tilespmem:s7], [sflag:$0x1] =	stream.indirect.gather @!p2 [spmem:s2], $0x40, s1, s8, $0xb8;
	[tilespmem:$0x1CF00] =	vst v63  }
0x66: {  	s7 =	sor.u32 $0x18F00, s26;
	s1 =	sadd.s32 $0x80, s1  }
0x67: {  	[spmem:s3] =	stream.indirect.scatter.add.f32 [tilespmem:s7], [sflag:$0x2], $0x40, s31, s24, $0xb8;
	[tilespmem:$0x1CF00] =	vst v63  }
.LBB2_5:
0x68: {  	_ =	swait.ge [sflag:s29], $0x2000  }
0x69: {  	s30 =	sadd.s32 $0x1, s30;
	[sflag:s29] =	ssyncset.done $0x0  }
0x6a: {  	p1 =	sne.s32 s30, s14;
	[sflag:s29] =	ssyncadd.s32 $0xFFFFE000  }
.Ltmp3:
0x6b: {  	[bflag:$0x0] =	sbarrier.arrive $0xFFFF;
	(pc) =	sbr.rel @p1 .LBB2_1-.Ltmp3, $4  }
0x6c: {  	[hbm:s13], [sflag:s21] =	dma.local [spmem:s25], $0x1400  }
0x6d: {  	_ =	swait.ge [sflag:s19], $0x1400  }
0x6e: {  	[sflag:s19] =	ssyncset.done $0x0  }
0x6f: {  	[sflag:s19] =	ssyncadd.s32 $0xFFFFEC00  }
0x70: {  	_ =	sfence.sel $0x180000  }
0x71: {  	[bflag:$0x0] =	sbarrier.arrive $0xFFFF  }
0x72: {  	_ =	strace $0x9000004A  }
0x73: {  	s0 =	stileid.u32;
	[bflag:$0x2] =	sbarrier.arrive $0xFFFF  }
0x74: {  	p0 =	sne.s32 s0, $0x0;
	s0 =	rddreg [dreg:$0x3]  }
0x75: {  	s0 =	sadd.s32 @!p0 $0x100000, s0  }
0x76: {  	[sflag:s0] =	ssyncadd.tile.s32 @!p0 $0x1;
	_ =	shalt  }
.Lfunc_end2:
_tile_overlayer_lowered:
.L_overlay_start_2:
0x77: {  	(tag) =	ssettag $0x2  }
0x78: {  	s0 =	rddreg [dreg:$0x0];
	s2 =	stileid.u32  }
0x79: {  	s1 =	rddreg [dreg:$0x1];
	p0 =	sne.s32 s2, $0x0  }
0x7a: {  	s3 =	rddreg [dreg:$0x2];
	[bflag:$0x3] =	sbarrier.arrive $0xFFFF;
	s2 =	simm.s32 @!p0 $0x1C03  }
0x7b: {  	[timem:s3], [sflag:s2] =	dma.local @!p0 [hbm:s0], s1  }
0x7c: {  	s0 =	simm.s32 @!p0 $0x3  }
0x7d: {  	_ =	swait.ge @!p0 [sflag:s0], s1  }
0x7e: {  	s1 =	ssub.s32 @!p0 $0x0, s1;
	[sflag:s0] =	ssyncset.done @!p0 $0x0  }
0x7f: {  	[sflag:s0] =	ssyncadd.s32 @!p0 s1  }
0x80: {  	[bflag:$0x3] =	sbarrier.arrive $0xFFFF  }
0x81: {  	_ =	shalt  }

// kernel: kernel.15.cloned.1.call-start
scs
__scs_entry_jumppad:
0x0: {  	(pc) =	sbr.rel $0x88, $3  }
0x1: {  	(tag) =	ssettag $0x0;
	lr =	simm.s32 $0x1  }
0x2: {  	[smem:$0x3F99] =	sst lr;
	_ =	strace $0xD0000000  }
0x3: {  	_ = 	snop  }
0x4: {  	_ = 	snop  }
0x5: {  	_ = 	snop  }
0x6: {  	_ = 	snop  }
0x7: {  	_ = 	snop  }
__scs_overlays_trampoline_lowered:
0x8: {  	[smem:$0x3FA8] =	sst s0  }
0x9: {  	[smem:$0x3FA9] =	sst s1  }
0xa: {  	[smem:$0x3FAA] =	sst s2  }
0xb: {  	[smem:$0x3FAB] =	sst s3  }
0xc: {  	[smem:$0x3FAC] =	sst s4  }
0xd: {  	[smem:$0x3FAD] =	sst s5  }
0xe: {  	[smem:$0x3FAE] =	sst s6  }
0xf: {  	[smem:$0x3FAF] =	sst s7  }
0x10: {  	[smem:$0x3FB0] =	sst s8  }
0x11: {  	[smem:$0x3FB1] =	sst s9;
	s0 =	simm.s32 @!p0 $0x0  }
0x12: {  	s1 =	sld [smem:$0x3F97];
	s0 =	simm.s32 @p0 $0x1  }
0x13: {  	[smem:$0x3FB2] =	sst s0;
	s0 =	simm.s32 @!p1 $0x0  }
0x14: {  	s2 =	sld [smem:$0x3F96];
	s0 =	simm.s32 @p1 $0x1  }
0x15: {  	[smem:$0x3FB3] =	sst s0;
	s0 =	simm.s32 @!p2 $0x0  }
0x16: {  	s3 =	sld [smem:$0x3FDB];
	s0 =	simm.s32 @p2 $0x1  }
0x17: {  	s4 =	simm.s32 $0x1BF5;
	[smem:$0x3FB5] =	sst s0  }
0x18: {  	s0 =	sld [smem:$0x3F98];
	_ =	swait.ge [sflag:s4], $0x0  }
0x19: {  	s7 =	sld [smem:$0x3F99]  }
0x1a: {  	s8 =	sadd.s32 $0xFFFFE003, lr  }
0x1b: {  	s9 =	sadd.s32 $0xFFFFFEF7, lr;
	s5 =	simm.s32 $0xFFFFFFFF;
	p2 =	slt.u32 s8, $0xFFFFF086  }
0x1c: {  	p1 =	slt.u32 s9, $0xF7A;
	s5 =	simm.s32 @!p2 $0x0  }
0x1d: {  	s5 =	simm.s32 @p1 $0x1;
	p0 =	seq.s32 s7, s2  }
0x1e: {  	s7 =	smul.u32 @!p0 $0xF7A, s2;
	p2 =	seq.s32 @!p0 s5, $0x0  }
0x1f: {  	s9 =	smul.u32 $0xF7A, s1;
	s8 =	simm.s32 @!p0 $0x1BF5;
	p2 =	por !p2, p0  }
0x20: {  	[sflag:s8] =	ssyncset.s32 @!p0 $0xFFFFF086;
	s6 =	sadd.s32 @!p0 s3, s7;
	s7 =	simm.s32 @!p0 $0x108  }
0x21: {  	s3 =	sadd.s32 s3, s9;
	s6 =	sadd.s32 @!p0 $0x88, s6;
	s7 =	simm.s32 @p2 $0x1082  }
0x22: {  	[simem:s7], [sflag:s8] =	dma.local @!p0 [hbm:s6], $0xF7A  }
0x23: {  	s9 =	sor.u32 $0xD0000000, s2;
	s6 =	simm.s32 $0x108;
	_ =	swait.ge @!p0 [sflag:s8], $0x0  }
0x24: {  	s3 =	sadd.s32 $0x88, s3;
	s6 =	simm.s32 @!p1 $0x1082;
	[sflag:s4] =	ssyncset.s32 $0xFFFFF086  }
0x25: {  	[simem:s6], [sflag:s4] =	dma.local [hbm:s3], $0xF7A  }
0x26: {  	[smem:$0x3F99] =	sst s1;
	(tag) =	ssettag s2;
	_ =	strace s9  }
0x27: {  	s1 =	sld [smem:$0x3FA9]  }
0x28: {  	s2 =	sld [smem:$0x3FAA]  }
0x29: {  	s4 =	sld [smem:$0x3FAC]  }
0x2a: {  	p0 =	seq.s32 s5, $0x0;
	s5 =	sld [smem:$0x3FAD]  }
0x2b: {  	s6 =	sld [smem:$0x3FAE]  }
0x2c: {  	s7 =	sld [smem:$0x3FAF]  }
0x2d: {  	s3 =	simm.s32 $0x108;
	s8 =	sld [smem:$0x3FB0]  }
0x2e: {  	s3 =	simm.s32 @!p0 $0x1082;
	s9 =	sld [smem:$0x3FB1]  }
0x2f: {  	lr =	sadd.s32 s0, s3;
	s0 =	sld [smem:$0x3FA8]  }
0x30: {  	s3 =	sld [smem:$0x3FAB]  }
0x31: {  	[smem:$0x3FB4] =	sst s10  }
0x32: {  	s10 =	sld [smem:$0x3FB2];
	_ =	sdelay $0x3  }
0x33: {  	p0 =	seq.s32 s10, $0x1;
	s10 =	sld [smem:$0x3FB4];
	_ =	sdelay $0x3  }
0x34: {  	[smem:$0x3FB4] =	sst s10  }
0x35: {  	s10 =	sld [smem:$0x3FB3];
	_ =	sdelay $0x3  }
0x36: {  	p1 =	seq.s32 s10, $0x1;
	s10 =	sld [smem:$0x3FB4];
	_ =	sdelay $0x3  }
0x37: {  	[smem:$0x3FB4] =	sst s10  }
0x38: {  	s10 =	sld [smem:$0x3FB5]  }
0x39: {  	_ = 	snop;
	(pc) =	sbr.ind lr, $3  }
0x3a: {  	_ = 	snop  }
0x3b: {  	_ = 	snop  }
0x3c: {  	p2 =	seq.s32 s10, $0x1;
	s10 =	sld [smem:$0x3FB4]  }
0x3d: {  	_ =	shalt  }
0x3e: {  	_ =	shalt  }
0x3f: {  	_ =	shalt  }
0x40: {  	_ =	shalt  }
0x41: {  	_ =	shalt  }
0x42: {  	_ =	shalt  }
0x43: {  	_ =	shalt  }
0x44: {  	_ =	shalt  }
0x45: {  	_ =	shalt  }
0x46: {  	_ =	shalt  }
0x47: {  	_ =	shalt  }
0x48: {  	_ =	shalt  }
0x49: {  	_ =	shalt  }
0x4a: {  	_ =	shalt  }
0x4b: {  	_ =	shalt  }
0x4c: {  	_ =	shalt  }
0x4d: {  	_ =	shalt  }
0x4e: {  	_ =	shalt  }
0x4f: {  	_ =	shalt  }
0x50: {  	_ =	shalt  }
0x51: {  	_ =	shalt  }
0x52: {  	_ =	shalt  }
0x53: {  	_ =	shalt  }
0x54: {  	_ =	shalt  }
0x55: {  	_ =	shalt  }
0x56: {  	_ =	shalt  }
0x57: {  	_ =	shalt  }
0x58: {  	_ =	shalt  }
0x59: {  	_ =	shalt  }
0x5a: {  	_ =	shalt  }
0x5b: {  	_ =	shalt  }
0x5c: {  	_ =	shalt  }
0x5d: {  	_ =	shalt  }
0x5e: {  	_ =	shalt  }
0x5f: {  	_ =	shalt  }
0x60: {  	_ =	shalt  }
0x61: {  	_ =	shalt  }
0x62: {  	_ =	shalt  }
0x63: {  	_ =	shalt  }
0x64: {  	_ =	shalt  }
0x65: {  	_ =	shalt  }
0x66: {  	_ =	shalt  }
0x67: {  	_ =	shalt  }
0x68: {  	_ =	shalt  }
0x69: {  	_ =	shalt  }
0x6a: {  	_ =	shalt  }
0x6b: {  	_ =	shalt  }
0x6c: {  	_ =	shalt  }
0x6d: {  	_ =	shalt  }
0x6e: {  	_ =	shalt  }
0x6f: {  	_ =	shalt  }
0x70: {  	_ =	shalt  }
0x71: {  	_ =	shalt  }
0x72: {  	_ =	shalt  }
0x73: {  	_ =	shalt  }
0x74: {  	_ =	shalt  }
0x75: {  	_ =	shalt  }
0x76: {  	_ =	shalt  }
0x77: {  	_ =	shalt  }
0x78: {  	_ =	shalt  }
0x79: {  	_ =	shalt  }
0x7a: {  	_ =	shalt  }
0x7b: {  	_ =	shalt  }
0x7c: {  	_ =	shalt  }
0x7d: {  	_ =	shalt  }
0x7e: {  	_ =	shalt  }
0x7f: {  	_ =	shalt  }
0x80: {  	_ =	shalt  }
0x81: {  	_ =	shalt  }
0x82: {  	_ =	shalt  }
0x83: {  	_ =	shalt  }
0x84: {  	_ =	shalt  }
0x85: {  	_ =	shalt  }
0x86: {  	_ =	shalt  }
0x87: {  	_ =	shalt  }
.Lfunc_end0:
.L_simem_size_0:
called_computation.2_lowered:
.L_overlay_start_0:
0x88: {  	s2 =	sld [smem:$0x3FD9]  }
0x89: {  	s3 =	sld [smem:$0x3FFE];
	_ =	sdelay $0x1  }
0x8a: {  	s1 =	srdreg.scid  }
0x8b: {  	s0 =	sand.u32 $0x1, s1  }
0x8c: {  	s16 =	sshll.u32 s0, $0xA;
	s2 =	sadd.s32 s3, s2  }
0x8d: {  	s2 =	sadd.s32 s2, s16  }
0x8e: {  	[smem:$0x3FC0] =	sst s2  }
0x8f: {  	_ = 	snop  }
0x90: {  	(tm) =	ssettm $0x1  }
0x91: {  	s17 =	sld [smem:$0x3FFB];
	_ =	sdelay $0x3  }
0x92: {  	_ =	strace s17  }
0x93: {  	s2 =	sld [smem:$0x3FFC];
	_ =	sdelay $0x3  }
0x94: {  	_ =	strace s2  }
0x95: {  	s2 =	sld [smem:$0x3FFD];
	_ =	sdelay $0x3  }
0x96: {  	_ =	strace s2  }
0x97: {  	_ =	strace $0x8FFFFFFF  }
0x98: {  	s18 =	sld [smem:$0x3FDB];
	_ =	sdelay $0x1  }
0x99: {  	s19 =	simm.s32 $_scs_section_size  }
0x9a: {  	s4 =	simm.s32 $_size__tile_overlayer_lowered;
	s5 =	simm.s32 $_tile_overlayer_lowered  }
0x9b: {  	s22 =	simm.s32 $0x1BFF;
	s21 =	sshll.u32 s5, $0x1;
	s2 =	sadd.s32 s19, s18  }
0x9c: {  	s6 =	simm.s32 $0x0;
	s20 =	sshll.u32 s4, $0x1;
	s4 =	sadd.s32 s21, s2  }
0x9d: {  	[timem:s6], [sflag:s22] =	dma.local [hbm:s4], s20  }
0x9e: {  	_ =	swait.ge [sflag:s22], s20  }
0x9f: {  	s3 =	ssub.s32 $0x0, s20;
	[sflag:s22] =	ssyncset.done $0x0  }
0xa0: {  	[sflag:s22] =	ssyncadd.s32 s3;
	_ =	sdelay $0x1  }
0xa1: {  	s23 =	simm.s32 $0x1B8B  }
0xa2: {  	_ =	swait.ge [sflag:s23], $0x1  }
0xa3: {  	[sflag:s23] =	ssyncset.done $0x0  }
0xa4: {  	s25 =	simm.s32 $0x1B8E;
	s24 =	sld [smem:$0x3FFE];
	[sflag:s23] =	ssyncadd.s32 $0xFFFFFFFF  }
0xa5: {  	s26 =	simm.s32 $execute0_lowered;
	[smem:$0x3FD2] =	sst s25  }
0xa6: {  	s4 =	sshll.u32 s26, $0x1;
	_ =	strace $0x8000004C;
	[dreg:$0x1] =	wrdreg $0xFFFFFFFF  }
0xa7: {  	s28 =	simm.s32 $_size_execute0_lowered;
	s2 =	sadd.s32 s2, s4;
	[dreg:$0x0] =	wrdreg $0x0  }
0xa8: {  	s4 =	sshll.u32 s28, $0x1;
	[dreg:$0x2] =	wrdreg s2  }
0xa9: {  	[dreg:$0x3] =	wrdreg s4  }
0xaa: {  	[dreg:$0x4] =	wrdreg $0xC0  }
0xab: {  	_ =	task [dreg:s6], $0x5FFFF  }
0xac: {  	[dreg:$0x1] =	wrdreg $0xFFFFFFFF  }
0xad: {  	[dreg:$0x0] =	wrdreg $0x60  }
0xae: {  	[dreg:$0x2] =	wrdreg s24  }
0xaf: {  	[dreg:$0x3] =	wrdreg $0x4F000  }
0xb0: {  	[dreg:$0x4] =	wrdreg $0xEF000  }
0xb1: {  	[dreg:$0x5] =	wrdreg $0x9  }
0xb2: {  	_ =	task.clear_ibuf [dreg:s6], $0x6FFFF;
	_ =	strace $0x9000004C  }
0xb3: {  	s29 =	simm.s32 $0x9;
	_ =	strace $0x8000004E  }
0xb4: {  	_ =	swait.ge [sflag:s29], $0x1  }
0xb5: {  	[sflag:s29] =	ssyncadd.s32 $0xFFFFFFFF  }
0xb6: {  	_ =	strace $0x9000004E  }
0xb7: {  	_ =	sfence  }
0xb8: {  	s30 =	sld [smem:$0x0];
	_ =	sdelay $0x2  }
0xb9: {  	s31 =	sshll.u32 s1, $0xD;
	s1 =	sshrl.u32 s1, $0x2  }
0xba: {  	s3 =	sand.u32 $0x4000, s31;
	s1 =	sadd.s32 s1, s30  }
0xbb: {  	s0 =	sor.u32 s3, s0;
	s1 =	sshll.u32 s1, $0x11  }
0xbc: {  	s0 =	sor.u32 s1, s0  }
0xbd: {  	s0 =	sadd.s32 $0x8F2B, s0  }
0xbe: {  	[sflag:s0] =	ssyncadd.remote.s32 $0x1  }
0xbf: {  	_ =	sfence.sel $0xFFFF  }
0xc0: {  	[dreg:$0x0] =	wrdreg $0xFFFFFFFF;
	(pc) =	sbr.abs _section_cstart, $3  }
0xc1: {  	[dreg:$0x1] =	wrdreg $0xFFFFFFFF  }
0xc2: {  	_ =	task.clear_ibuf [dreg:s6], $0x2FFFF;
	_ =	strace $0x9FFFFFFF  }
0xc3: {  	(tm) =	ssettm $0x7FFFFFFF  }
tec
execute0_lowered:
.L_overlay_start_1:
0x0: {  	(tag) =	ssettag $0x1  }
0x1: {  	s0 =	rddreg [dreg:$0x0]  }
0x2: {  	s2 =	rddreg [dreg:$0x1]  }
0x3: {  	s3 =	rddreg [dreg:$0x2];
	s21 =	stileid.u32  }
0x4: {  	s4 =	simm.s32 $0x0;
	s5 =	srdreg.scid;
	s12 =	simm.s32 $0x4E  }
0x5: {  	s28 =	simm.s32 $0x1;
	s29 =	simm.s32 $0x2;
	s30 =	simm.s32 $0x0  }
0x6: {  	s1 =	smul.u32 $0xA000, s21;
	[smem:$0x7FF] =	sst s4;
	s5 =	sand.u32 $0x1, s5  }
0x7: {  	s8 =	sadd.s32 $0x3400, s0;
	s22 =	sshll.u32 s21, $0x4;
	s11 =	smul.u32 $0x28000, s21  }
0x8: {  	s31 =	sshll.u32 s21, $0x6;
	_ =	strace $0x8000004D;
	s7 =	smul.u32 $0xA0000, s5  }
0x9: {  	s16 =	sshll.u32 s5, $0x4;
	s5 =	ssub.s32 $0x2, s5;
	s23 =	sadd.s32 s22, s8  }
0xa: {  	s6 =	sshrl.u32 s1, $0x3;
	s19 =	sor.u32 s21, s16;
	s18 =	sshrl.u32 s5, $0x1  }
0xb: {  	s25 =	sadd.s32 $0x9C00, s23;
	s22 =	sadd.s32 s1, s2;
	s11 =	sshrl.u32 s11, $0x2  }
0xc: {  	s26 =	sadd.s32 s1, s3;
	s21 =	sor.u32 $0x1C03, s31;
	s10 =	sadd.s32 s6, s0  }
0xd: {  	s7 =	sadd.s32 s1, s7;
	s9 =	smul.u32 $0x2700, s19;
	s14 =	ssub.s32 s5, s18  }
0xe: {  	p0 =	slt.u32 s19, $0x4;
	s5 =	simm.s32 $0x4F;
	[dreg:$0x5] =	wrdreg s25  }
0xf: {  	s11 =	sadd.s32 s11, s3;
	s22 =	sshrl.u32 s22, $0x3;
	s25 =	sshrl.u32 s26, $0x3  }
0x10: {  	s17 =	sshrl.u32 s7, $0x3;
	s5 =	simm.s32 @!p0 $0x4E;
	s10 =	sadd.s32 $0x66E00, s10  }
0x11: {  	s12 =	simm.s32 @!p0 $0x4D;
	s14 =	smax.u32 s14, $0x1;
	s15 =	sadd.s32 $0x2000, s11  }
0x12: {  	s16 =	sadd.s32 $0x4000, s11;
	s18 =	sadd.s32 $0x8000, s11;
	p0 =	sgt.u32 s19, $0x3  }
0x13: {  	s19 =	simm.s32 $0x3;
	s0 =	sadd.s32 s17, s0;
	s20 =	sshrl.u32 s9, $0x3  }
0x14: {  	s9 =	sadd.s32 $0x13840, s23;
	s17 =	sadd.s32 $0x6000, s11;
	s6 =	sadd.s32 s8, s20  }
0x15: {  	s23 =	simm.s32 $0x18F00;
	s13 =	sadd.s32 $0x7AE00, s0;
	s24 =	sadd.s32 $0x9C40, s6  }
0x16: {  	v0 =	vimm.f32 $0.0e+00;
	s20 =	simm.s32 $0x2780;
	[dreg:$0x4] =	wrdreg s24;
	s24 =	simm.s32 $0x80  }
.LBB2_1:
0x17: {  	[tilespmem:s4], [sflag:$0x3] =	stream.linear.gather [hbm4b:s6+s4], $0x2700, $0x38;
	[tilespmem:$0x1CF00] =	vst v63  }
0x18: {  	_ =	swait.ge [sflag:s19], $0x2700  }
0x19: {  	[sflag:s19] =	ssyncset.done $0x0  }
0x1a: {  	s0 =	rddreg [dreg:$0x4];
	[sflag:s19] =	ssyncadd.s32 $0xFFFFD900  }
0x1b: {  	[tilespmem:s20], [sflag:$0x3] =	stream.linear.gather [hbm4b:s0+s4], $0x2700, $0x38;
	[tilespmem:$0x1CF00] =	vst v63  }
0x1c: {  	_ =	swait.ge [sflag:s19], $0x2700  }
0x1d: {  	s1 =	simm.s32 @!p0 $0x2700;
	[sflag:s19] =	ssyncset.done $0x0  }
0x1e: {  	s0 =	simm.s32 @!p0 $0x0;
	s7 =	rddreg [dreg:$0x5];
	[sflag:s19] =	ssyncadd.s32 $0xFFFFD900  }
0x1f: {  	[tilespmem:s1], [sflag:$0x3] =	stream.linear.gather @!p0 [hbm4b:s7+s0], $0x80, $0x38;
	[tilespmem:$0x1CF00] =	vst v63  }
0x20: {  	s1 =	simm.s32 @!p0 $0x3  }
0x21: {  	_ =	swait.ge @!p0 [sflag:s1], $0x80  }
0x22: {  	[sflag:s1] =	ssyncset.done @!p0 $0x0  }
0x23: {  	s31 =	simm.s32 @!p0 $0x4E80;
	[sflag:s1] =	ssyncadd.s32 @!p0 $0xFFFFFF80  }
0x24: {  	[tilespmem:s31], [sflag:$0x3] =	stream.linear.gather @!p0 [hbm4b:s9+s0], $0x80, $0x38;
	[tilespmem:$0x1CF00] =	vst v63  }
0x25: {  	_ =	swait.ge @!p0 [sflag:s1], $0x80  }
0x26: {  	[sflag:s1] =	ssyncset.done @!p0 $0x0  }
0x27: {  	[sflag:s1] =	ssyncadd.s32 @!p0 $0xFFFFFF80  }
0x28: {  	[spmem:s22], [sflag:s21] =	dma.local [hbm:s10], $0x1400  }
0x29: {  	_ =	swait.ge [sflag:s19], $0x1400  }
0x2a: {  	[sflag:s19] =	ssyncset.done $0x0  }
0x2b: {  	s0 =	simm.s32 $0x0;
	s1 =	simm.s32 $0x100;
	[sflag:s19] =	ssyncadd.s32 $0xFFFFEC00  }
.LBB2_2:
0x2c: {  	p1 =	sne.s32 s1, $0x7F00;
	[tilespmem:s0+$0x18F30] =	vst v0;
	s31 =	smov.u32 s1;
	s1 =	sadd.s32 $0x100, s1  }
.Ltmp0:
0x2d: {  	[tilespmem:s0+$0x18F20] =	vst v0;
	(pc) =	sbr.rel @p1 .LBB2_2-.Ltmp0, $3  }
0x2e: {  	[tilespmem:s0+$0x18F00] =	vst v0  }
0x2f: {  	[tilespmem:s0+$0x18F10] =	vst v0;
	_ =	sdelay $0x1  }
0x30: {  	s0 =	sshra.s32 s31, $0x2  }
0x31: {  	[tilespmem:s0+$0x18F30] =	vst v0  }
0x32: {  	[tilespmem:s0+$0x18F20] =	vst v0  }
0x33: {  	[tilespmem:s0+$0x18F00] =	vst v0  }
0x34: {  	[tilespmem:s0+$0x18F10] =	vst v0  }
0x35: {  	[spmem:s11] =	stream.linear.scatter [tilespmem:s23], [sflag:$0x3], $0x2000, $0x38;
	[tilespmem:$0x1CF00] =	vst v63  }
0x36: {  	_ =	swait.ge [sflag:s19], $0x2000  }
0x37: {  	[sflag:s19] =	ssyncset.done $0x0  }
0x38: {  	[sflag:s19] =	ssyncadd.s32 $0xFFFFE000  }
0x39: {  	[spmem:s15] =	stream.linear.scatter [tilespmem:s23], [sflag:$0x3], $0x2000, $0x38;
	[tilespmem:$0x1CF00] =	vst v63  }
0x3a: {  	_ =	swait.ge [sflag:s19], $0x2000  }
0x3b: {  	[sflag:s19] =	ssyncset.done $0x0  }
0x3c: {  	[sflag:s19] =	ssyncadd.s32 $0xFFFFE000  }
0x3d: {  	[spmem:s16] =	stream.linear.scatter [tilespmem:s23], [sflag:$0x3], $0x2000, $0x38;
	[tilespmem:$0x1CF00] =	vst v63  }
0x3e: {  	_ =	swait.ge [sflag:s19], $0x2000  }
0x3f: {  	[sflag:s19] =	ssyncset.done $0x0  }
0x40: {  	[sflag:s19] =	ssyncadd.s32 $0xFFFFE000  }
0x41: {  	[spmem:s17] =	stream.linear.scatter [tilespmem:s23], [sflag:$0x3], $0x2000, $0x38;
	[tilespmem:$0x1CF00] =	vst v63  }
0x42: {  	_ =	swait.ge [sflag:s19], $0x2000  }
0x43: {  	[sflag:s19] =	ssyncset.done $0x0  }
0x44: {  	[sflag:s19] =	ssyncadd.s32 $0xFFFFE000  }
0x45: {  	[spmem:s18] =	stream.linear.scatter [tilespmem:s23], [sflag:$0x3], $0x2000, $0x38;
	[tilespmem:$0x1CF00] =	vst v63  }
0x46: {  	_ =	swait.ge [sflag:s19], $0x2000  }
0x47: {  	[sflag:s19] =	ssyncset.done $0x0  }
0x48: {  	[sflag:s19] =	ssyncadd.s32 $0xFFFFE000  }
0x49: {  	s26 =	simm.s32 $0x1;
	[bflag:$0x0] =	sbarrier.arrive $0xFFFF  }
0x4a: {  	[tilespmem:s23], [sflag:$0x1] =	stream.indirect.gather [spmem:s2], $0x40, s4, s24, $0xb8;
	[tilespmem:$0x1CF00] =	vst v63  }
0x4b: {  	_ =	swait.ge [sflag:s26], $0x2000  }
0x4c: {  	[sflag:s26] =	ssyncset.done $0x0  }
0x4d: {  	s1 =	simm.s32 $0x1AF00;
	[sflag:s26] =	ssyncadd.s32 $0xFFFFE000  }
0x4e: {  	[tilespmem:s1], [sflag:$0x1] =	stream.indirect.gather [spmem:s2], $0x40, s24, s24, $0xb8;
	[tilespmem:$0x1CF00] =	vst v63  }
0x4f: {  	_ = 	snop  }
0x50: {  	[spmem:s3] =	stream.indirect.scatter.add.f32 [tilespmem:s23], [sflag:$0x2], $0x40, s20, s24, $0xb8;
	[tilespmem:$0x1CF00] =	vst v63  }
0x51: {  	_ =	swait.ge [sflag:s28], $0x2000  }
0x52: {  	p1 =	sle.u32 s12, $0x1;
	s0 =	sand.u32 $0x1, s26;
	[sflag:s28] =	ssyncset.done $0x0  }
0x53: {  	s31 =	sshll.u32 @!p1 s0, $0xD;
	[sflag:s28] =	ssyncadd.s32 $0xFFFFE000  }
0x54: {  	s31 =	sxor.u32 @!p1 $0x2000, s31;
	_ =	swait.ge [sflag:s29], $0x2000  }
0x55: {  	s31 =	sor.u32 @!p1 $0x18F00, s31;
	[sflag:s29] =	ssyncset.done $0x0  }
0x56: {  	s26 =	simm.s32 @!p1 $0x80;
	s1 =	simm.s32 $0x100;
	[sflag:s29] =	ssyncadd.s32 $0xFFFFE000  }
0x57: {  	[tilespmem:s31], [sflag:$0x1] =	stream.indirect.gather @!p1 [spmem:s2], $0x40, s1, s26, $0xb8;
	[tilespmem:$0x1CF00] =	vst v63  }
0x58: {  	p1 =	sne.s32 s5, $0x2  }
.Ltmp1:
0x59: {  	_ = 	snop;
	(pc) =	sbr.rel @!p1 .LBB2_5-.Ltmp1, $4  }
0x5a: {  	s0 =	sshll.u32 s0, $0xD  }
0x5b: {  	s0 =	sor.u32 $0x18F00, s0;
	s31 =	simm.s32 $0x2800  }
0x5c: {  	[spmem:s3] =	stream.indirect.scatter.add.f32 [tilespmem:s0], [sflag:$0x2], $0x40, s31, s24, $0xb8;
	[tilespmem:$0x1CF00] =	vst v63  }
0x5d: {  	s1 =	simm.s32 $0x180;
	s0 =	simm.s32 $0x2  }
.LBB2_4:
0x5e: {  	_ =	swait.ge [sflag:s28], $0x2000  }
0x5f: {  	s31 =	sadd.s32 $0x80, s31;
	s26 =	smov.u32 s0;
	s0 =	sadd.s32 $0x1, s0  }
0x60: {  	[sflag:s28] =	ssyncset.done $0x0;
	p1 =	sne.s32 s5, s0  }
0x61: {  	s7 =	sand.u32 $0x1, s26;
	p2 =	sge.u32 s26, s12;
	[sflag:s28] =	ssyncadd.s32 $0xFFFFE000  }
0x62: {  	s26 =	sshll.u32 s7, $0xD;
	s7 =	sshll.u32 @!p2 s7, $0xD;
	_ =	swait.ge [sflag:s29], $0x2000  }
.Ltmp2:
0x63: {  	s7 =	sxor.u32 @!p2 $0x2000, s7;
	[sflag:s29] =	ssyncset.done $0x0;
	(pc) =	sbr.rel @p1 .LBB2_4-.Ltmp2, $4  }
0x64: {  	s8 =	simm.s32 @!p2 $0x80;
	s7 =	sor.u32 @!p2 $0x18F00, s7;
	[sflag:s29] =	ssyncadd.s32 $0xFFFFE000  }
0x65: {  	[tilespmem:s7], [sflag:$0x1] =	stream.indirect.gather @!p2 [spmem:s2], $0x40, s1, s8, $0xb8;
	[tilespmem:$0x1CF00] =	vst v63  }
0x66: {  	s7 =	sor.u32 $0x18F00, s26;
	s1 =	sadd.s32 $0x80, s1  }
0x67: {  	[spmem:s3] =	stream.indirect.scatter.add.f32 [tilespmem:s7], [sflag:$0x2], $0x40, s31, s24, $0xb8;
	[tilespmem:$0x1CF00] =	vst v63  }
.LBB2_5:
0x68: {  	_ =	swait.ge [sflag:s29], $0x2000  }
0x69: {  	s30 =	sadd.s32 $0x1, s30;
	[sflag:s29] =	ssyncset.done $0x0  }
0x6a: {  	p1 =	sne.s32 s30, s14;
	[sflag:s29] =	ssyncadd.s32 $0xFFFFE000  }
.Ltmp3:
0x6b: {  	[bflag:$0x0] =	sbarrier.arrive $0xFFFF;
	(pc) =	sbr.rel @p1 .LBB2_1-.Ltmp3, $4  }
0x6c: {  	[hbm:s13], [sflag:s21] =	dma.local [spmem:s25], $0x1400  }
0x6d: {  	_ =	swait.ge [sflag:s19], $0x1400  }
0x6e: {  	[sflag:s19] =	ssyncset.done $0x0  }
0x6f: {  	[sflag:s19] =	ssyncadd.s32 $0xFFFFEC00  }
0x70: {  	_ =	sfence.sel $0x180000  }
0x71: {  	[bflag:$0x0] =	sbarrier.arrive $0xFFFF  }
0x72: {  	_ =	strace $0x9000004D  }
0x73: {  	s0 =	stileid.u32;
	[bflag:$0x2] =	sbarrier.arrive $0xFFFF  }
0x74: {  	p0 =	sne.s32 s0, $0x0;
	s0 =	rddreg [dreg:$0x3]  }
0x75: {  	s0 =	sadd.s32 @!p0 $0x100000, s0  }
0x76: {  	[sflag:s0] =	ssyncadd.tile.s32 @!p0 $0x1;
	_ =	shalt  }
.Lfunc_end2:
_tile_overlayer_lowered:
.L_overlay_start_2:
0x77: {  	(tag) =	ssettag $0x2  }
0x78: {  	s0 =	rddreg [dreg:$0x0];
	s2 =	stileid.u32  }
0x79: {  	s1 =	rddreg [dreg:$0x1];
	p0 =	sne.s32 s2, $0x0  }
0x7a: {  	s3 =	rddreg [dreg:$0x2];
	[bflag:$0x3] =	sbarrier.arrive $0xFFFF;
	s2 =	simm.s32 @!p0 $0x1C03  }
0x7b: {  	[timem:s3], [sflag:s2] =	dma.local @!p0 [hbm:s0], s1  }
0x7c: {  	s0 =	simm.s32 @!p0 $0x3  }
0x7d: {  	_ =	swait.ge @!p0 [sflag:s0], s1  }
0x7e: {  	s1 =	ssub.s32 @!p0 $0x0, s1;
	[sflag:s0] =	ssyncset.done @!p0 $0x0  }
0x7f: {  	[sflag:s0] =	ssyncadd.s32 @!p0 s1  }
0x80: {  	[bflag:$0x3] =	sbarrier.arrive $0xFFFF  }
0x81: {  	_ =	shalt  }

// kernel: kernel.9.cloned.1.call-start
scs
__scs_entry_jumppad:
0x0: {  	(pc) =	sbr.rel $0x88, $3  }
0x1: {  	(tag) =	ssettag $0x0;
	lr =	simm.s32 $0x1  }
0x2: {  	[smem:$0x3F99] =	sst lr;
	_ =	strace $0xD0000000  }
0x3: {  	_ = 	snop  }
0x4: {  	_ = 	snop  }
0x5: {  	_ = 	snop  }
0x6: {  	_ = 	snop  }
0x7: {  	_ = 	snop  }
__scs_overlays_trampoline_lowered:
0x8: {  	[smem:$0x3FA8] =	sst s0  }
0x9: {  	[smem:$0x3FA9] =	sst s1  }
0xa: {  	[smem:$0x3FAA] =	sst s2  }
0xb: {  	[smem:$0x3FAB] =	sst s3  }
0xc: {  	[smem:$0x3FAC] =	sst s4  }
0xd: {  	[smem:$0x3FAD] =	sst s5  }
0xe: {  	[smem:$0x3FAE] =	sst s6  }
0xf: {  	[smem:$0x3FAF] =	sst s7  }
0x10: {  	[smem:$0x3FB0] =	sst s8  }
0x11: {  	[smem:$0x3FB1] =	sst s9;
	s0 =	simm.s32 @!p0 $0x0  }
0x12: {  	s1 =	sld [smem:$0x3F97];
	s0 =	simm.s32 @p0 $0x1  }
0x13: {  	[smem:$0x3FB2] =	sst s0;
	s0 =	simm.s32 @!p1 $0x0  }
0x14: {  	s2 =	sld [smem:$0x3F96];
	s0 =	simm.s32 @p1 $0x1  }
0x15: {  	[smem:$0x3FB3] =	sst s0;
	s0 =	simm.s32 @!p2 $0x0  }
0x16: {  	s3 =	sld [smem:$0x3FDB];
	s0 =	simm.s32 @p2 $0x1  }
0x17: {  	s4 =	simm.s32 $0x1BF5;
	[smem:$0x3FB5] =	sst s0  }
0x18: {  	s0 =	sld [smem:$0x3F98];
	_ =	swait.ge [sflag:s4], $0x0  }
0x19: {  	s7 =	sld [smem:$0x3F99]  }
0x1a: {  	s8 =	sadd.s32 $0xFFFFE003, lr  }
0x1b: {  	s9 =	sadd.s32 $0xFFFFFEF7, lr;
	s5 =	simm.s32 $0xFFFFFFFF;
	p2 =	slt.u32 s8, $0xFFFFF086  }
0x1c: {  	p1 =	slt.u32 s9, $0xF7A;
	s5 =	simm.s32 @!p2 $0x0  }
0x1d: {  	s5 =	simm.s32 @p1 $0x1;
	p0 =	seq.s32 s7, s2  }
0x1e: {  	s7 =	smul.u32 @!p0 $0xF7A, s2;
	p2 =	seq.s32 @!p0 s5, $0x0  }
0x1f: {  	s9 =	smul.u32 $0xF7A, s1;
	s8 =	simm.s32 @!p0 $0x1BF5;
	p2 =	por !p2, p0  }
0x20: {  	[sflag:s8] =	ssyncset.s32 @!p0 $0xFFFFF086;
	s6 =	sadd.s32 @!p0 s3, s7;
	s7 =	simm.s32 @!p0 $0x108  }
0x21: {  	s3 =	sadd.s32 s3, s9;
	s6 =	sadd.s32 @!p0 $0x88, s6;
	s7 =	simm.s32 @p2 $0x1082  }
0x22: {  	[simem:s7], [sflag:s8] =	dma.local @!p0 [hbm:s6], $0xF7A  }
0x23: {  	s9 =	sor.u32 $0xD0000000, s2;
	s6 =	simm.s32 $0x108;
	_ =	swait.ge @!p0 [sflag:s8], $0x0  }
0x24: {  	s3 =	sadd.s32 $0x88, s3;
	s6 =	simm.s32 @!p1 $0x1082;
	[sflag:s4] =	ssyncset.s32 $0xFFFFF086  }
0x25: {  	[simem:s6], [sflag:s4] =	dma.local [hbm:s3], $0xF7A  }
0x26: {  	[smem:$0x3F99] =	sst s1;
	(tag) =	ssettag s2;
	_ =	strace s9  }
0x27: {  	s1 =	sld [smem:$0x3FA9]  }
0x28: {  	s2 =	sld [smem:$0x3FAA]  }
0x29: {  	s4 =	sld [smem:$0x3FAC]  }
0x2a: {  	p0 =	seq.s32 s5, $0x0;
	s5 =	sld [smem:$0x3FAD]  }
0x2b: {  	s6 =	sld [smem:$0x3FAE]  }
0x2c: {  	s7 =	sld [smem:$0x3FAF]  }
0x2d: {  	s3 =	simm.s32 $0x108;
	s8 =	sld [smem:$0x3FB0]  }
0x2e: {  	s3 =	simm.s32 @!p0 $0x1082;
	s9 =	sld [smem:$0x3FB1]  }
0x2f: {  	lr =	sadd.s32 s0, s3;
	s0 =	sld [smem:$0x3FA8]  }
0x30: {  	s3 =	sld [smem:$0x3FAB]  }
0x31: {  	[smem:$0x3FB4] =	sst s10  }
0x32: {  	s10 =	sld [smem:$0x3FB2];
	_ =	sdelay $0x3  }
0x33: {  	p0 =	seq.s32 s10, $0x1;
	s10 =	sld [smem:$0x3FB4];
	_ =	sdelay $0x3  }
0x34: {  	[smem:$0x3FB4] =	sst s10  }
0x35: {  	s10 =	sld [smem:$0x3FB3];
	_ =	sdelay $0x3  }
0x36: {  	p1 =	seq.s32 s10, $0x1;
	s10 =	sld [smem:$0x3FB4];
	_ =	sdelay $0x3  }
0x37: {  	[smem:$0x3FB4] =	sst s10  }
0x38: {  	s10 =	sld [smem:$0x3FB5]  }
0x39: {  	_ = 	snop;
	(pc) =	sbr.ind lr, $3  }
0x3a: {  	_ = 	snop  }
0x3b: {  	_ = 	snop  }
0x3c: {  	p2 =	seq.s32 s10, $0x1;
	s10 =	sld [smem:$0x3FB4]  }
0x3d: {  	_ =	shalt  }
0x3e: {  	_ =	shalt  }
0x3f: {  	_ =	shalt  }
0x40: {  	_ =	shalt  }
0x41: {  	_ =	shalt  }
0x42: {  	_ =	shalt  }
0x43: {  	_ =	shalt  }
0x44: {  	_ =	shalt  }
0x45: {  	_ =	shalt  }
0x46: {  	_ =	shalt  }
0x47: {  	_ =	shalt  }
0x48: {  	_ =	shalt  }
0x49: {  	_ =	shalt  }
0x4a: {  	_ =	shalt  }
0x4b: {  	_ =	shalt  }
0x4c: {  	_ =	shalt  }
0x4d: {  	_ =	shalt  }
0x4e: {  	_ =	shalt  }
0x4f: {  	_ =	shalt  }
0x50: {  	_ =	shalt  }
0x51: {  	_ =	shalt  }
0x52: {  	_ =	shalt  }
0x53: {  	_ =	shalt  }
0x54: {  	_ =	shalt  }
0x55: {  	_ =	shalt  }
0x56: {  	_ =	shalt  }
0x57: {  	_ =	shalt  }
0x58: {  	_ =	shalt  }
0x59: {  	_ =	shalt  }
0x5a: {  	_ =	shalt  }
0x5b: {  	_ =	shalt  }
0x5c: {  	_ =	shalt  }
0x5d: {  	_ =	shalt  }
0x5e: {  	_ =	shalt  }
0x5f: {  	_ =	shalt  }
0x60: {  	_ =	shalt  }
0x61: {  	_ =	shalt  }
0x62: {  	_ =	shalt  }
0x63: {  	_ =	shalt  }
0x64: {  	_ =	shalt  }
0x65: {  	_ =	shalt  }
0x66: {  	_ =	shalt  }
0x67: {  	_ =	shalt  }
0x68: {  	_ =	shalt  }
0x69: {  	_ =	shalt  }
0x6a: {  	_ =	shalt  }
0x6b: {  	_ =	shalt  }
0x6c: {  	_ =	shalt  }
0x6d: {  	_ =	shalt  }
0x6e: {  	_ =	shalt  }
0x6f: {  	_ =	shalt  }
0x70: {  	_ =	shalt  }
0x71: {  	_ =	shalt  }
0x72: {  	_ =	shalt  }
0x73: {  	_ =	shalt  }
0x74: {  	_ =	shalt  }
0x75: {  	_ =	shalt  }
0x76: {  	_ =	shalt  }
0x77: {  	_ =	shalt  }
0x78: {  	_ =	shalt  }
0x79: {  	_ =	shalt  }
0x7a: {  	_ =	shalt  }
0x7b: {  	_ =	shalt  }
0x7c: {  	_ =	shalt  }
0x7d: {  	_ =	shalt  }
0x7e: {  	_ =	shalt  }
0x7f: {  	_ =	shalt  }
0x80: {  	_ =	shalt  }
0x81: {  	_ =	shalt  }
0x82: {  	_ =	shalt  }
0x83: {  	_ =	shalt  }
0x84: {  	_ =	shalt  }
0x85: {  	_ =	shalt  }
0x86: {  	_ =	shalt  }
0x87: {  	_ =	shalt  }
.Lfunc_end0:
.L_simem_size_0:
called_computation_lowered:
.L_overlay_start_0:
0x88: {  	s2 =	sld [smem:$0x3FD9]  }
0x89: {  	s3 =	sld [smem:$0x3FFE];
	_ =	sdelay $0x1  }
0x8a: {  	s1 =	srdreg.scid  }
0x8b: {  	s0 =	sand.u32 $0x1, s1  }
0x8c: {  	s16 =	sshll.u32 s0, $0xA;
	s2 =	sadd.s32 s3, s2  }
0x8d: {  	s2 =	sadd.s32 s2, s16  }
0x8e: {  	[smem:$0x3FC0] =	sst s2  }
0x8f: {  	_ = 	snop  }
0x90: {  	(tm) =	ssettm $0x1  }
0x91: {  	s17 =	sld [smem:$0x3FFB];
	_ =	sdelay $0x3  }
0x92: {  	_ =	strace s17  }
0x93: {  	s2 =	sld [smem:$0x3FFC];
	_ =	sdelay $0x3  }
0x94: {  	_ =	strace s2  }
0x95: {  	s2 =	sld [smem:$0x3FFD];
	_ =	sdelay $0x3  }
0x96: {  	_ =	strace s2  }
0x97: {  	_ =	strace $0x8FFFFFFF  }
0x98: {  	s18 =	sld [smem:$0x3FDB];
	_ =	sdelay $0x1  }
0x99: {  	s19 =	simm.s32 $_scs_section_size  }
0x9a: {  	s4 =	simm.s32 $_size__tile_overlayer_lowered;
	s5 =	simm.s32 $_tile_overlayer_lowered  }
0x9b: {  	s22 =	simm.s32 $0x1BFF;
	s21 =	sshll.u32 s5, $0x1;
	s2 =	sadd.s32 s19, s18  }
0x9c: {  	s6 =	simm.s32 $0x0;
	s20 =	sshll.u32 s4, $0x1;
	s4 =	sadd.s32 s21, s2  }
0x9d: {  	[timem:s6], [sflag:s22] =	dma.local [hbm:s4], s20  }
0x9e: {  	_ =	swait.ge [sflag:s22], s20  }
0x9f: {  	s3 =	ssub.s32 $0x0, s20;
	[sflag:s22] =	ssyncset.done $0x0  }
0xa0: {  	[sflag:s22] =	ssyncadd.s32 s3;
	_ =	sdelay $0x1  }
0xa1: {  	s23 =	simm.s32 $0x1B8B  }
0xa2: {  	_ =	swait.ge [sflag:s23], $0x1  }
0xa3: {  	[sflag:s23] =	ssyncset.done $0x0  }
0xa4: {  	s25 =	simm.s32 $0x1B8E;
	s24 =	sld [smem:$0x3FFE];
	[sflag:s23] =	ssyncadd.s32 $0xFFFFFFFF  }
0xa5: {  	s26 =	simm.s32 $execute0_lowered;
	[smem:$0x3FD2] =	sst s25  }
0xa6: {  	s4 =	sshll.u32 s26, $0x1;
	_ =	strace $0x80000046;
	[dreg:$0x1] =	wrdreg $0xFFFFFFFF  }
0xa7: {  	s28 =	simm.s32 $_size_execute0_lowered;
	s2 =	sadd.s32 s2, s4;
	[dreg:$0x0] =	wrdreg $0x0  }
0xa8: {  	s4 =	sshll.u32 s28, $0x1;
	[dreg:$0x2] =	wrdreg s2  }
0xa9: {  	[dreg:$0x3] =	wrdreg s4  }
0xaa: {  	[dreg:$0x4] =	wrdreg $0xC0  }
0xab: {  	_ =	task [dreg:s6], $0x5FFFF  }
0xac: {  	[dreg:$0x1] =	wrdreg $0xFFFFFFFF  }
0xad: {  	[dreg:$0x0] =	wrdreg $0x60  }
0xae: {  	[dreg:$0x2] =	wrdreg s24  }
0xaf: {  	[dreg:$0x3] =	wrdreg $0x2F800  }
0xb0: {  	[dreg:$0x4] =	wrdreg $0x9  }
0xb1: {  	_ =	task.clear_ibuf [dreg:s6], $0x5FFFF;
	_ =	strace $0x90000046  }
0xb2: {  	s29 =	simm.s32 $0x9;
	_ =	strace $0x80000048  }
0xb3: {  	_ =	swait.ge [sflag:s29], $0x1  }
0xb4: {  	[sflag:s29] =	ssyncadd.s32 $0xFFFFFFFF  }
0xb5: {  	_ =	strace $0x90000048  }
0xb6: {  	_ =	sfence  }
0xb7: {  	s30 =	sld [smem:$0x0];
	_ =	sdelay $0x2  }
0xb8: {  	s31 =	sshll.u32 s1, $0xD;
	s1 =	sshrl.u32 s1, $0x2  }
0xb9: {  	s3 =	sand.u32 $0x4000, s31;
	s1 =	sadd.s32 s1, s30  }
0xba: {  	s0 =	sor.u32 s3, s0;
	s1 =	sshll.u32 s1, $0x11  }
0xbb: {  	s0 =	sor.u32 s1, s0  }
0xbc: {  	s0 =	sadd.s32 $0x8F2B, s0  }
0xbd: {  	[sflag:s0] =	ssyncadd.remote.s32 $0x1  }
0xbe: {  	_ =	sfence.sel $0xFFFF  }
0xbf: {  	[dreg:$0x0] =	wrdreg $0xFFFFFFFF;
	(pc) =	sbr.abs _section_cstart, $3  }
0xc0: {  	[dreg:$0x1] =	wrdreg $0xFFFFFFFF  }
0xc1: {  	_ =	task.clear_ibuf [dreg:s6], $0x2FFFF;
	_ =	strace $0x9FFFFFFF  }
0xc2: {  	(tm) =	ssettm $0x7FFFFFFF  }
0xc3: {  	_ =	shalt  }
tec
execute0_lowered:
.L_overlay_start_1:
0x0: {  	(tag) =	ssettag $0x1  }
0x1: {  	s4 =	rddreg [dreg:$0x0]  }
0x2: {  	s1 =	rddreg [dreg:$0x1];
	s2 =	srdreg.scid  }
0x3: {  	s0 =	rddreg [dreg:$0x2];
	s3 =	simm.s32 $0x0;
	s15 =	simm.s32 $0x2780  }
0x4: {  	s16 =	simm.s32 $0x80;
	s5 =	sand.u32 $0x1, s2;
	s2 =	stileid.u32  }
0x5: {  	s19 =	simm.s32 $0x0;
	[smem:$0x7FF] =	sst s3;
	s6 =	smul.u32 $0x28000, s5  }
0x6: {  	s7 =	sadd.s32 $0x3400, s4;
	s9 =	smul.u32 $0x2800, s2;
	_ =	strace $0x80000047  }
0x7: {  	s8 =	ssub.s32 $0x2, s5;
	s5 =	sshll.u32 s5, $0x4;
	s29 =	smul.u32 $0xA000, s2  }
0x8: {  	s30 =	sshll.u32 s2, $0x4;
	s17 =	sshll.u32 s2, $0x6;
	s10 =	sshrl.u32 s8, $0x1  }
0x9: {  	s14 =	sor.u32 s2, s5;
	s17 =	sor.u32 $0x1C01, s17;
	s6 =	sadd.s32 s9, s6  }
0xa: {  	s10 =	ssub.s32 s8, s10;
	s5 =	smul.u32 $0x2700, s14;
	p0 =	slt.u32 s14, $0x4  }
0xb: {  	s31 =	sshrl.u32 s29, $0x2;
	s18 =	sadd.s32 s9, s1;
	s6 =	sshrl.u32 s6, $0x3  }
0xc: {  	s9 =	smax.u32 s10, $0x1;
	s11 =	sadd.s32 s6, s4;
	s4 =	simm.s32 $0x4F  }
0xd: {  	s18 =	sshrl.u32 s18, $0x3;
	s5 =	sshrl.u32 s5, $0x3;
	s4 =	simm.s32 @!p0 $0x4E  }
0xe: {  	s5 =	sadd.s32 s7, s5;
	s7 =	sadd.s32 s30, s7;
	s8 =	sadd.s32 $0x16E00, s11  }
0xf: {  	p0 =	sgt.u32 s14, $0x3;
	s6 =	sadd.s32 $0x13840, s7;
	s7 =	sadd.s32 s31, s1  }
0x10: {  	s14 =	simm.s32 $0x1;
	s5 =	sadd.s32 $0x9C40, s5;
	s10 =	sadd.s32 $0x800, s7  }
0x11: {  	v0 =	vimm.f32 $0.0e+00;
	v1 =	vimm.f32 $1.000000000e+00;
	s11 =	sadd.s32 $0x1000, s7;
	s12 =	sadd.s32 $0x1800, s7;
	s13 =	sadd.s32 $0x2000, s7  }
.LBB2_1:
0x12: {  	[tilespmem:s3], [sflag:$0x1] =	stream.linear.gather [hbm4b:s5+s3], $0x2700, $0x38;
	[tilespmem:$0x5780] =	vst v63  }
0x13: {  	_ =	swait.ge [sflag:s14], $0x2700  }
0x14: {  	[sflag:s14] =	ssyncset.done $0x0  }
0x15: {  	s20 =	simm.s32 @!p0 $0x0;
	s21 =	simm.s32 @!p0 $0x2700;
	[sflag:s14] =	ssyncadd.s32 $0xFFFFD900  }
0x16: {  	[tilespmem:s21], [sflag:$0x1] =	stream.linear.gather @!p0 [hbm4b:s6+s20], $0x80, $0x38;
	[tilespmem:$0x5780] =	vst v63  }
0x17: {  	s20 =	simm.s32 @!p0 $0x1  }
0x18: {  	_ =	swait.ge @!p0 [sflag:s20], $0x80  }
0x19: {  	[sflag:s20] =	ssyncset.done @!p0 $0x0  }
0x1a: {  	s21 =	simm.s32 $0x0;
	[sflag:s20] =	ssyncadd.s32 @!p0 $0xFFFFFF80;
	s20 =	simm.s32 $0x40  }
.LBB2_2:
0x1b: {  	p1 =	sne.s32 s20, $0x1FC0;
	[tilespmem:s21+$0x2780] =	vst v0;
	s21 =	smov.u32 s20;
	s20 =	sadd.s32 $0x40, s20  }
.Ltmp0:
0x1c: {  	(pc) =	sbr.rel @p1 .LBB2_2-.Ltmp0, $2  }
0x1d: {  	_ =	sdelay $0x2  }
0x1e: {  	s21 =	sshra.s32 s21, $0x2  }
0x1f: {  	[tilespmem:s21+$0x2780] =	vst v0  }
0x20: {  	[spmem:s7] =	stream.linear.scatter [tilespmem:s15], [sflag:$0x1], $0x800, $0x38;
	[tilespmem:$0x5780] =	vst v63  }
0x21: {  	_ =	swait.ge [sflag:s14], $0x800  }
0x22: {  	[sflag:s14] =	ssyncset.done $0x0  }
0x23: {  	[sflag:s14] =	ssyncadd.s32 $0xFFFFF800  }
0x24: {  	[spmem:s10] =	stream.linear.scatter [tilespmem:s15], [sflag:$0x1], $0x800, $0x38;
	[tilespmem:$0x5780] =	vst v63  }
0x25: {  	_ =	swait.ge [sflag:s14], $0x800  }
0x26: {  	[sflag:s14] =	ssyncset.done $0x0  }
0x27: {  	[sflag:s14] =	ssyncadd.s32 $0xFFFFF800  }
0x28: {  	[spmem:s11] =	stream.linear.scatter [tilespmem:s15], [sflag:$0x1], $0x800, $0x38;
	[tilespmem:$0x5780] =	vst v63  }
0x29: {  	_ =	swait.ge [sflag:s14], $0x800  }
0x2a: {  	[sflag:s14] =	ssyncset.done $0x0  }
0x2b: {  	[sflag:s14] =	ssyncadd.s32 $0xFFFFF800  }
0x2c: {  	[spmem:s12] =	stream.linear.scatter [tilespmem:s15], [sflag:$0x1], $0x800, $0x38;
	[tilespmem:$0x5780] =	vst v63  }
0x2d: {  	_ =	swait.ge [sflag:s14], $0x800  }
0x2e: {  	[sflag:s14] =	ssyncset.done $0x0  }
0x2f: {  	[sflag:s14] =	ssyncadd.s32 $0xFFFFF800  }
0x30: {  	[spmem:s13] =	stream.linear.scatter [tilespmem:s15], [sflag:$0x1], $0x800, $0x38;
	[tilespmem:$0x5780] =	vst v63  }
0x31: {  	_ =	swait.ge [sflag:s14], $0x800  }
0x32: {  	[sflag:s14] =	ssyncset.done $0x0  }
0x33: {  	s20 =	simm.s32 $0x40;
	s21 =	simm.s32 $0x0;
	[sflag:s14] =	ssyncadd.s32 $0xFFFFF800  }
.LBB2_4:
0x34: {  	p1 =	sne.s32 s20, $0x1FC0;
	[tilespmem:s21+$0x2780] =	vst v1;
	s21 =	smov.u32 s20;
	s20 =	sadd.s32 $0x40, s20  }
.Ltmp1:
0x35: {  	(pc) =	sbr.rel @p1 .LBB2_4-.Ltmp1, $2  }
0x36: {  	_ =	sdelay $0x2  }
0x37: {  	s21 =	sshra.s32 s21, $0x2  }
0x38: {  	p1 =	sne.s32 s4, $0x1  }
.Ltmp2:
0x39: {  	[tilespmem:s21+$0x2780] =	vst v1;
	(pc) =	sbr.rel @!p1 .LBB2_7-.Ltmp2, $4  }
0x3a: {  	s20 =	simm.s32 $0x0;
	[bflag:$0x0] =	sbarrier.arrive $0xFFFF  }
0x3b: {  	[spmem:s1] =	stream.indirect.scatter.add.f32 [tilespmem:s15], [sflag:$0x1], $0x10, s20, s16, $0xb8;
	[tilespmem:$0x5780] =	vst v63  }
0x3c: {  	_ =	swait.ge [sflag:s14], $0x800  }
0x3d: {  	s21 =	sadd.s32 $0xFFFFFFFF, s4;
	[sflag:s14] =	ssyncset.done $0x0  }
.LBB2_6:
0x3e: {  	p1 =	sne.s32 s21, $0x1;
	[sflag:s14] =	ssyncadd.s32 $0xFFFFF800;
	s20 =	sadd.s32 $0x80, s20  }
.Ltmp3:
0x3f: {  	s21 =	sadd.s32 $0xFFFFFFFF, s21;
	(pc) =	sbr.rel @p1 .LBB2_6-.Ltmp3, $4  }
0x40: {  	_ = 	snop  }
0x41: {  	[spmem:s1] =	stream.indirect.scatter.add.f32 [tilespmem:s15], [sflag:$0x1], $0x10, s20, s16, $0xb8;
	[tilespmem:$0x5780] =	vst v63  }
0x42: {  	_ =	swait.ge [sflag:s14], $0x800  }
0x43: {  	[sflag:s14] =	ssyncset.done $0x0  }
.LBB2_7:
0x44: {  	s19 =	sadd.s32 $0x1, s19  }
0x45: {  	[sflag:s14] =	ssyncadd.s32 $0xFFFFF800;
	p1 =	sne.s32 s19, s9  }
.Ltmp4:
0x46: {  	[bflag:$0x0] =	sbarrier.arrive $0xFFFF;
	(pc) =	sbr.rel @p1 .LBB2_1-.Ltmp4, $4  }
0x47: {  	[hbm:s8], [sflag:s17] =	dma.local [spmem:s18], $0x500  }
0x48: {  	_ =	swait.ge [sflag:s14], $0x500  }
0x49: {  	[sflag:s14] =	ssyncset.done $0x0  }
0x4a: {  	[sflag:s14] =	ssyncadd.s32 $0xFFFFFB00  }
0x4b: {  	_ =	sfence.sel $0x180000  }
0x4c: {  	[bflag:$0x0] =	sbarrier.arrive $0xFFFF  }
0x4d: {  	p0 =	sne.s32 s2, $0x0;
	_ =	strace $0x90000047  }
0x4e: {  	s0 =	sadd.s32 @!p0 $0x100000, s0;
	[bflag:$0x2] =	sbarrier.arrive $0xFFFF  }
0x4f: {  	[sflag:s0] =	ssyncadd.tile.s32 @!p0 $0x1;
	_ =	shalt  }
.Lfunc_end2:
_tile_overlayer_lowered:
.L_overlay_start_2:
0x50: {  	(tag) =	ssettag $0x2  }
0x51: {  	s0 =	rddreg [dreg:$0x0];
	s2 =	stileid.u32  }
0x52: {  	s1 =	rddreg [dreg:$0x1];
	p0 =	sne.s32 s2, $0x0  }
0x53: {  	s3 =	rddreg [dreg:$0x2];
	[bflag:$0x3] =	sbarrier.arrive $0xFFFF;
	s2 =	simm.s32 @!p0 $0x1C01  }
0x54: {  	[timem:s3], [sflag:s2] =	dma.local @!p0 [hbm:s0], s1  }
0x55: {  	s0 =	simm.s32 @!p0 $0x1  }
0x56: {  	_ =	swait.ge @!p0 [sflag:s0], s1  }
0x57: {  	s1 =	ssub.s32 @!p0 $0x0, s1;
	[sflag:s0] =	ssyncset.done @!p0 $0x0  }
0x58: {  	[sflag:s0] =	ssyncadd.s32 @!p0 s1  }
0x59: {  	[bflag:$0x3] =	sbarrier.arrive $0xFFFF  }
0x5a: {  	_ =	shalt  }

</sc_bundles>
